<compile_context>
chip_gen: v7x
topology: tpu7x:2x2x1
jax: 0.10.2.dev20260603
libtpu: 0.0.44.dev20260713+nightly
codegen_flags: <defaults>
</compile_context>

<pallas_src>
import functools

import numpy as np
import jax
import jax.numpy as jnp
from jax import lax
from jax.experimental import pallas as pl
from jax.experimental.pallas import tpu as pltpu
from jax.experimental.pallas import tpu_sc as plsc

H = 0.001
Q = 3
N_COLS = 1024
N_XS = 16384

NC, NS, L = 2, 16, 16
NW = NC * NS
RPW = N_XS // NW
CR = 16
NB = 4
NCHUNK = RPW // CR
GPC = CR // L

_XE_OFF = [float(np.float32(H) * np.float32(Q - j)) for j in range(Q + 1)]

_mesh = plsc.VectorSubcoreMesh(
    core_axis_name="c", subcore_axis_name="s", num_cores=NC, num_subcores=NS
)


@functools.partial(
    pl.kernel,
    out_type=jax.ShapeDtypeStruct((N_XS, N_COLS), jnp.float32),
    mesh=_mesh,
    scratch_types=[
        pltpu.VMEM((RPW,), jnp.float32),
        pltpu.VMEM((2 * L,), jnp.float32),
        pltpu.VMEM((CR, N_COLS), jnp.float32),
        pltpu.VMEM((CR, N_COLS), jnp.float32),
        pltpu.VMEM((CR, N_COLS), jnp.float32),
        pltpu.VMEM((CR, N_COLS), jnp.float32),
        pltpu.SemaphoreType.DMA,
        pltpu.SemaphoreType.DMA,
        pltpu.SemaphoreType.DMA,
        pltpu.SemaphoreType.DMA,
    ],
    compiler_params=pltpu.CompilerParams(needs_layout_passes=False),
)
def _sc_band(xs_hbm, b_hbm, out_hbm, xs_v, b_v,
             buf0, buf1, buf2, buf3, sem0, sem1, sem2, sem3):
    wid = lax.axis_index("s") * NC + lax.axis_index("c")
    row0 = wid * RPW
    xs_cp = pltpu.async_copy(xs_hbm.at[pl.ds(row0, RPW)], xs_v, sem0)
    b_cp0 = pltpu.async_copy(b_hbm, b_v.at[pl.ds(0, L)], sem1)
    b_cp1 = pltpu.async_copy(b_hbm, b_v.at[pl.ds(L, L)], sem1)

    lanes = lax.iota(jnp.int32, L)
    zero16 = jnp.zeros((L,), jnp.float32)
    bufs = (buf0, buf1, buf2, buf3)
    sems = (sem0, sem1, sem2, sem3)

    def zero_buf(buf):
        @pl.loop(0, CR)
        def _(r):
            for ci in range(N_COLS // L):
                buf[r, pl.ds(ci * L, L)] = zero16

    zero_buf(buf0)
    xs_cp.wait()
    b_cp0.wait()
    b_cp1.wait()

    coefs = [
        [plsc.load_gather(b_v, [jnp.full((L,), L + 4 * j + p, jnp.int32)])
         for p in range(Q + 1)]
        for j in range(Q + 1)
    ]

    def group_first_i(c, g):
        off = pl.multiple_of(c * CR + g * L, L)
        x = xs_v[pl.ds(off, L)]
        fi = (x / H).astype(jnp.int32)
        return x, fi

    def fill(buf, c):
        for g in range(GPC):
            x, fi = group_first_i(c, g)
            xm = x - fi.astype(jnp.float32) * H
            rows = g * L + lanes
            for j in range(Q + 1):
                xe = xm + _XE_OFF[j]
                cj = coefs[j]
                v = ((cj[3] * xe + cj[2]) * xe + cj[1]) * xe + cj[0]
                plsc.store_scatter(buf, [rows, fi + j], v)

    def unscatter(buf, c):
        for g in range(GPC):
            _, fi = group_first_i(c, g)
            rows = g * L + lanes
            for j in range(Q + 1):
                plsc.store_scatter(buf, [rows, fi + j], zero16)

    def start_dma(s, c):
        return pltpu.async_copy(
            bufs[s], out_hbm.at[pl.ds(row0 + c * CR, CR)], sems[s]
        )

    fill(buf0, 0)
    start_dma(0, 0)
    for s in range(1, NB):
        zero_buf(bufs[s])
        fill(bufs[s], s)
        start_dma(s, s)

    @pl.loop(1, NCHUNK // NB)
    def _(cc):
        for s in range(NB):
            c = cc * NB + s
            pltpu.make_async_copy(
                bufs[s], out_hbm.at[pl.ds(row0 + (c - NB) * CR, CR)], sems[s]
            ).wait()
            unscatter(bufs[s], c - NB)
            fill(bufs[s], c)
            start_dma(s, c)

    for s in range(NB):
        pltpu.make_async_copy(
            bufs[s], out_hbm.at[pl.ds(row0 + (NCHUNK - NB + s) * CR, CR)], sems[s]
        ).wait()


@jax.jit
def kernel(xs, B):
    return _sc_band(xs, B.reshape(-1))

# --- scband reference (transcript-rebuilt; emitter-appended) ---
"""Pipeline reference for scband-bspline-56049323212965 (READ-ONLY COPY).

The authoritative reference and input builder live on the scoring server;
editing this copy changes nothing except your own understanding.
"""

import jax, jax.numpy as jnp
import numpy as np
from numpy.polynomial import Polynomial

H = 0.001
Q = 3
T0 = 0.0
N = 1024
N_XS = 16384


def build_basis(h, q):
    o = Polynomial([0.0])
    e = Polynomial([1.0])
    x = Polynomial([0.0, 1.0])
    B = np.zeros((q + 1, q + 1), dtype=object)
    for i in range(q + 1):
        for j in range(q + 1):
            B[i, j] = o
    B[0, 0] = e
    for p in range(1, q + 1):
        for i in range(p + 1):
            B[p, i] += B[p - 1, i] * x
            if i:
                B[p, i] += B[p - 1, i - 1](x - h) * (h * (p + 1) - x)
            B[p, i] /= h * p
    return [B[-1, i] for i in range(q + 1)]


def _coef_padded(poly, q):
    c = np.zeros(q + 1, dtype=np.float64)
    cc = np.asarray(poly.coef, dtype=np.float64)
    c[: len(cc)] = cc[: q + 1]
    return c


def setup_inputs(seed: int = 0):
    key = jax.random.key(seed)
    xs = jax.random.uniform(key, (N_XS,), dtype=jnp.float32)
    polys = build_basis(H, Q)
    # matches torch buffer: t.tensor([poly.coef for poly in polynomes[::-1]]).float()
    B = jnp.asarray(np.stack([_coef_padded(p, Q) for p in polys[::-1]]), dtype=jnp.float32)
    return {"xs": xs, "B": B}


def reference(xs, B):
    q = B.shape[0] - 1
    n_xs = xs.shape[0]
    xs0 = xs - T0
    first_i = jnp.floor(xs0 / H).astype(jnp.int32)
    ar = jnp.arange(q + 1)
    cols = first_i[:, None] + ar[None, :]
    x_m = xs0 - first_i.astype(xs.dtype) * H
    xe = x_m[:, None] + (H * (q - ar)[None, :]).astype(xs.dtype)
    xs_p = jnp.stack([xe ** i for i in range(q + 1)], axis=2)
    values = (xs_p * B[None, :, :]).sum(2)
    valid = (cols >= 0) & (cols < N)
    vals = jnp.where(valid, values, jnp.zeros_like(values))
    cols_c = jnp.clip(cols, 0, N - 1)
    rows = jnp.broadcast_to(jnp.arange(n_xs)[:, None], cols_c.shape)
    out = jnp.zeros((n_xs, N), dtype=xs.dtype).at[rows, cols_c].add(vals)
    return out

if __name__ == "__main__":
    import jax
    _d = setup_inputs()
    print(jax.jit(kernel)(*tuple(_d.values())))

</pallas_src>

<mosaic_0001>
#map = affine_map<(d0, d1) -> (0)>
#map1 = affine_map<(d0, d1) -> (0, 0)>
module attributes {stable_mosaic.version = 14 : i64} {
  func.func @_sc_band(%arg0: i32, %arg1: i32, %arg2: memref<16384xf32, #tpu.memory_space<hbm>>, %arg3: memref<16xf32, #tpu.memory_space<hbm>>, %arg4: memref<16384x1024xf32, #tpu.memory_space<hbm>>, %arg5: memref<512xf32, #tpu.memory_space<vmem>>, %arg6: memref<32xf32, #tpu.memory_space<vmem>>, %arg7: memref<16x1024xf32, #tpu.memory_space<vmem>>, %arg8: memref<16x1024xf32, #tpu.memory_space<vmem>>, %arg9: memref<16x1024xf32, #tpu.memory_space<vmem>>, %arg10: memref<16x1024xf32, #tpu.memory_space<vmem>>, %arg11: memref<!tpu.dma_semaphore, #tpu.memory_space<semaphore_mem>>, %arg12: memref<!tpu.dma_semaphore, #tpu.memory_space<semaphore_mem>>, %arg13: memref<!tpu.dma_semaphore, #tpu.memory_space<semaphore_mem>>, %arg14: memref<!tpu.dma_semaphore, #tpu.memory_space<semaphore_mem>>) attributes {dimension_semantics = [#tpu.dimension_semantics<core_parallel>, #tpu.dimension_semantics<subcore_parallel>], iteration_bounds = array<i64: 2, 16>, scalar_prefetch = 0 : i64, scratch_operands = 10 : i64, tpu.core_type = #tpu.core_type<sc_vector_subcore>, window_params = [{transform_indices = #map}, {transform_indices = #map}, {transform_indices = #map1}]} {
    %mul3A = arith.constant 2 : i32
    %mul3A_0 = arith.muli %arg1, %mul3A : i32
    %add3A = arith.addi %mul3A_0, %arg0 : i32
    %mul3A_1 = arith.constant 512 : i32
    %mul3A_2 = arith.muli %add3A, %mul3A_1 : i32
    %dma_start3A = tpu.memref_slice %arg2[%mul3A_2] : memref<16384xf32, #tpu.memory_space<hbm>> -> memref<512xf32, #tpu.memory_space<hbm>>
    %dma_start3A_3 = tpu.memref_slice %arg2[%mul3A_2] : memref<16384xf32, #tpu.memory_space<hbm>> -> memref<512xf32, #tpu.memory_space<hbm>>
    tpu.enqueue_dma source(%dma_start3A_3 : memref<512xf32, #tpu.memory_space<hbm>>) target(%arg5 : memref<512xf32, #tpu.memory_space<vmem>>) target_semaphore(%arg11 : memref<!tpu.dma_semaphore, #tpu.memory_space<semaphore_mem>>)
    %dma_start3A_4 = arith.constant 0 : i32
    %dma_start3A_5 = tpu.memref_slice %arg6[%dma_start3A_4] : memref<32xf32, #tpu.memory_space<vmem>> -> memref<16xf32, #tpu.memory_space<vmem>>
    %dma_start3A_6 = arith.constant 0 : i32
    %dma_start3A_7 = tpu.memref_slice %arg6[%dma_start3A_6] : memref<32xf32, #tpu.memory_space<vmem>> -> memref<16xf32, #tpu.memory_space<vmem>>
    tpu.enqueue_dma source(%arg3 : memref<16xf32, #tpu.memory_space<hbm>>) target(%dma_start3A_7 : memref<16xf32, #tpu.memory_space<vmem>>) target_semaphore(%arg12 : memref<!tpu.dma_semaphore, #tpu.memory_space<semaphore_mem>>)
    %dma_start3A_8 = arith.constant 16 : i32
    %dma_start3A_9 = tpu.memref_slice %arg6[%dma_start3A_8] : memref<32xf32, #tpu.memory_space<vmem>> -> memref<16xf32, #tpu.memory_space<vmem>>
    %dma_start3A_10 = arith.constant 16 : i32
    %dma_start3A_11 = tpu.memref_slice %arg6[%dma_start3A_10] : memref<32xf32, #tpu.memory_space<vmem>> -> memref<16xf32, #tpu.memory_space<vmem>>
    tpu.enqueue_dma source(%arg3 : memref<16xf32, #tpu.memory_space<hbm>>) target(%dma_start3A_11 : memref<16xf32, #tpu.memory_space<vmem>>) target_semaphore(%arg12 : memref<!tpu.dma_semaphore, #tpu.memory_space<semaphore_mem>>)
    %iota3A = tpu.iota {dimensions = array<i32: 0>} : vector<16xi32>
    %broadcast_in_dim3A = arith.constant 0.000000e+00 : f32
    %broadcast_in_dim3A_12 = vector.broadcast %broadcast_in_dim3A : f32 to vector<16xf32>
    %scan3A = arith.constant 0 : i32
    %scan3A_13 = arith.constant 16 : i32
    %scan3A_14 = arith.addi %scan3A, %scan3A_13 : i32
    %scan3A_15 = arith.constant 1 : i32
    scf.for %scan3A_392 = %scan3A to %scan3A_14 step %scan3A_15  : i32 {
      %mul3A_393 = arith.constant 1 : i32
      %mul3A_394 = arith.muli %scan3A_392, %mul3A_393 : i32
      %add3A_395 = arith.constant 0 : i32
      %add3A_396 = arith.addi %add3A_395, %mul3A_394 : i32
      %swap3A = arith.index_cast %add3A_396 : i32 to index
      %swap3A_397 = arith.constant 0 : index
      %swap3A_398 = tpu.vector_load %arg7[%swap3A, %swap3A_397] {strides = array<i32>} : memref<16x1024xf32, #tpu.memory_space<vmem>>, vector<16xf32>,
      tpu.vector_store %arg7[%swap3A, %swap3A_397], %broadcast_in_dim3A_12 {strides = array<i32>} : memref<16x1024xf32, #tpu.memory_space<vmem>>, vector<16xf32>,
      %swap3A_399 = arith.index_cast %add3A_396 : i32 to index
      %swap3A_400 = arith.constant 16 : index
      %swap3A_401 = tpu.vector_load %arg7[%swap3A_399, %swap3A_400] {strides = array<i32>} : memref<16x1024xf32, #tpu.memory_space<vmem>>, vector<16xf32>,
      tpu.vector_store %arg7[%swap3A_399, %swap3A_400], %broadcast_in_dim3A_12 {strides = array<i32>} : memref<16x1024xf32, #tpu.memory_space<vmem>>, vector<16xf32>,
      %swap3A_402 = arith.index_cast %add3A_396 : i32 to index
      %swap3A_403 = arith.constant 32 : index
      %swap3A_404 = tpu.vector_load %arg7[%swap3A_402, %swap3A_403] {strides = array<i32>} : memref<16x1024xf32, #tpu.memory_space<vmem>>, vector<16xf32>,
      tpu.vector_store %arg7[%swap3A_402, %swap3A_403], %broadcast_in_dim3A_12 {strides = array<i32>} : memref<16x1024xf32, #tpu.memory_space<vmem>>, vector<16xf32>,
      %swap3A_405 = arith.index_cast %add3A_396 : i32 to index
      %swap3A_406 = arith.constant 48 : index
      %swap3A_407 = tpu.vector_load %arg7[%swap3A_405, %swap3A_406] {strides = array<i32>} : memref<16x1024xf32, #tpu.memory_space<vmem>>, vector<16xf32>,
      tpu.vector_store %arg7[%swap3A_405, %swap3A_406], %broadcast_in_dim3A_12 {strides = array<i32>} : memref<16x1024xf32, #tpu.memory_space<vmem>>, vector<16xf32>,
      %swap3A_408 = arith.index_cast %add3A_396 : i32 to index
      %swap3A_409 = arith.constant 64 : index
      %swap3A_410 = tpu.vector_load %arg7[%swap3A_408, %swap3A_409] {strides = array<i32>} : memref<16x1024xf32, #tpu.memory_space<vmem>>, vector<16xf32>,
      tpu.vector_store %arg7[%swap3A_408, %swap3A_409], %broadcast_in_dim3A_12 {strides = array<i32>} : memref<16x1024xf32, #tpu.memory_space<vmem>>, vector<16xf32>,
      %swap3A_411 = arith.index_cast %add3A_396 : i32 to index
      %swap3A_412 = arith.constant 80 : index
      %swap3A_413 = tpu.vector_load %arg7[%swap3A_411, %swap3A_412] {strides = array<i32>} : memref<16x1024xf32, #tpu.memory_space<vmem>>, vector<16xf32>,
      tpu.vector_store %arg7[%swap3A_411, %swap3A_412], %broadcast_in_dim3A_12 {strides = array<i32>} : memref<16x1024xf32, #tpu.memory_space<vmem>>, vector<16xf32>,
      %swap3A_414 = arith.index_cast %add3A_396 : i32 to index
      %swap3A_415 = arith.constant 96 : index
      %swap3A_416 = tpu.vector_load %arg7[%swap3A_414, %swap3A_415] {strides = array<i32>} : memref<16x1024xf32, #tpu.memory_space<vmem>>, vector<16xf32>,
      tpu.vector_store %arg7[%swap3A_414, %swap3A_415], %broadcast_in_dim3A_12 {strides = array<i32>} : memref<16x1024xf32, #tpu.memory_space<vmem>>, vector<16xf32>,
      %swap3A_417 = arith.index_cast %add3A_396 : i32 to index
      %swap3A_418 = arith.constant 112 : index
      %swap3A_419 = tpu.vector_load %arg7[%swap3A_417, %swap3A_418] {strides = array<i32>} : memref<16x1024xf32, #tpu.memory_space<vmem>>, vector<16xf32>,
      tpu.vector_store %arg7[%swap3A_417, %swap3A_418], %broadcast_in_dim3A_12 {strides = array<i32>} : memref<16x1024xf32, #tpu.memory_space<vmem>>, vector<16xf32>,
      %swap3A_420 = arith.index_cast %add3A_396 : i32 to index
      %swap3A_421 = arith.constant 128 : index
      %swap3A_422 = tpu.vector_load %arg7[%swap3A_420, %swap3A_421] {strides = array<i32>} : memref<16x1024xf32, #tpu.memory_space<vmem>>, vector<16xf32>,
      tpu.vector_store %arg7[%swap3A_420, %swap3A_421], %broadcast_in_dim3A_12 {strides = array<i32>} : memref<16x1024xf32, #tpu.memory_space<vmem>>, vector<16xf32>,
      %swap3A_423 = arith.index_cast %add3A_396 : i32 to index
      %swap3A_424 = arith.constant 144 : index
      %swap3A_425 = tpu.vector_load %arg7[%swap3A_423, %swap3A_424] {strides = array<i32>} : memref<16x1024xf32, #tpu.memory_space<vmem>>, vector<16xf32>,
      tpu.vector_store %arg7[%swap3A_423, %swap3A_424], %broadcast_in_dim3A_12 {strides = array<i32>} : memref<16x1024xf32, #tpu.memory_space<vmem>>, vector<16xf32>,
      %swap3A_426 = arith.index_cast %add3A_396 : i32 to index
      %swap3A_427 = arith.constant 160 : index
      %swap3A_428 = tpu.vector_load %arg7[%swap3A_426, %swap3A_427] {strides = array<i32>} : memref<16x1024xf32, #tpu.memory_space<vmem>>, vector<16xf32>,
      tpu.vector_store %arg7[%swap3A_426, %swap3A_427], %broadcast_in_dim3A_12 {strides = array<i32>} : memref<16x1024xf32, #tpu.memory_space<vmem>>, vector<16xf32>,
      %swap3A_429 = arith.index_cast %add3A_396 : i32 to index
      %swap3A_430 = arith.constant 176 : index
      %swap3A_431 = tpu.vector_load %arg7[%swap3A_429, %swap3A_430] {strides = array<i32>} : memref<16x1024xf32, #tpu.memory_space<vmem>>, vector<16xf32>,
      tpu.vector_store %arg7[%swap3A_429, %swap3A_430], %broadcast_in_dim3A_12 {strides = array<i32>} : memref<16x1024xf32, #tpu.memory_space<vmem>>, vector<16xf32>,
      %swap3A_432 = arith.index_cast %add3A_396 : i32 to index
      %swap3A_433 = arith.constant 192 : index
      %swap3A_434 = tpu.vector_load %arg7[%swap3A_432, %swap3A_433] {strides = array<i32>} : memref<16x1024xf32, #tpu.memory_space<vmem>>, vector<16xf32>,
      tpu.vector_store %arg7[%swap3A_432, %swap3A_433], %broadcast_in_dim3A_12 {strides = array<i32>} : memref<16x1024xf32, #tpu.memory_space<vmem>>, vector<16xf32>,
      %swap3A_435 = arith.index_cast %add3A_396 : i32 to index
      %swap3A_436 = arith.constant 208 : index
      %swap3A_437 = tpu.vector_load %arg7[%swap3A_435, %swap3A_436] {strides = array<i32>} : memref<16x1024xf32, #tpu.memory_space<vmem>>, vector<16xf32>,
      tpu.vector_store %arg7[%swap3A_435, %swap3A_436], %broadcast_in_dim3A_12 {strides = array<i32>} : memref<16x1024xf32, #tpu.memory_space<vmem>>, vector<16xf32>,
      %swap3A_438 = arith.index_cast %add3A_396 : i32 to index
      %swap3A_439 = arith.constant 224 : index
      %swap3A_440 = tpu.vector_load %arg7[%swap3A_438, %swap3A_439] {strides = array<i32>} : memref<16x1024xf32, #tpu.memory_space<vmem>>, vector<16xf32>,
      tpu.vector_store %arg7[%swap3A_438, %swap3A_439], %broadcast_in_dim3A_12 {strides = array<i32>} : memref<16x1024xf32, #tpu.memory_space<vmem>>, vector<16xf32>,
      %swap3A_441 = arith.index_cast %add3A_396 : i32 to index
      %swap3A_442 = arith.constant 240 : index
      %swap3A_443 = tpu.vector_load %arg7[%swap3A_441, %swap3A_442] {strides = array<i32>} : memref<16x1024xf32, #tpu.memory_space<vmem>>, vector<16xf32>,
      tpu.vector_store %arg7[%swap3A_441, %swap3A_442], %broadcast_in_dim3A_12 {strides = array<i32>} : memref<16x1024xf32, #tpu.memory_space<vmem>>, vector<16xf32>,
      %swap3A_444 = arith.index_cast %add3A_396 : i32 to index
      %swap3A_445 = arith.constant 256 : index
      %swap3A_446 = tpu.vector_load %arg7[%swap3A_444, %swap3A_445] {strides = array<i32>} : memref<16x1024xf32, #tpu.memory_space<vmem>>, vector<16xf32>,
      tpu.vector_store %arg7[%swap3A_444, %swap3A_445], %broadcast_in_dim3A_12 {strides = array<i32>} : memref<16x1024xf32, #tpu.memory_space<vmem>>, vector<16xf32>,
      %swap3A_447 = arith.index_cast %add3A_396 : i32 to index
      %swap3A_448 = arith.constant 272 : index
      %swap3A_449 = tpu.vector_load %arg7[%swap3A_447, %swap3A_448] {strides = array<i32>} : memref<16x1024xf32, #tpu.memory_space<vmem>>, vector<16xf32>,
      tpu.vector_store %arg7[%swap3A_447, %swap3A_448], %broadcast_in_dim3A_12 {strides = array<i32>} : memref<16x1024xf32, #tpu.memory_space<vmem>>, vector<16xf32>,
      %swap3A_450 = arith.index_cast %add3A_396 : i32 to index
      %swap3A_451 = arith.constant 288 : index
      %swap3A_452 = tpu.vector_load %arg7[%swap3A_450, %swap3A_451] {strides = array<i32>} : memref<16x1024xf32, #tpu.memory_space<vmem>>, vector<16xf32>,
      tpu.vector_store %arg7[%swap3A_450, %swap3A_451], %broadcast_in_dim3A_12 {strides = array<i32>} : memref<16x1024xf32, #tpu.memory_space<vmem>>, vector<16xf32>,
      %swap3A_453 = arith.index_cast %add3A_396 : i32 to index
      %swap3A_454 = arith.constant 304 : index
      %swap3A_455 = tpu.vector_load %arg7[%swap3A_453, %swap3A_454] {strides = array<i32>} : memref<16x1024xf32, #tpu.memory_space<vmem>>, vector<16xf32>,
      tpu.vector_store %arg7[%swap3A_453, %swap3A_454], %broadcast_in_dim3A_12 {strides = array<i32>} : memref<16x1024xf32, #tpu.memory_space<vmem>>, vector<16xf32>,
      %swap3A_456 = arith.index_cast %add3A_396 : i32 to index
      %swap3A_457 = arith.constant 320 : index
      %swap3A_458 = tpu.vector_load %arg7[%swap3A_456, %swap3A_457] {strides = array<i32>} : memref<16x1024xf32, #tpu.memory_space<vmem>>, vector<16xf32>,
      tpu.vector_store %arg7[%swap3A_456, %swap3A_457], %broadcast_in_dim3A_12 {strides = array<i32>} : memref<16x1024xf32, #tpu.memory_space<vmem>>, vector<16xf32>,
      %swap3A_459 = arith.index_cast %add3A_396 : i32 to index
      %swap3A_460 = arith.constant 336 : index
      %swap3A_461 = tpu.vector_load %arg7[%swap3A_459, %swap3A_460] {strides = array<i32>} : memref<16x1024xf32, #tpu.memory_space<vmem>>, vector<16xf32>,
      tpu.vector_store %arg7[%swap3A_459, %swap3A_460], %broadcast_in_dim3A_12 {strides = array<i32>} : memref<16x1024xf32, #tpu.memory_space<vmem>>, vector<16xf32>,
      %swap3A_462 = arith.index_cast %add3A_396 : i32 to index
      %swap3A_463 = arith.constant 352 : index
      %swap3A_464 = tpu.vector_load %arg7[%swap3A_462, %swap3A_463] {strides = array<i32>} : memref<16x1024xf32, #tpu.memory_space<vmem>>, vector<16xf32>,
      tpu.vector_store %arg7[%swap3A_462, %swap3A_463], %broadcast_in_dim3A_12 {strides = array<i32>} : memref<16x1024xf32, #tpu.memory_space<vmem>>, vector<16xf32>,
      %swap3A_465 = arith.index_cast %add3A_396 : i32 to index
      %swap3A_466 = arith.constant 368 : index
      %swap3A_467 = tpu.vector_load %arg7[%swap3A_465, %swap3A_466] {strides = array<i32>} : memref<16x1024xf32, #tpu.memory_space<vmem>>, vector<16xf32>,
      tpu.vector_store %arg7[%swap3A_465, %swap3A_466], %broadcast_in_dim3A_12 {strides = array<i32>} : memref<16x1024xf32, #tpu.memory_space<vmem>>, vector<16xf32>,
      %swap3A_468 = arith.index_cast %add3A_396 : i32 to index
      %swap3A_469 = arith.constant 384 : index
      %swap3A_470 = tpu.vector_load %arg7[%swap3A_468, %swap3A_469] {strides = array<i32>} : memref<16x1024xf32, #tpu.memory_space<vmem>>, vector<16xf32>,
      tpu.vector_store %arg7[%swap3A_468, %swap3A_469], %broadcast_in_dim3A_12 {strides = array<i32>} : memref<16x1024xf32, #tpu.memory_space<vmem>>, vector<16xf32>,
      %swap3A_471 = arith.index_cast %add3A_396 : i32 to index
      %swap3A_472 = arith.constant 400 : index
      %swap3A_473 = tpu.vector_load %arg7[%swap3A_471, %swap3A_472] {strides = array<i32>} : memref<16x1024xf32, #tpu.memory_space<vmem>>, vector<16xf32>,
      tpu.vector_store %arg7[%swap3A_471, %swap3A_472], %broadcast_in_dim3A_12 {strides = array<i32>} : memref<16x1024xf32, #tpu.memory_space<vmem>>, vector<16xf32>,
      %swap3A_474 = arith.index_cast %add3A_396 : i32 to index
      %swap3A_475 = arith.constant 416 : index
      %swap3A_476 = tpu.vector_load %arg7[%swap3A_474, %swap3A_475] {strides = array<i32>} : memref<16x1024xf32, #tpu.memory_space<vmem>>, vector<16xf32>,
      tpu.vector_store %arg7[%swap3A_474, %swap3A_475], %broadcast_in_dim3A_12 {strides = array<i32>} : memref<16x1024xf32, #tpu.memory_space<vmem>>, vector<16xf32>,
      %swap3A_477 = arith.index_cast %add3A_396 : i32 to index
      %swap3A_478 = arith.constant 432 : index
      %swap3A_479 = tpu.vector_load %arg7[%swap3A_477, %swap3A_478] {strides = array<i32>} : memref<16x1024xf32, #tpu.memory_space<vmem>>, vector<16xf32>,
      tpu.vector_store %arg7[%swap3A_477, %swap3A_478], %broadcast_in_dim3A_12 {strides = array<i32>} : memref<16x1024xf32, #tpu.memory_space<vmem>>, vector<16xf32>,
      %swap3A_480 = arith.index_cast %add3A_396 : i32 to index
      %swap3A_481 = arith.constant 448 : index
      %swap3A_482 = tpu.vector_load %arg7[%swap3A_480, %swap3A_481] {strides = array<i32>} : memref<16x1024xf32, #tpu.memory_space<vmem>>, vector<16xf32>,
      tpu.vector_store %arg7[%swap3A_480, %swap3A_481], %broadcast_in_dim3A_12 {strides = array<i32>} : memref<16x1024xf32, #tpu.memory_space<vmem>>, vector<16xf32>,
      %swap3A_483 = arith.index_cast %add3A_396 : i32 to index
      %swap3A_484 = arith.constant 464 : index
      %swap3A_485 = tpu.vector_load %arg7[%swap3A_483, %swap3A_484] {strides = array<i32>} : memref<16x1024xf32, #tpu.memory_space<vmem>>, vector<16xf32>,
      tpu.vector_store %arg7[%swap3A_483, %swap3A_484], %broadcast_in_dim3A_12 {strides = array<i32>} : memref<16x1024xf32, #tpu.memory_space<vmem>>, vector<16xf32>,
      %swap3A_486 = arith.index_cast %add3A_396 : i32 to index
      %swap3A_487 = arith.constant 480 : index
      %swap3A_488 = tpu.vector_load %arg7[%swap3A_486, %swap3A_487] {strides = array<i32>} : memref<16x1024xf32, #tpu.memory_space<vmem>>, vector<16xf32>,
      tpu.vector_store %arg7[%swap3A_486, %swap3A_487], %broadcast_in_dim3A_12 {strides = array<i32>} : memref<16x1024xf32, #tpu.memory_space<vmem>>, vector<16xf32>,
      %swap3A_489 = arith.index_cast %add3A_396 : i32 to index
      %swap3A_490 = arith.constant 496 : index
      %swap3A_491 = tpu.vector_load %arg7[%swap3A_489, %swap3A_490] {strides = array<i32>} : memref<16x1024xf32, #tpu.memory_space<vmem>>, vector<16xf32>,
      tpu.vector_store %arg7[%swap3A_489, %swap3A_490], %broadcast_in_dim3A_12 {strides = array<i32>} : memref<16x1024xf32, #tpu.memory_space<vmem>>, vector<16xf32>,
      %swap3A_492 = arith.index_cast %add3A_396 : i32 to index
      %swap3A_493 = arith.constant 512 : index
      %swap3A_494 = tpu.vector_load %arg7[%swap3A_492, %swap3A_493] {strides = array<i32>} : memref<16x1024xf32, #tpu.memory_space<vmem>>, vector<16xf32>,
      tpu.vector_store %arg7[%swap3A_492, %swap3A_493], %broadcast_in_dim3A_12 {strides = array<i32>} : memref<16x1024xf32, #tpu.memory_space<vmem>>, vector<16xf32>,
      %swap3A_495 = arith.index_cast %add3A_396 : i32 to index
      %swap3A_496 = arith.constant 528 : index
      %swap3A_497 = tpu.vector_load %arg7[%swap3A_495, %swap3A_496] {strides = array<i32>} : memref<16x1024xf32, #tpu.memory_space<vmem>>, vector<16xf32>,
      tpu.vector_store %arg7[%swap3A_495, %swap3A_496], %broadcast_in_dim3A_12 {strides = array<i32>} : memref<16x1024xf32, #tpu.memory_space<vmem>>, vector<16xf32>,
      %swap3A_498 = arith.index_cast %add3A_396 : i32 to index
      %swap3A_499 = arith.constant 544 : index
      %swap3A_500 = tpu.vector_load %arg7[%swap3A_498, %swap3A_499] {strides = array<i32>} : memref<16x1024xf32, #tpu.memory_space<vmem>>, vector<16xf32>,
      tpu.vector_store %arg7[%swap3A_498, %swap3A_499], %broadcast_in_dim3A_12 {strides = array<i32>} : memref<16x1024xf32, #tpu.memory_space<vmem>>, vector<16xf32>,
      %swap3A_501 = arith.index_cast %add3A_396 : i32 to index
      %swap3A_502 = arith.constant 560 : index
      %swap3A_503 = tpu.vector_load %arg7[%swap3A_501, %swap3A_502] {strides = array<i32>} : memref<16x1024xf32, #tpu.memory_space<vmem>>, vector<16xf32>,
      tpu.vector_store %arg7[%swap3A_501, %swap3A_502], %broadcast_in_dim3A_12 {strides = array<i32>} : memref<16x1024xf32, #tpu.memory_space<vmem>>, vector<16xf32>,
      %swap3A_504 = arith.index_cast %add3A_396 : i32 to index
      %swap3A_505 = arith.constant 576 : index
      %swap3A_506 = tpu.vector_load %arg7[%swap3A_504, %swap3A_505] {strides = array<i32>} : memref<16x1024xf32, #tpu.memory_space<vmem>>, vector<16xf32>,
      tpu.vector_store %arg7[%swap3A_504, %swap3A_505], %broadcast_in_dim3A_12 {strides = array<i32>} : memref<16x1024xf32, #tpu.memory_space<vmem>>, vector<16xf32>,
      %swap3A_507 = arith.index_cast %add3A_396 : i32 to index
      %swap3A_508 = arith.constant 592 : index
      %swap3A_509 = tpu.vector_load %arg7[%swap3A_507, %swap3A_508] {strides = array<i32>} : memref<16x1024xf32, #tpu.memory_space<vmem>>, vector<16xf32>,
      tpu.vector_store %arg7[%swap3A_507, %swap3A_508], %broadcast_in_dim3A_12 {strides = array<i32>} : memref<16x1024xf32, #tpu.memory_space<vmem>>, vector<16xf32>,
      %swap3A_510 = arith.index_cast %add3A_396 : i32 to index
      %swap3A_511 = arith.constant 608 : index
      %swap3A_512 = tpu.vector_load %arg7[%swap3A_510, %swap3A_511] {strides = array<i32>} : memref<16x1024xf32, #tpu.memory_space<vmem>>, vector<16xf32>,
      tpu.vector_store %arg7[%swap3A_510, %swap3A_511], %broadcast_in_dim3A_12 {strides = array<i32>} : memref<16x1024xf32, #tpu.memory_space<vmem>>, vector<16xf32>,
      %swap3A_513 = arith.index_cast %add3A_396 : i32 to index
      %swap3A_514 = arith.constant 624 : index
      %swap3A_515 = tpu.vector_load %arg7[%swap3A_513, %swap3A_514] {strides = array<i32>} : memref<16x1024xf32, #tpu.memory_space<vmem>>, vector<16xf32>,
      tpu.vector_store %arg7[%swap3A_513, %swap3A_514], %broadcast_in_dim3A_12 {strides = array<i32>} : memref<16x1024xf32, #tpu.memory_space<vmem>>, vector<16xf32>,
      %swap3A_516 = arith.index_cast %add3A_396 : i32 to index
      %swap3A_517 = arith.constant 640 : index
      %swap3A_518 = tpu.vector_load %arg7[%swap3A_516, %swap3A_517] {strides = array<i32>} : memref<16x1024xf32, #tpu.memory_space<vmem>>, vector<16xf32>,
      tpu.vector_store %arg7[%swap3A_516, %swap3A_517], %broadcast_in_dim3A_12 {strides = array<i32>} : memref<16x1024xf32, #tpu.memory_space<vmem>>, vector<16xf32>,
      %swap3A_519 = arith.index_cast %add3A_396 : i32 to index
      %swap3A_520 = arith.constant 656 : index
      %swap3A_521 = tpu.vector_load %arg7[%swap3A_519, %swap3A_520] {strides = array<i32>} : memref<16x1024xf32, #tpu.memory_space<vmem>>, vector<16xf32>,
      tpu.vector_store %arg7[%swap3A_519, %swap3A_520], %broadcast_in_dim3A_12 {strides = array<i32>} : memref<16x1024xf32, #tpu.memory_space<vmem>>, vector<16xf32>,
      %swap3A_522 = arith.index_cast %add3A_396 : i32 to index
      %swap3A_523 = arith.constant 672 : index
      %swap3A_524 = tpu.vector_load %arg7[%swap3A_522, %swap3A_523] {strides = array<i32>} : memref<16x1024xf32, #tpu.memory_space<vmem>>, vector<16xf32>,
      tpu.vector_store %arg7[%swap3A_522, %swap3A_523], %broadcast_in_dim3A_12 {strides = array<i32>} : memref<16x1024xf32, #tpu.memory_space<vmem>>, vector<16xf32>,
      %swap3A_525 = arith.index_cast %add3A_396 : i32 to index
      %swap3A_526 = arith.constant 688 : index
      %swap3A_527 = tpu.vector_load %arg7[%swap3A_525, %swap3A_526] {strides = array<i32>} : memref<16x1024xf32, #tpu.memory_space<vmem>>, vector<16xf32>,
      tpu.vector_store %arg7[%swap3A_525, %swap3A_526], %broadcast_in_dim3A_12 {strides = array<i32>} : memref<16x1024xf32, #tpu.memory_space<vmem>>, vector<16xf32>,
      %swap3A_528 = arith.index_cast %add3A_396 : i32 to index
      %swap3A_529 = arith.constant 704 : index
      %swap3A_530 = tpu.vector_load %arg7[%swap3A_528, %swap3A_529] {strides = array<i32>} : memref<16x1024xf32, #tpu.memory_space<vmem>>, vector<16xf32>,
      tpu.vector_store %arg7[%swap3A_528, %swap3A_529], %broadcast_in_dim3A_12 {strides = array<i32>} : memref<16x1024xf32, #tpu.memory_space<vmem>>, vector<16xf32>,
      %swap3A_531 = arith.index_cast %add3A_396 : i32 to index
      %swap3A_532 = arith.constant 720 : index
      %swap3A_533 = tpu.vector_load %arg7[%swap3A_531, %swap3A_532] {strides = array<i32>} : memref<16x1024xf32, #tpu.memory_space<vmem>>, vector<16xf32>,
      tpu.vector_store %arg7[%swap3A_531, %swap3A_532], %broadcast_in_dim3A_12 {strides = array<i32>} : memref<16x1024xf32, #tpu.memory_space<vmem>>, vector<16xf32>,
      %swap3A_534 = arith.index_cast %add3A_396 : i32 to index
      %swap3A_535 = arith.constant 736 : index
      %swap3A_536 = tpu.vector_load %arg7[%swap3A_534, %swap3A_535] {strides = array<i32>} : memref<16x1024xf32, #tpu.memory_space<vmem>>, vector<16xf32>,
      tpu.vector_store %arg7[%swap3A_534, %swap3A_535], %broadcast_in_dim3A_12 {strides = array<i32>} : memref<16x1024xf32, #tpu.memory_space<vmem>>, vector<16xf32>,
      %swap3A_537 = arith.index_cast %add3A_396 : i32 to index
      %swap3A_538 = arith.constant 752 : index
      %swap3A_539 = tpu.vector_load %arg7[%swap3A_537, %swap3A_538] {strides = array<i32>} : memref<16x1024xf32, #tpu.memory_space<vmem>>, vector<16xf32>,
      tpu.vector_store %arg7[%swap3A_537, %swap3A_538], %broadcast_in_dim3A_12 {strides = array<i32>} : memref<16x1024xf32, #tpu.memory_space<vmem>>, vector<16xf32>,
      %swap3A_540 = arith.index_cast %add3A_396 : i32 to index
      %swap3A_541 = arith.constant 768 : index
      %swap3A_542 = tpu.vector_load %arg7[%swap3A_540, %swap3A_541] {strides = array<i32>} : memref<16x1024xf32, #tpu.memory_space<vmem>>, vector<16xf32>,
      tpu.vector_store %arg7[%swap3A_540, %swap3A_541], %broadcast_in_dim3A_12 {strides = array<i32>} : memref<16x1024xf32, #tpu.memory_space<vmem>>, vector<16xf32>,
      %swap3A_543 = arith.index_cast %add3A_396 : i32 to index
      %swap3A_544 = arith.constant 784 : index
      %swap3A_545 = tpu.vector_load %arg7[%swap3A_543, %swap3A_544] {strides = array<i32>} : memref<16x1024xf32, #tpu.memory_space<vmem>>, vector<16xf32>,
      tpu.vector_store %arg7[%swap3A_543, %swap3A_544], %broadcast_in_dim3A_12 {strides = array<i32>} : memref<16x1024xf32, #tpu.memory_space<vmem>>, vector<16xf32>,
      %swap3A_546 = arith.index_cast %add3A_396 : i32 to index
      %swap3A_547 = arith.constant 800 : index
      %swap3A_548 = tpu.vector_load %arg7[%swap3A_546, %swap3A_547] {strides = array<i32>} : memref<16x1024xf32, #tpu.memory_space<vmem>>, vector<16xf32>,
      tpu.vector_store %arg7[%swap3A_546, %swap3A_547], %broadcast_in_dim3A_12 {strides = array<i32>} : memref<16x1024xf32, #tpu.memory_space<vmem>>, vector<16xf32>,
      %swap3A_549 = arith.index_cast %add3A_396 : i32 to index
      %swap3A_550 = arith.constant 816 : index
      %swap3A_551 = tpu.vector_load %arg7[%swap3A_549, %swap3A_550] {strides = array<i32>} : memref<16x1024xf32, #tpu.memory_space<vmem>>, vector<16xf32>,
      tpu.vector_store %arg7[%swap3A_549, %swap3A_550], %broadcast_in_dim3A_12 {strides = array<i32>} : memref<16x1024xf32, #tpu.memory_space<vmem>>, vector<16xf32>,
      %swap3A_552 = arith.index_cast %add3A_396 : i32 to index
      %swap3A_553 = arith.constant 832 : index
      %swap3A_554 = tpu.vector_load %arg7[%swap3A_552, %swap3A_553] {strides = array<i32>} : memref<16x1024xf32, #tpu.memory_space<vmem>>, vector<16xf32>,
      tpu.vector_store %arg7[%swap3A_552, %swap3A_553], %broadcast_in_dim3A_12 {strides = array<i32>} : memref<16x1024xf32, #tpu.memory_space<vmem>>, vector<16xf32>,
      %swap3A_555 = arith.index_cast %add3A_396 : i32 to index
      %swap3A_556 = arith.constant 848 : index
      %swap3A_557 = tpu.vector_load %arg7[%swap3A_555, %swap3A_556] {strides = array<i32>} : memref<16x1024xf32, #tpu.memory_space<vmem>>, vector<16xf32>,
      tpu.vector_store %arg7[%swap3A_555, %swap3A_556], %broadcast_in_dim3A_12 {strides = array<i32>} : memref<16x1024xf32, #tpu.memory_space<vmem>>, vector<16xf32>,
      %swap3A_558 = arith.index_cast %add3A_396 : i32 to index
      %swap3A_559 = arith.constant 864 : index
      %swap3A_560 = tpu.vector_load %arg7[%swap3A_558, %swap3A_559] {strides = array<i32>} : memref<16x1024xf32, #tpu.memory_space<vmem>>, vector<16xf32>,
      tpu.vector_store %arg7[%swap3A_558, %swap3A_559], %broadcast_in_dim3A_12 {strides = array<i32>} : memref<16x1024xf32, #tpu.memory_space<vmem>>, vector<16xf32>,
      %swap3A_561 = arith.index_cast %add3A_396 : i32 to index
      %swap3A_562 = arith.constant 880 : index
      %swap3A_563 = tpu.vector_load %arg7[%swap3A_561, %swap3A_562] {strides = array<i32>} : memref<16x1024xf32, #tpu.memory_space<vmem>>, vector<16xf32>,
      tpu.vector_store %arg7[%swap3A_561, %swap3A_562], %broadcast_in_dim3A_12 {strides = array<i32>} : memref<16x1024xf32, #tpu.memory_space<vmem>>, vector<16xf32>,
      %swap3A_564 = arith.index_cast %add3A_396 : i32 to index
      %swap3A_565 = arith.constant 896 : index
      %swap3A_566 = tpu.vector_load %arg7[%swap3A_564, %swap3A_565] {strides = array<i32>} : memref<16x1024xf32, #tpu.memory_space<vmem>>, vector<16xf32>,
      tpu.vector_store %arg7[%swap3A_564, %swap3A_565], %broadcast_in_dim3A_12 {strides = array<i32>} : memref<16x1024xf32, #tpu.memory_space<vmem>>, vector<16xf32>,
      %swap3A_567 = arith.index_cast %add3A_396 : i32 to index
      %swap3A_568 = arith.constant 912 : index
      %swap3A_569 = tpu.vector_load %arg7[%swap3A_567, %swap3A_568] {strides = array<i32>} : memref<16x1024xf32, #tpu.memory_space<vmem>>, vector<16xf32>,
      tpu.vector_store %arg7[%swap3A_567, %swap3A_568], %broadcast_in_dim3A_12 {strides = array<i32>} : memref<16x1024xf32, #tpu.memory_space<vmem>>, vector<16xf32>,
      %swap3A_570 = arith.index_cast %add3A_396 : i32 to index
      %swap3A_571 = arith.constant 928 : index
      %swap3A_572 = tpu.vector_load %arg7[%swap3A_570, %swap3A_571] {strides = array<i32>} : memref<16x1024xf32, #tpu.memory_space<vmem>>, vector<16xf32>,
      tpu.vector_store %arg7[%swap3A_570, %swap3A_571], %broadcast_in_dim3A_12 {strides = array<i32>} : memref<16x1024xf32, #tpu.memory_space<vmem>>, vector<16xf32>,
      %swap3A_573 = arith.index_cast %add3A_396 : i32 to index
      %swap3A_574 = arith.constant 944 : index
      %swap3A_575 = tpu.vector_load %arg7[%swap3A_573, %swap3A_574] {strides = array<i32>} : memref<16x1024xf32, #tpu.memory_space<vmem>>, vector<16xf32>,
      tpu.vector_store %arg7[%swap3A_573, %swap3A_574], %broadcast_in_dim3A_12 {strides = array<i32>} : memref<16x1024xf32, #tpu.memory_space<vmem>>, vector<16xf32>,
      %swap3A_576 = arith.index_cast %add3A_396 : i32 to index
      %swap3A_577 = arith.constant 960 : index
      %swap3A_578 = tpu.vector_load %arg7[%swap3A_576, %swap3A_577] {strides = array<i32>} : memref<16x1024xf32, #tpu.memory_space<vmem>>, vector<16xf32>,
      tpu.vector_store %arg7[%swap3A_576, %swap3A_577], %broadcast_in_dim3A_12 {strides = array<i32>} : memref<16x1024xf32, #tpu.memory_space<vmem>>, vector<16xf32>,
      %swap3A_579 = arith.index_cast %add3A_396 : i32 to index
      %swap3A_580 = arith.constant 976 : index
      %swap3A_581 = tpu.vector_load %arg7[%swap3A_579, %swap3A_580] {strides = array<i32>} : memref<16x1024xf32, #tpu.memory_space<vmem>>, vector<16xf32>,
      tpu.vector_store %arg7[%swap3A_579, %swap3A_580], %broadcast_in_dim3A_12 {strides = array<i32>} : memref<16x1024xf32, #tpu.memory_space<vmem>>, vector<16xf32>,
      %swap3A_582 = arith.index_cast %add3A_396 : i32 to index
      %swap3A_583 = arith.constant 992 : index
      %swap3A_584 = tpu.vector_load %arg7[%swap3A_582, %swap3A_583] {strides = array<i32>} : memref<16x1024xf32, #tpu.memory_space<vmem>>, vector<16xf32>,
      tpu.vector_store %arg7[%swap3A_582, %swap3A_583], %broadcast_in_dim3A_12 {strides = array<i32>} : memref<16x1024xf32, #tpu.memory_space<vmem>>, vector<16xf32>,
      %swap3A_585 = arith.index_cast %add3A_396 : i32 to index
      %swap3A_586 = arith.constant 1008 : index
      %swap3A_587 = tpu.vector_load %arg7[%swap3A_585, %swap3A_586] {strides = array<i32>} : memref<16x1024xf32, #tpu.memory_space<vmem>>, vector<16xf32>,
      tpu.vector_store %arg7[%swap3A_585, %swap3A_586], %broadcast_in_dim3A_12 {strides = array<i32>} : memref<16x1024xf32, #tpu.memory_space<vmem>>, vector<16xf32>,
    }
    %scan3A_16 = arith.constant 16 : i32
    %dma_wait3A = tpu.memref_slice %arg2[%mul3A_2] : memref<16384xf32, #tpu.memory_space<hbm>> -> memref<512xf32, #tpu.memory_space<hbm>>
    %dma_wait3A_17 = tpu.memref_slice %arg2[%mul3A_2] : memref<16384xf32, #tpu.memory_space<hbm>> -> memref<512xf32, #tpu.memory_space<hbm>>
    tpu.wait_dma2 semaphore(%arg11 : memref<!tpu.dma_semaphore, #tpu.memory_space<semaphore_mem>>) src(%dma_wait3A_17 : memref<512xf32, #tpu.memory_space<hbm>>) dst(%arg5 : memref<512xf32, #tpu.memory_space<vmem>>)
    %dma_wait3A_18 = arith.constant 0 : i32
    %dma_wait3A_19 = tpu.memref_slice %arg6[%dma_wait3A_18] : memref<32xf32, #tpu.memory_space<vmem>> -> memref<16xf32, #tpu.memory_space<vmem>>
    %dma_wait3A_20 = arith.constant 0 : i32
    %dma_wait3A_21 = tpu.memref_slice %arg6[%dma_wait3A_20] : memref<32xf32, #tpu.memory_space<vmem>> -> memref<16xf32, #tpu.memory_space<vmem>>
    tpu.wait_dma2 semaphore(%arg12 : memref<!tpu.dma_semaphore, #tpu.memory_space<semaphore_mem>>) src(%arg3 : memref<16xf32, #tpu.memory_space<hbm>>) dst(%dma_wait3A_21 : memref<16xf32, #tpu.memory_space<vmem>>)
    %dma_wait3A_22 = arith.constant 16 : i32
    %dma_wait3A_23 = tpu.memref_slice %arg6[%dma_wait3A_22] : memref<32xf32, #tpu.memory_space<vmem>> -> memref<16xf32, #tpu.memory_space<vmem>>
    %dma_wait3A_24 = arith.constant 16 : i32
    %dma_wait3A_25 = tpu.memref_slice %arg6[%dma_wait3A_24] : memref<32xf32, #tpu.memory_space<vmem>> -> memref<16xf32, #tpu.memory_space<vmem>>
    tpu.wait_dma2 semaphore(%arg12 : memref<!tpu.dma_semaphore, #tpu.memory_space<semaphore_mem>>) src(%arg3 : memref<16xf32, #tpu.memory_space<hbm>>) dst(%dma_wait3A_25 : memref<16xf32, #tpu.memory_space<vmem>>)
    %broadcast_in_dim3A_26 = arith.constant 16 : i32
    %broadcast_in_dim3A_27 = vector.broadcast %broadcast_in_dim3A_26 : i32 to vector<16xi32>
    %gather3A = tpu.vector_load_idx %arg6[%broadcast_in_dim3A_27] : memref<32xf32, #tpu.memory_space<vmem>>[vector<16xi32>], vector<16xf32>,
    %broadcast_in_dim3A_28 = arith.constant 17 : i32
    %broadcast_in_dim3A_29 = vector.broadcast %broadcast_in_dim3A_28 : i32 to vector<16xi32>
    %gather3A_30 = tpu.vector_load_idx %arg6[%broadcast_in_dim3A_29] : memref<32xf32, #tpu.memory_space<vmem>>[vector<16xi32>], vector<16xf32>,
    %broadcast_in_dim3A_31 = arith.constant 18 : i32
    %broadcast_in_dim3A_32 = vector.broadcast %broadcast_in_dim3A_31 : i32 to vector<16xi32>
    %gather3A_33 = tpu.vector_load_idx %arg6[%broadcast_in_dim3A_32] : memref<32xf32, #tpu.memory_space<vmem>>[vector<16xi32>], vector<16xf32>,
    %broadcast_in_dim3A_34 = arith.constant 19 : i32
    %broadcast_in_dim3A_35 = vector.broadcast %broadcast_in_dim3A_34 : i32 to vector<16xi32>
    %gather3A_36 = tpu.vector_load_idx %arg6[%broadcast_in_dim3A_35] : memref<32xf32, #tpu.memory_space<vmem>>[vector<16xi32>], vector<16xf32>,
    %broadcast_in_dim3A_37 = arith.constant 20 : i32
    %broadcast_in_dim3A_38 = vector.broadcast %broadcast_in_dim3A_37 : i32 to vector<16xi32>
    %gather3A_39 = tpu.vector_load_idx %arg6[%broadcast_in_dim3A_38] : memref<32xf32, #tpu.memory_space<vmem>>[vector<16xi32>], vector<16xf32>,
    %broadcast_in_dim3A_40 = arith.constant 21 : i32
    %broadcast_in_dim3A_41 = vector.broadcast %broadcast_in_dim3A_40 : i32 to vector<16xi32>
    %gather3A_42 = tpu.vector_load_idx %arg6[%broadcast_in_dim3A_41] : memref<32xf32, #tpu.memory_space<vmem>>[vector<16xi32>], vector<16xf32>,
    %broadcast_in_dim3A_43 = arith.constant 22 : i32
    %broadcast_in_dim3A_44 = vector.broadcast %broadcast_in_dim3A_43 : i32 to vector<16xi32>
    %gather3A_45 = tpu.vector_load_idx %arg6[%broadcast_in_dim3A_44] : memref<32xf32, #tpu.memory_space<vmem>>[vector<16xi32>], vector<16xf32>,
    %broadcast_in_dim3A_46 = arith.constant 23 : i32
    %broadcast_in_dim3A_47 = vector.broadcast %broadcast_in_dim3A_46 : i32 to vector<16xi32>
    %gather3A_48 = tpu.vector_load_idx %arg6[%broadcast_in_dim3A_47] : memref<32xf32, #tpu.memory_space<vmem>>[vector<16xi32>], vector<16xf32>,
    %broadcast_in_dim3A_49 = arith.constant 24 : i32
    %broadcast_in_dim3A_50 = vector.broadcast %broadcast_in_dim3A_49 : i32 to vector<16xi32>
    %gather3A_51 = tpu.vector_load_idx %arg6[%broadcast_in_dim3A_50] : memref<32xf32, #tpu.memory_space<vmem>>[vector<16xi32>], vector<16xf32>,
    %broadcast_in_dim3A_52 = arith.constant 25 : i32
    %broadcast_in_dim3A_53 = vector.broadcast %broadcast_in_dim3A_52 : i32 to vector<16xi32>
    %gather3A_54 = tpu.vector_load_idx %arg6[%broadcast_in_dim3A_53] : memref<32xf32, #tpu.memory_space<vmem>>[vector<16xi32>], vector<16xf32>,
    %broadcast_in_dim3A_55 = arith.constant 26 : i32
    %broadcast_in_dim3A_56 = vector.broadcast %broadcast_in_dim3A_55 : i32 to vector<16xi32>
    %gather3A_57 = tpu.vector_load_idx %arg6[%broadcast_in_dim3A_56] : memref<32xf32, #tpu.memory_space<vmem>>[vector<16xi32>], vector<16xf32>,
    %broadcast_in_dim3A_58 = arith.constant 27 : i32
    %broadcast_in_dim3A_59 = vector.broadcast %broadcast_in_dim3A_58 : i32 to vector<16xi32>
    %gather3A_60 = tpu.vector_load_idx %arg6[%broadcast_in_dim3A_59] : memref<32xf32, #tpu.memory_space<vmem>>[vector<16xi32>], vector<16xf32>,
    %broadcast_in_dim3A_61 = arith.constant 28 : i32
    %broadcast_in_dim3A_62 = vector.broadcast %broadcast_in_dim3A_61 : i32 to vector<16xi32>
    %gather3A_63 = tpu.vector_load_idx %arg6[%broadcast_in_dim3A_62] : memref<32xf32, #tpu.memory_space<vmem>>[vector<16xi32>], vector<16xf32>,
    %broadcast_in_dim3A_64 = arith.constant 29 : i32
    %broadcast_in_dim3A_65 = vector.broadcast %broadcast_in_dim3A_64 : i32 to vector<16xi32>
    %gather3A_66 = tpu.vector_load_idx %arg6[%broadcast_in_dim3A_65] : memref<32xf32, #tpu.memory_space<vmem>>[vector<16xi32>], vector<16xf32>,
    %broadcast_in_dim3A_67 = arith.constant 30 : i32
    %broadcast_in_dim3A_68 = vector.broadcast %broadcast_in_dim3A_67 : i32 to vector<16xi32>
    %gather3A_69 = tpu.vector_load_idx %arg6[%broadcast_in_dim3A_68] : memref<32xf32, #tpu.memory_space<vmem>>[vector<16xi32>], vector<16xf32>,
    %broadcast_in_dim3A_70 = arith.constant 31 : i32
    %broadcast_in_dim3A_71 = vector.broadcast %broadcast_in_dim3A_70 : i32 to vector<16xi32>
    %gather3A_72 = tpu.vector_load_idx %arg6[%broadcast_in_dim3A_71] : memref<32xf32, #tpu.memory_space<vmem>>[vector<16xi32>], vector<16xf32>,
    %multiple_of3A = arith.constant 0 : i32
    %multiple_of3A_73 = tpu.assume_multiple %multiple_of3A, 16 : i32
    %get3A = arith.index_cast %multiple_of3A_73 : i32 to index
    %get3A_74 = tpu.vector_load %arg5[%get3A] {strides = array<i32>} : memref<512xf32, #tpu.memory_space<vmem>>, vector<16xf32>,
    %div3A = arith.constant 1.000000e-03 : f32
    %div3A_75 = vector.broadcast %div3A : f32 to vector<16xf32>
    %div3A_76 = arith.divf %get3A_74, %div3A_75 : vector<16xf32>
    %convert_element_type3A = arith.fptosi %div3A_76 : vector<16xf32> to vector<16xi32>
    %convert_element_type3A_77 = arith.sitofp %convert_element_type3A : vector<16xi32> to vector<16xf32>
    %mul3A_78 = arith.constant 1.000000e-03 : f32
    %mul3A_79 = vector.broadcast %mul3A_78 : f32 to vector<16xf32>
    %mul3A_80 = arith.mulf %convert_element_type3A_77, %mul3A_79 : vector<16xf32>
    %sub3A = arith.subf %get3A_74, %mul3A_80 : vector<16xf32>
    %add3A_81 = arith.constant 0 : i32
    %add3A_82 = vector.broadcast %add3A_81 : i32 to vector<16xi32>
    %add3A_83 = arith.addi %add3A_82, %iota3A : vector<16xi32>
    %add3A_84 = arith.constant 3.000000e-03 : f32
    %add3A_85 = vector.broadcast %add3A_84 : f32 to vector<16xf32>
    %add3A_86 = arith.addf %sub3A, %add3A_85 : vector<16xf32>
    %mul3A_87 = arith.mulf %gather3A_36, %add3A_86 : vector<16xf32>
    %add3A_88 = arith.addf %mul3A_87, %gather3A_33 : vector<16xf32>
    %mul3A_89 = arith.mulf %add3A_88, %add3A_86 : vector<16xf32>
    %add3A_90 = arith.addf %mul3A_89, %gather3A_30 : vector<16xf32>
    %mul3A_91 = arith.mulf %add3A_90, %add3A_86 : vector<16xf32>
    %add3A_92 = arith.addf %mul3A_91, %gather3A : vector<16xf32>
    %add3A_93 = arith.constant 0 : i32
    %add3A_94 = vector.broadcast %add3A_93 : i32 to vector<16xi32>
    %add3A_95 = arith.addi %convert_element_type3A, %add3A_94 : vector<16xi32>
    tpu.vector_store_idx %arg7[%add3A_83, %add3A_95], %add3A_92 : memref<16x1024xf32, #tpu.memory_space<vmem>>[vector<16xi32>, vector<16xi32>], vector<16xf32>,
    %add3A_96 = arith.constant 2.000000e-03 : f32
    %add3A_97 = vector.broadcast %add3A_96 : f32 to vector<16xf32>
    %add3A_98 = arith.addf %sub3A, %add3A_97 : vector<16xf32>
    %mul3A_99 = arith.mulf %gather3A_48, %add3A_98 : vector<16xf32>
    %add3A_100 = arith.addf %mul3A_99, %gather3A_45 : vector<16xf32>
    %mul3A_101 = arith.mulf %add3A_100, %add3A_98 : vector<16xf32>
    %add3A_102 = arith.addf %mul3A_101, %gather3A_42 : vector<16xf32>
    %mul3A_103 = arith.mulf %add3A_102, %add3A_98 : vector<16xf32>
    %add3A_104 = arith.addf %mul3A_103, %gather3A_39 : vector<16xf32>
    %add3A_105 = arith.constant 1 : i32
    %add3A_106 = vector.broadcast %add3A_105 : i32 to vector<16xi32>
    %add3A_107 = arith.addi %convert_element_type3A, %add3A_106 : vector<16xi32>
    tpu.vector_store_idx %arg7[%add3A_83, %add3A_107], %add3A_104 : memref<16x1024xf32, #tpu.memory_space<vmem>>[vector<16xi32>, vector<16xi32>], vector<16xf32>,
    %add3A_108 = arith.constant 1.000000e-03 : f32
    %add3A_109 = vector.broadcast %add3A_108 : f32 to vector<16xf32>
    %add3A_110 = arith.addf %sub3A, %add3A_109 : vector<16xf32>
    %mul3A_111 = arith.mulf %gather3A_60, %add3A_110 : vector<16xf32>
    %add3A_112 = arith.addf %mul3A_111, %gather3A_57 : vector<16xf32>
    %mul3A_113 = arith.mulf %add3A_112, %add3A_110 : vector<16xf32>
    %add3A_114 = arith.addf %mul3A_113, %gather3A_54 : vector<16xf32>
    %mul3A_115 = arith.mulf %add3A_114, %add3A_110 : vector<16xf32>
    %add3A_116 = arith.addf %mul3A_115, %gather3A_51 : vector<16xf32>
    %add3A_117 = arith.constant 2 : i32
    %add3A_118 = vector.broadcast %add3A_117 : i32 to vector<16xi32>
    %add3A_119 = arith.addi %convert_element_type3A, %add3A_118 : vector<16xi32>
    tpu.vector_store_idx %arg7[%add3A_83, %add3A_119], %add3A_116 : memref<16x1024xf32, #tpu.memory_space<vmem>>[vector<16xi32>, vector<16xi32>], vector<16xf32>,
    %add3A_120 = arith.constant 0.000000e+00 : f32
    %add3A_121 = vector.broadcast %add3A_120 : f32 to vector<16xf32>
    %add3A_122 = arith.addf %sub3A, %add3A_121 : vector<16xf32>
    %mul3A_123 = arith.mulf %gather3A_72, %add3A_122 : vector<16xf32>
    %add3A_124 = arith.addf %mul3A_123, %gather3A_69 : vector<16xf32>
    %mul3A_125 = arith.mulf %add3A_124, %add3A_122 : vector<16xf32>
    %add3A_126 = arith.addf %mul3A_125, %gather3A_66 : vector<16xf32>
    %mul3A_127 = arith.mulf %add3A_126, %add3A_122 : vector<16xf32>
    %add3A_128 = arith.addf %mul3A_127, %gather3A_63 : vector<16xf32>
    %add3A_129 = arith.constant 3 : i32
    %add3A_130 = vector.broadcast %add3A_129 : i32 to vector<16xi32>
    %add3A_131 = arith.addi %convert_element_type3A, %add3A_130 : vector<16xi32>
    tpu.vector_store_idx %arg7[%add3A_83, %add3A_131], %add3A_128 : memref<16x1024xf32, #tpu.memory_space<vmem>>[vector<16xi32>, vector<16xi32>], vector<16xf32>,
    %add3A_132 = arith.constant 0 : i32
    %add3A_133 = arith.addi %mul3A_2, %add3A_132 : i32
    %dma_start3A_134 = arith.constant 0 : i32
    %dma_start3A_135 = tpu.memref_slice %arg4[%add3A_133, %dma_start3A_134] : memref<16384x1024xf32, #tpu.memory_space<hbm>> -> memref<16x1024xf32, #tpu.memory_space<hbm>>
    %dma_start3A_136 = arith.constant 0 : i32
    %dma_start3A_137 = tpu.memref_slice %arg4[%add3A_133, %dma_start3A_136] : memref<16384x1024xf32, #tpu.memory_space<hbm>> -> memref<16x1024xf32, #tpu.memory_space<hbm>>
    tpu.enqueue_dma source(%arg7 : memref<16x1024xf32, #tpu.memory_space<vmem>>) target(%dma_start3A_137 : memref<16x1024xf32, #tpu.memory_space<hbm>>) target_semaphore(%arg11 : memref<!tpu.dma_semaphore, #tpu.memory_space<semaphore_mem>>)
    %scan3A_138 = arith.constant 0 : i32
    %scan3A_139 = arith.constant 16 : i32
    %scan3A_140 = arith.addi %scan3A_138, %scan3A_139 : i32
    %scan3A_141 = arith.constant 1 : i32
    scf.for %scan3A_392 = %scan3A_138 to %scan3A_140 step %scan3A_141  : i32 {
      %mul3A_393 = arith.constant 1 : i32
      %mul3A_394 = arith.muli %scan3A_392, %mul3A_393 : i32
      %add3A_395 = arith.constant 0 : i32
      %add3A_396 = arith.addi %add3A_395, %mul3A_394 : i32
      %swap3A = arith.index_cast %add3A_396 : i32 to index
      %swap3A_397 = arith.constant 0 : index
      %swap3A_398 = tpu.vector_load %arg8[%swap3A, %swap3A_397] {strides = array<i32>} : memref<16x1024xf32, #tpu.memory_space<vmem>>, vector<16xf32>,
      tpu.vector_store %arg8[%swap3A, %swap3A_397], %broadcast_in_dim3A_12 {strides = array<i32>} : memref<16x1024xf32, #tpu.memory_space<vmem>>, vector<16xf32>,
      %swap3A_399 = arith.index_cast %add3A_396 : i32 to index
      %swap3A_400 = arith.constant 16 : index
      %swap3A_401 = tpu.vector_load %arg8[%swap3A_399, %swap3A_400] {strides = array<i32>} : memref<16x1024xf32, #tpu.memory_space<vmem>>, vector<16xf32>,
      tpu.vector_store %arg8[%swap3A_399, %swap3A_400], %broadcast_in_dim3A_12 {strides = array<i32>} : memref<16x1024xf32, #tpu.memory_space<vmem>>, vector<16xf32>,
      %swap3A_402 = arith.index_cast %add3A_396 : i32 to index
      %swap3A_403 = arith.constant 32 : index
      %swap3A_404 = tpu.vector_load %arg8[%swap3A_402, %swap3A_403] {strides = array<i32>} : memref<16x1024xf32, #tpu.memory_space<vmem>>, vector<16xf32>,
      tpu.vector_store %arg8[%swap3A_402, %swap3A_403], %broadcast_in_dim3A_12 {strides = array<i32>} : memref<16x1024xf32, #tpu.memory_space<vmem>>, vector<16xf32>,
      %swap3A_405 = arith.index_cast %add3A_396 : i32 to index
      %swap3A_406 = arith.constant 48 : index
      %swap3A_407 = tpu.vector_load %arg8[%swap3A_405, %swap3A_406] {strides = array<i32>} : memref<16x1024xf32, #tpu.memory_space<vmem>>, vector<16xf32>,
      tpu.vector_store %arg8[%swap3A_405, %swap3A_406], %broadcast_in_dim3A_12 {strides = array<i32>} : memref<16x1024xf32, #tpu.memory_space<vmem>>, vector<16xf32>,
      %swap3A_408 = arith.index_cast %add3A_396 : i32 to index
      %swap3A_409 = arith.constant 64 : index
      %swap3A_410 = tpu.vector_load %arg8[%swap3A_408, %swap3A_409] {strides = array<i32>} : memref<16x1024xf32, #tpu.memory_space<vmem>>, vector<16xf32>,
      tpu.vector_store %arg8[%swap3A_408, %swap3A_409], %broadcast_in_dim3A_12 {strides = array<i32>} : memref<16x1024xf32, #tpu.memory_space<vmem>>, vector<16xf32>,
      %swap3A_411 = arith.index_cast %add3A_396 : i32 to index
      %swap3A_412 = arith.constant 80 : index
      %swap3A_413 = tpu.vector_load %arg8[%swap3A_411, %swap3A_412] {strides = array<i32>} : memref<16x1024xf32, #tpu.memory_space<vmem>>, vector<16xf32>,
      tpu.vector_store %arg8[%swap3A_411, %swap3A_412], %broadcast_in_dim3A_12 {strides = array<i32>} : memref<16x1024xf32, #tpu.memory_space<vmem>>, vector<16xf32>,
      %swap3A_414 = arith.index_cast %add3A_396 : i32 to index
      %swap3A_415 = arith.constant 96 : index
      %swap3A_416 = tpu.vector_load %arg8[%swap3A_414, %swap3A_415] {strides = array<i32>} : memref<16x1024xf32, #tpu.memory_space<vmem>>, vector<16xf32>,
      tpu.vector_store %arg8[%swap3A_414, %swap3A_415], %broadcast_in_dim3A_12 {strides = array<i32>} : memref<16x1024xf32, #tpu.memory_space<vmem>>, vector<16xf32>,
      %swap3A_417 = arith.index_cast %add3A_396 : i32 to index
      %swap3A_418 = arith.constant 112 : index
      %swap3A_419 = tpu.vector_load %arg8[%swap3A_417, %swap3A_418] {strides = array<i32>} : memref<16x1024xf32, #tpu.memory_space<vmem>>, vector<16xf32>,
      tpu.vector_store %arg8[%swap3A_417, %swap3A_418], %broadcast_in_dim3A_12 {strides = array<i32>} : memref<16x1024xf32, #tpu.memory_space<vmem>>, vector<16xf32>,
      %swap3A_420 = arith.index_cast %add3A_396 : i32 to index
      %swap3A_421 = arith.constant 128 : index
      %swap3A_422 = tpu.vector_load %arg8[%swap3A_420, %swap3A_421] {strides = array<i32>} : memref<16x1024xf32, #tpu.memory_space<vmem>>, vector<16xf32>,
      tpu.vector_store %arg8[%swap3A_420, %swap3A_421], %broadcast_in_dim3A_12 {strides = array<i32>} : memref<16x1024xf32, #tpu.memory_space<vmem>>, vector<16xf32>,
      %swap3A_423 = arith.index_cast %add3A_396 : i32 to index
      %swap3A_424 = arith.constant 144 : index
      %swap3A_425 = tpu.vector_load %arg8[%swap3A_423, %swap3A_424] {strides = array<i32>} : memref<16x1024xf32, #tpu.memory_space<vmem>>, vector<16xf32>,
      tpu.vector_store %arg8[%swap3A_423, %swap3A_424], %broadcast_in_dim3A_12 {strides = array<i32>} : memref<16x1024xf32, #tpu.memory_space<vmem>>, vector<16xf32>,
      %swap3A_426 = arith.index_cast %add3A_396 : i32 to index
      %swap3A_427 = arith.constant 160 : index
      %swap3A_428 = tpu.vector_load %arg8[%swap3A_426, %swap3A_427] {strides = array<i32>} : memref<16x1024xf32, #tpu.memory_space<vmem>>, vector<16xf32>,
      tpu.vector_store %arg8[%swap3A_426, %swap3A_427], %broadcast_in_dim3A_12 {strides = array<i32>} : memref<16x1024xf32, #tpu.memory_space<vmem>>, vector<16xf32>,
      %swap3A_429 = arith.index_cast %add3A_396 : i32 to index
      %swap3A_430 = arith.constant 176 : index
      %swap3A_431 = tpu.vector_load %arg8[%swap3A_429, %swap3A_430] {strides = array<i32>} : memref<16x1024xf32, #tpu.memory_space<vmem>>, vector<16xf32>,
      tpu.vector_store %arg8[%swap3A_429, %swap3A_430], %broadcast_in_dim3A_12 {strides = array<i32>} : memref<16x1024xf32, #tpu.memory_space<vmem>>, vector<16xf32>,
      %swap3A_432 = arith.index_cast %add3A_396 : i32 to index
      %swap3A_433 = arith.constant 192 : index
      %swap3A_434 = tpu.vector_load %arg8[%swap3A_432, %swap3A_433] {strides = array<i32>} : memref<16x1024xf32, #tpu.memory_space<vmem>>, vector<16xf32>,
      tpu.vector_store %arg8[%swap3A_432, %swap3A_433], %broadcast_in_dim3A_12 {strides = array<i32>} : memref<16x1024xf32, #tpu.memory_space<vmem>>, vector<16xf32>,
      %swap3A_435 = arith.index_cast %add3A_396 : i32 to index
      %swap3A_436 = arith.constant 208 : index
      %swap3A_437 = tpu.vector_load %arg8[%swap3A_435, %swap3A_436] {strides = array<i32>} : memref<16x1024xf32, #tpu.memory_space<vmem>>, vector<16xf32>,
      tpu.vector_store %arg8[%swap3A_435, %swap3A_436], %broadcast_in_dim3A_12 {strides = array<i32>} : memref<16x1024xf32, #tpu.memory_space<vmem>>, vector<16xf32>,
      %swap3A_438 = arith.index_cast %add3A_396 : i32 to index
      %swap3A_439 = arith.constant 224 : index
      %swap3A_440 = tpu.vector_load %arg8[%swap3A_438, %swap3A_439] {strides = array<i32>} : memref<16x1024xf32, #tpu.memory_space<vmem>>, vector<16xf32>,
      tpu.vector_store %arg8[%swap3A_438, %swap3A_439], %broadcast_in_dim3A_12 {strides = array<i32>} : memref<16x1024xf32, #tpu.memory_space<vmem>>, vector<16xf32>,
      %swap3A_441 = arith.index_cast %add3A_396 : i32 to index
      %swap3A_442 = arith.constant 240 : index
      %swap3A_443 = tpu.vector_load %arg8[%swap3A_441, %swap3A_442] {strides = array<i32>} : memref<16x1024xf32, #tpu.memory_space<vmem>>, vector<16xf32>,
      tpu.vector_store %arg8[%swap3A_441, %swap3A_442], %broadcast_in_dim3A_12 {strides = array<i32>} : memref<16x1024xf32, #tpu.memory_space<vmem>>, vector<16xf32>,
      %swap3A_444 = arith.index_cast %add3A_396 : i32 to index
      %swap3A_445 = arith.constant 256 : index
      %swap3A_446 = tpu.vector_load %arg8[%swap3A_444, %swap3A_445] {strides = array<i32>} : memref<16x1024xf32, #tpu.memory_space<vmem>>, vector<16xf32>,
      tpu.vector_store %arg8[%swap3A_444, %swap3A_445], %broadcast_in_dim3A_12 {strides = array<i32>} : memref<16x1024xf32, #tpu.memory_space<vmem>>, vector<16xf32>,
      %swap3A_447 = arith.index_cast %add3A_396 : i32 to index
      %swap3A_448 = arith.constant 272 : index
      %swap3A_449 = tpu.vector_load %arg8[%swap3A_447, %swap3A_448] {strides = array<i32>} : memref<16x1024xf32, #tpu.memory_space<vmem>>, vector<16xf32>,
      tpu.vector_store %arg8[%swap3A_447, %swap3A_448], %broadcast_in_dim3A_12 {strides = array<i32>} : memref<16x1024xf32, #tpu.memory_space<vmem>>, vector<16xf32>,
      %swap3A_450 = arith.index_cast %add3A_396 : i32 to index
      %swap3A_451 = arith.constant 288 : index
      %swap3A_452 = tpu.vector_load %arg8[%swap3A_450, %swap3A_451] {strides = array<i32>} : memref<16x1024xf32, #tpu.memory_space<vmem>>, vector<16xf32>,
      tpu.vector_store %arg8[%swap3A_450, %swap3A_451], %broadcast_in_dim3A_12 {strides = array<i32>} : memref<16x1024xf32, #tpu.memory_space<vmem>>, vector<16xf32>,
      %swap3A_453 = arith.index_cast %add3A_396 : i32 to index
      %swap3A_454 = arith.constant 304 : index
      %swap3A_455 = tpu.vector_load %arg8[%swap3A_453, %swap3A_454] {strides = array<i32>} : memref<16x1024xf32, #tpu.memory_space<vmem>>, vector<16xf32>,
      tpu.vector_store %arg8[%swap3A_453, %swap3A_454], %broadcast_in_dim3A_12 {strides = array<i32>} : memref<16x1024xf32, #tpu.memory_space<vmem>>, vector<16xf32>,
      %swap3A_456 = arith.index_cast %add3A_396 : i32 to index
      %swap3A_457 = arith.constant 320 : index
      %swap3A_458 = tpu.vector_load %arg8[%swap3A_456, %swap3A_457] {strides = array<i32>} : memref<16x1024xf32, #tpu.memory_space<vmem>>, vector<16xf32>,
      tpu.vector_store %arg8[%swap3A_456, %swap3A_457], %broadcast_in_dim3A_12 {strides = array<i32>} : memref<16x1024xf32, #tpu.memory_space<vmem>>, vector<16xf32>,
      %swap3A_459 = arith.index_cast %add3A_396 : i32 to index
      %swap3A_460 = arith.constant 336 : index
      %swap3A_461 = tpu.vector_load %arg8[%swap3A_459, %swap3A_460] {strides = array<i32>} : memref<16x1024xf32, #tpu.memory_space<vmem>>, vector<16xf32>,
      tpu.vector_store %arg8[%swap3A_459, %swap3A_460], %broadcast_in_dim3A_12 {strides = array<i32>} : memref<16x1024xf32, #tpu.memory_space<vmem>>, vector<16xf32>,
      %swap3A_462 = arith.index_cast %add3A_396 : i32 to index
      %swap3A_463 = arith.constant 352 : index
      %swap3A_464 = tpu.vector_load %arg8[%swap3A_462, %swap3A_463] {strides = array<i32>} : memref<16x1024xf32, #tpu.memory_space<vmem>>, vector<16xf32>,
      tpu.vector_store %arg8[%swap3A_462, %swap3A_463], %broadcast_in_dim3A_12 {strides = array<i32>} : memref<16x1024xf32, #tpu.memory_space<vmem>>, vector<16xf32>,
      %swap3A_465 = arith.index_cast %add3A_396 : i32 to index
      %swap3A_466 = arith.constant 368 : index
      %swap3A_467 = tpu.vector_load %arg8[%swap3A_465, %swap3A_466] {strides = array<i32>} : memref<16x1024xf32, #tpu.memory_space<vmem>>, vector<16xf32>,
      tpu.vector_store %arg8[%swap3A_465, %swap3A_466], %broadcast_in_dim3A_12 {strides = array<i32>} : memref<16x1024xf32, #tpu.memory_space<vmem>>, vector<16xf32>,
      %swap3A_468 = arith.index_cast %add3A_396 : i32 to index
      %swap3A_469 = arith.constant 384 : index
      %swap3A_470 = tpu.vector_load %arg8[%swap3A_468, %swap3A_469] {strides = array<i32>} : memref<16x1024xf32, #tpu.memory_space<vmem>>, vector<16xf32>,
      tpu.vector_store %arg8[%swap3A_468, %swap3A_469], %broadcast_in_dim3A_12 {strides = array<i32>} : memref<16x1024xf32, #tpu.memory_space<vmem>>, vector<16xf32>,
      %swap3A_471 = arith.index_cast %add3A_396 : i32 to index
      %swap3A_472 = arith.constant 400 : index
      %swap3A_473 = tpu.vector_load %arg8[%swap3A_471, %swap3A_472] {strides = array<i32>} : memref<16x1024xf32, #tpu.memory_space<vmem>>, vector<16xf32>,
      tpu.vector_store %arg8[%swap3A_471, %swap3A_472], %broadcast_in_dim3A_12 {strides = array<i32>} : memref<16x1024xf32, #tpu.memory_space<vmem>>, vector<16xf32>,
      %swap3A_474 = arith.index_cast %add3A_396 : i32 to index
      %swap3A_475 = arith.constant 416 : index
      %swap3A_476 = tpu.vector_load %arg8[%swap3A_474, %swap3A_475] {strides = array<i32>} : memref<16x1024xf32, #tpu.memory_space<vmem>>, vector<16xf32>,
      tpu.vector_store %arg8[%swap3A_474, %swap3A_475], %broadcast_in_dim3A_12 {strides = array<i32>} : memref<16x1024xf32, #tpu.memory_space<vmem>>, vector<16xf32>,
      %swap3A_477 = arith.index_cast %add3A_396 : i32 to index
      %swap3A_478 = arith.constant 432 : index
      %swap3A_479 = tpu.vector_load %arg8[%swap3A_477, %swap3A_478] {strides = array<i32>} : memref<16x1024xf32, #tpu.memory_space<vmem>>, vector<16xf32>,
      tpu.vector_store %arg8[%swap3A_477, %swap3A_478], %broadcast_in_dim3A_12 {strides = array<i32>} : memref<16x1024xf32, #tpu.memory_space<vmem>>, vector<16xf32>,
      %swap3A_480 = arith.index_cast %add3A_396 : i32 to index
      %swap3A_481 = arith.constant 448 : index
      %swap3A_482 = tpu.vector_load %arg8[%swap3A_480, %swap3A_481] {strides = array<i32>} : memref<16x1024xf32, #tpu.memory_space<vmem>>, vector<16xf32>,
      tpu.vector_store %arg8[%swap3A_480, %swap3A_481], %broadcast_in_dim3A_12 {strides = array<i32>} : memref<16x1024xf32, #tpu.memory_space<vmem>>, vector<16xf32>,
      %swap3A_483 = arith.index_cast %add3A_396 : i32 to index
      %swap3A_484 = arith.constant 464 : index
      %swap3A_485 = tpu.vector_load %arg8[%swap3A_483, %swap3A_484] {strides = array<i32>} : memref<16x1024xf32, #tpu.memory_space<vmem>>, vector<16xf32>,
      tpu.vector_store %arg8[%swap3A_483, %swap3A_484], %broadcast_in_dim3A_12 {strides = array<i32>} : memref<16x1024xf32, #tpu.memory_space<vmem>>, vector<16xf32>,
      %swap3A_486 = arith.index_cast %add3A_396 : i32 to index
      %swap3A_487 = arith.constant 480 : index
      %swap3A_488 = tpu.vector_load %arg8[%swap3A_486, %swap3A_487] {strides = array<i32>} : memref<16x1024xf32, #tpu.memory_space<vmem>>, vector<16xf32>,
      tpu.vector_store %arg8[%swap3A_486, %swap3A_487], %broadcast_in_dim3A_12 {strides = array<i32>} : memref<16x1024xf32, #tpu.memory_space<vmem>>, vector<16xf32>,
      %swap3A_489 = arith.index_cast %add3A_396 : i32 to index
      %swap3A_490 = arith.constant 496 : index
      %swap3A_491 = tpu.vector_load %arg8[%swap3A_489, %swap3A_490] {strides = array<i32>} : memref<16x1024xf32, #tpu.memory_space<vmem>>, vector<16xf32>,
      tpu.vector_store %arg8[%swap3A_489, %swap3A_490], %broadcast_in_dim3A_12 {strides = array<i32>} : memref<16x1024xf32, #tpu.memory_space<vmem>>, vector<16xf32>,
      %swap3A_492 = arith.index_cast %add3A_396 : i32 to index
      %swap3A_493 = arith.constant 512 : index
      %swap3A_494 = tpu.vector_load %arg8[%swap3A_492, %swap3A_493] {strides = array<i32>} : memref<16x1024xf32, #tpu.memory_space<vmem>>, vector<16xf32>,
      tpu.vector_store %arg8[%swap3A_492, %swap3A_493], %broadcast_in_dim3A_12 {strides = array<i32>} : memref<16x1024xf32, #tpu.memory_space<vmem>>, vector<16xf32>,
      %swap3A_495 = arith.index_cast %add3A_396 : i32 to index
      %swap3A_496 = arith.constant 528 : index
      %swap3A_497 = tpu.vector_load %arg8[%swap3A_495, %swap3A_496] {strides = array<i32>} : memref<16x1024xf32, #tpu.memory_space<vmem>>, vector<16xf32>,
      tpu.vector_store %arg8[%swap3A_495, %swap3A_496], %broadcast_in_dim3A_12 {strides = array<i32>} : memref<16x1024xf32, #tpu.memory_space<vmem>>, vector<16xf32>,
      %swap3A_498 = arith.index_cast %add3A_396 : i32 to index
      %swap3A_499 = arith.constant 544 : index
      %swap3A_500 = tpu.vector_load %arg8[%swap3A_498, %swap3A_499] {strides = array<i32>} : memref<16x1024xf32, #tpu.memory_space<vmem>>, vector<16xf32>,
      tpu.vector_store %arg8[%swap3A_498, %swap3A_499], %broadcast_in_dim3A_12 {strides = array<i32>} : memref<16x1024xf32, #tpu.memory_space<vmem>>, vector<16xf32>,
      %swap3A_501 = arith.index_cast %add3A_396 : i32 to index
      %swap3A_502 = arith.constant 560 : index
      %swap3A_503 = tpu.vector_load %arg8[%swap3A_501, %swap3A_502] {strides = array<i32>} : memref<16x1024xf32, #tpu.memory_space<vmem>>, vector<16xf32>,
      tpu.vector_store %arg8[%swap3A_501, %swap3A_502], %broadcast_in_dim3A_12 {strides = array<i32>} : memref<16x1024xf32, #tpu.memory_space<vmem>>, vector<16xf32>,
      %swap3A_504 = arith.index_cast %add3A_396 : i32 to index
      %swap3A_505 = arith.constant 576 : index
      %swap3A_506 = tpu.vector_load %arg8[%swap3A_504, %swap3A_505] {strides = array<i32>} : memref<16x1024xf32, #tpu.memory_space<vmem>>, vector<16xf32>,
      tpu.vector_store %arg8[%swap3A_504, %swap3A_505], %broadcast_in_dim3A_12 {strides = array<i32>} : memref<16x1024xf32, #tpu.memory_space<vmem>>, vector<16xf32>,
      %swap3A_507 = arith.index_cast %add3A_396 : i32 to index
      %swap3A_508 = arith.constant 592 : index
      %swap3A_509 = tpu.vector_load %arg8[%swap3A_507, %swap3A_508] {strides = array<i32>} : memref<16x1024xf32, #tpu.memory_space<vmem>>, vector<16xf32>,
      tpu.vector_store %arg8[%swap3A_507, %swap3A_508], %broadcast_in_dim3A_12 {strides = array<i32>} : memref<16x1024xf32, #tpu.memory_space<vmem>>, vector<16xf32>,
      %swap3A_510 = arith.index_cast %add3A_396 : i32 to index
      %swap3A_511 = arith.constant 608 : index
      %swap3A_512 = tpu.vector_load %arg8[%swap3A_510, %swap3A_511] {strides = array<i32>} : memref<16x1024xf32, #tpu.memory_space<vmem>>, vector<16xf32>,
      tpu.vector_store %arg8[%swap3A_510, %swap3A_511], %broadcast_in_dim3A_12 {strides = array<i32>} : memref<16x1024xf32, #tpu.memory_space<vmem>>, vector<16xf32>,
      %swap3A_513 = arith.index_cast %add3A_396 : i32 to index
      %swap3A_514 = arith.constant 624 : index
      %swap3A_515 = tpu.vector_load %arg8[%swap3A_513, %swap3A_514] {strides = array<i32>} : memref<16x1024xf32, #tpu.memory_space<vmem>>, vector<16xf32>,
      tpu.vector_store %arg8[%swap3A_513, %swap3A_514], %broadcast_in_dim3A_12 {strides = array<i32>} : memref<16x1024xf32, #tpu.memory_space<vmem>>, vector<16xf32>,
      %swap3A_516 = arith.index_cast %add3A_396 : i32 to index
      %swap3A_517 = arith.constant 640 : index
      %swap3A_518 = tpu.vector_load %arg8[%swap3A_516, %swap3A_517] {strides = array<i32>} : memref<16x1024xf32, #tpu.memory_space<vmem>>, vector<16xf32>,
      tpu.vector_store %arg8[%swap3A_516, %swap3A_517], %broadcast_in_dim3A_12 {strides = array<i32>} : memref<16x1024xf32, #tpu.memory_space<vmem>>, vector<16xf32>,
      %swap3A_519 = arith.index_cast %add3A_396 : i32 to index
      %swap3A_520 = arith.constant 656 : index
      %swap3A_521 = tpu.vector_load %arg8[%swap3A_519, %swap3A_520] {strides = array<i32>} : memref<16x1024xf32, #tpu.memory_space<vmem>>, vector<16xf32>,
      tpu.vector_store %arg8[%swap3A_519, %swap3A_520], %broadcast_in_dim3A_12 {strides = array<i32>} : memref<16x1024xf32, #tpu.memory_space<vmem>>, vector<16xf32>,
      %swap3A_522 = arith.index_cast %add3A_396 : i32 to index
      %swap3A_523 = arith.constant 672 : index
      %swap3A_524 = tpu.vector_load %arg8[%swap3A_522, %swap3A_523] {strides = array<i32>} : memref<16x1024xf32, #tpu.memory_space<vmem>>, vector<16xf32>,
      tpu.vector_store %arg8[%swap3A_522, %swap3A_523], %broadcast_in_dim3A_12 {strides = array<i32>} : memref<16x1024xf32, #tpu.memory_space<vmem>>, vector<16xf32>,
      %swap3A_525 = arith.index_cast %add3A_396 : i32 to index
      %swap3A_526 = arith.constant 688 : index
      %swap3A_527 = tpu.vector_load %arg8[%swap3A_525, %swap3A_526] {strides = array<i32>} : memref<16x1024xf32, #tpu.memory_space<vmem>>, vector<16xf32>,
      tpu.vector_store %arg8[%swap3A_525, %swap3A_526], %broadcast_in_dim3A_12 {strides = array<i32>} : memref<16x1024xf32, #tpu.memory_space<vmem>>, vector<16xf32>,
      %swap3A_528 = arith.index_cast %add3A_396 : i32 to index
      %swap3A_529 = arith.constant 704 : index
      %swap3A_530 = tpu.vector_load %arg8[%swap3A_528, %swap3A_529] {strides = array<i32>} : memref<16x1024xf32, #tpu.memory_space<vmem>>, vector<16xf32>,
      tpu.vector_store %arg8[%swap3A_528, %swap3A_529], %broadcast_in_dim3A_12 {strides = array<i32>} : memref<16x1024xf32, #tpu.memory_space<vmem>>, vector<16xf32>,
      %swap3A_531 = arith.index_cast %add3A_396 : i32 to index
      %swap3A_532 = arith.constant 720 : index
      %swap3A_533 = tpu.vector_load %arg8[%swap3A_531, %swap3A_532] {strides = array<i32>} : memref<16x1024xf32, #tpu.memory_space<vmem>>, vector<16xf32>,
      tpu.vector_store %arg8[%swap3A_531, %swap3A_532], %broadcast_in_dim3A_12 {strides = array<i32>} : memref<16x1024xf32, #tpu.memory_space<vmem>>, vector<16xf32>,
      %swap3A_534 = arith.index_cast %add3A_396 : i32 to index
      %swap3A_535 = arith.constant 736 : index
      %swap3A_536 = tpu.vector_load %arg8[%swap3A_534, %swap3A_535] {strides = array<i32>} : memref<16x1024xf32, #tpu.memory_space<vmem>>, vector<16xf32>,
      tpu.vector_store %arg8[%swap3A_534, %swap3A_535], %broadcast_in_dim3A_12 {strides = array<i32>} : memref<16x1024xf32, #tpu.memory_space<vmem>>, vector<16xf32>,
      %swap3A_537 = arith.index_cast %add3A_396 : i32 to index
      %swap3A_538 = arith.constant 752 : index
      %swap3A_539 = tpu.vector_load %arg8[%swap3A_537, %swap3A_538] {strides = array<i32>} : memref<16x1024xf32, #tpu.memory_space<vmem>>, vector<16xf32>,
      tpu.vector_store %arg8[%swap3A_537, %swap3A_538], %broadcast_in_dim3A_12 {strides = array<i32>} : memref<16x1024xf32, #tpu.memory_space<vmem>>, vector<16xf32>,
      %swap3A_540 = arith.index_cast %add3A_396 : i32 to index
      %swap3A_541 = arith.constant 768 : index
      %swap3A_542 = tpu.vector_load %arg8[%swap3A_540, %swap3A_541] {strides = array<i32>} : memref<16x1024xf32, #tpu.memory_space<vmem>>, vector<16xf32>,
      tpu.vector_store %arg8[%swap3A_540, %swap3A_541], %broadcast_in_dim3A_12 {strides = array<i32>} : memref<16x1024xf32, #tpu.memory_space<vmem>>, vector<16xf32>,
      %swap3A_543 = arith.index_cast %add3A_396 : i32 to index
      %swap3A_544 = arith.constant 784 : index
      %swap3A_545 = tpu.vector_load %arg8[%swap3A_543, %swap3A_544] {strides = array<i32>} : memref<16x1024xf32, #tpu.memory_space<vmem>>, vector<16xf32>,
      tpu.vector_store %arg8[%swap3A_543, %swap3A_544], %broadcast_in_dim3A_12 {strides = array<i32>} : memref<16x1024xf32, #tpu.memory_space<vmem>>, vector<16xf32>,
      %swap3A_546 = arith.index_cast %add3A_396 : i32 to index
      %swap3A_547 = arith.constant 800 : index
      %swap3A_548 = tpu.vector_load %arg8[%swap3A_546, %swap3A_547] {strides = array<i32>} : memref<16x1024xf32, #tpu.memory_space<vmem>>, vector<16xf32>,
      tpu.vector_store %arg8[%swap3A_546, %swap3A_547], %broadcast_in_dim3A_12 {strides = array<i32>} : memref<16x1024xf32, #tpu.memory_space<vmem>>, vector<16xf32>,
      %swap3A_549 = arith.index_cast %add3A_396 : i32 to index
      %swap3A_550 = arith.constant 816 : index
      %swap3A_551 = tpu.vector_load %arg8[%swap3A_549, %swap3A_550] {strides = array<i32>} : memref<16x1024xf32, #tpu.memory_space<vmem>>, vector<16xf32>,
      tpu.vector_store %arg8[%swap3A_549, %swap3A_550], %broadcast_in_dim3A_12 {strides = array<i32>} : memref<16x1024xf32, #tpu.memory_space<vmem>>, vector<16xf32>,
      %swap3A_552 = arith.index_cast %add3A_396 : i32 to index
      %swap3A_553 = arith.constant 832 : index
      %swap3A_554 = tpu.vector_load %arg8[%swap3A_552, %swap3A_553] {strides = array<i32>} : memref<16x1024xf32, #tpu.memory_space<vmem>>, vector<16xf32>,
      tpu.vector_store %arg8[%swap3A_552, %swap3A_553], %broadcast_in_dim3A_12 {strides = array<i32>} : memref<16x1024xf32, #tpu.memory_space<vmem>>, vector<16xf32>,
      %swap3A_555 = arith.index_cast %add3A_396 : i32 to index
      %swap3A_556 = arith.constant 848 : index
      %swap3A_557 = tpu.vector_load %arg8[%swap3A_555, %swap3A_556] {strides = array<i32>} : memref<16x1024xf32, #tpu.memory_space<vmem>>, vector<16xf32>,
      tpu.vector_store %arg8[%swap3A_555, %swap3A_556], %broadcast_in_dim3A_12 {strides = array<i32>} : memref<16x1024xf32, #tpu.memory_space<vmem>>, vector<16xf32>,
      %swap3A_558 = arith.index_cast %add3A_396 : i32 to index
      %swap3A_559 = arith.constant 864 : index
      %swap3A_560 = tpu.vector_load %arg8[%swap3A_558, %swap3A_559] {strides = array<i32>} : memref<16x1024xf32, #tpu.memory_space<vmem>>, vector<16xf32>,
      tpu.vector_store %arg8[%swap3A_558, %swap3A_559], %broadcast_in_dim3A_12 {strides = array<i32>} : memref<16x1024xf32, #tpu.memory_space<vmem>>, vector<16xf32>,
      %swap3A_561 = arith.index_cast %add3A_396 : i32 to index
      %swap3A_562 = arith.constant 880 : index
      %swap3A_563 = tpu.vector_load %arg8[%swap3A_561, %swap3A_562] {strides = array<i32>} : memref<16x1024xf32, #tpu.memory_space<vmem>>, vector<16xf32>,
      tpu.vector_store %arg8[%swap3A_561, %swap3A_562], %broadcast_in_dim3A_12 {strides = array<i32>} : memref<16x1024xf32, #tpu.memory_space<vmem>>, vector<16xf32>,
      %swap3A_564 = arith.index_cast %add3A_396 : i32 to index
      %swap3A_565 = arith.constant 896 : index
      %swap3A_566 = tpu.vector_load %arg8[%swap3A_564, %swap3A_565] {strides = array<i32>} : memref<16x1024xf32, #tpu.memory_space<vmem>>, vector<16xf32>,
      tpu.vector_store %arg8[%swap3A_564, %swap3A_565], %broadcast_in_dim3A_12 {strides = array<i32>} : memref<16x1024xf32, #tpu.memory_space<vmem>>, vector<16xf32>,
      %swap3A_567 = arith.index_cast %add3A_396 : i32 to index
      %swap3A_568 = arith.constant 912 : index
      %swap3A_569 = tpu.vector_load %arg8[%swap3A_567, %swap3A_568] {strides = array<i32>} : memref<16x1024xf32, #tpu.memory_space<vmem>>, vector<16xf32>,
      tpu.vector_store %arg8[%swap3A_567, %swap3A_568], %broadcast_in_dim3A_12 {strides = array<i32>} : memref<16x1024xf32, #tpu.memory_space<vmem>>, vector<16xf32>,
      %swap3A_570 = arith.index_cast %add3A_396 : i32 to index
      %swap3A_571 = arith.constant 928 : index
      %swap3A_572 = tpu.vector_load %arg8[%swap3A_570, %swap3A_571] {strides = array<i32>} : memref<16x1024xf32, #tpu.memory_space<vmem>>, vector<16xf32>,
      tpu.vector_store %arg8[%swap3A_570, %swap3A_571], %broadcast_in_dim3A_12 {strides = array<i32>} : memref<16x1024xf32, #tpu.memory_space<vmem>>, vector<16xf32>,
      %swap3A_573 = arith.index_cast %add3A_396 : i32 to index
      %swap3A_574 = arith.constant 944 : index
      %swap3A_575 = tpu.vector_load %arg8[%swap3A_573, %swap3A_574] {strides = array<i32>} : memref<16x1024xf32, #tpu.memory_space<vmem>>, vector<16xf32>,
      tpu.vector_store %arg8[%swap3A_573, %swap3A_574], %broadcast_in_dim3A_12 {strides = array<i32>} : memref<16x1024xf32, #tpu.memory_space<vmem>>, vector<16xf32>,
      %swap3A_576 = arith.index_cast %add3A_396 : i32 to index
      %swap3A_577 = arith.constant 960 : index
      %swap3A_578 = tpu.vector_load %arg8[%swap3A_576, %swap3A_577] {strides = array<i32>} : memref<16x1024xf32, #tpu.memory_space<vmem>>, vector<16xf32>,
      tpu.vector_store %arg8[%swap3A_576, %swap3A_577], %broadcast_in_dim3A_12 {strides = array<i32>} : memref<16x1024xf32, #tpu.memory_space<vmem>>, vector<16xf32>,
      %swap3A_579 = arith.index_cast %add3A_396 : i32 to index
      %swap3A_580 = arith.constant 976 : index
      %swap3A_581 = tpu.vector_load %arg8[%swap3A_579, %swap3A_580] {strides = array<i32>} : memref<16x1024xf32, #tpu.memory_space<vmem>>, vector<16xf32>,
      tpu.vector_store %arg8[%swap3A_579, %swap3A_580], %broadcast_in_dim3A_12 {strides = array<i32>} : memref<16x1024xf32, #tpu.memory_space<vmem>>, vector<16xf32>,
      %swap3A_582 = arith.index_cast %add3A_396 : i32 to index
      %swap3A_583 = arith.constant 992 : index
      %swap3A_584 = tpu.vector_load %arg8[%swap3A_582, %swap3A_583] {strides = array<i32>} : memref<16x1024xf32, #tpu.memory_space<vmem>>, vector<16xf32>,
      tpu.vector_store %arg8[%swap3A_582, %swap3A_583], %broadcast_in_dim3A_12 {strides = array<i32>} : memref<16x1024xf32, #tpu.memory_space<vmem>>, vector<16xf32>,
      %swap3A_585 = arith.index_cast %add3A_396 : i32 to index
      %swap3A_586 = arith.constant 1008 : index
      %swap3A_587 = tpu.vector_load %arg8[%swap3A_585, %swap3A_586] {strides = array<i32>} : memref<16x1024xf32, #tpu.memory_space<vmem>>, vector<16xf32>,
      tpu.vector_store %arg8[%swap3A_585, %swap3A_586], %broadcast_in_dim3A_12 {strides = array<i32>} : memref<16x1024xf32, #tpu.memory_space<vmem>>, vector<16xf32>,
    }
    %scan3A_142 = arith.constant 16 : i32
    %multiple_of3A_143 = arith.constant 16 : i32
    %multiple_of3A_144 = tpu.assume_multiple %multiple_of3A_143, 16 : i32
    %get3A_145 = arith.index_cast %multiple_of3A_144 : i32 to index
    %get3A_146 = tpu.vector_load %arg5[%get3A_145] {strides = array<i32>} : memref<512xf32, #tpu.memory_space<vmem>>, vector<16xf32>,
    %div3A_147 = arith.constant 1.000000e-03 : f32
    %div3A_148 = vector.broadcast %div3A_147 : f32 to vector<16xf32>
    %div3A_149 = arith.divf %get3A_146, %div3A_148 : vector<16xf32>
    %convert_element_type3A_150 = arith.fptosi %div3A_149 : vector<16xf32> to vector<16xi32>
    %convert_element_type3A_151 = arith.sitofp %convert_element_type3A_150 : vector<16xi32> to vector<16xf32>
    %mul3A_152 = arith.constant 1.000000e-03 : f32
    %mul3A_153 = vector.broadcast %mul3A_152 : f32 to vector<16xf32>
    %mul3A_154 = arith.mulf %convert_element_type3A_151, %mul3A_153 : vector<16xf32>
    %sub3A_155 = arith.subf %get3A_146, %mul3A_154 : vector<16xf32>
    %add3A_156 = arith.constant 0 : i32
    %add3A_157 = vector.broadcast %add3A_156 : i32 to vector<16xi32>
    %add3A_158 = arith.addi %add3A_157, %iota3A : vector<16xi32>
    %add3A_159 = arith.constant 3.000000e-03 : f32
    %add3A_160 = vector.broadcast %add3A_159 : f32 to vector<16xf32>
    %add3A_161 = arith.addf %sub3A_155, %add3A_160 : vector<16xf32>
    %mul3A_162 = arith.mulf %gather3A_36, %add3A_161 : vector<16xf32>
    %add3A_163 = arith.addf %mul3A_162, %gather3A_33 : vector<16xf32>
    %mul3A_164 = arith.mulf %add3A_163, %add3A_161 : vector<16xf32>
    %add3A_165 = arith.addf %mul3A_164, %gather3A_30 : vector<16xf32>
    %mul3A_166 = arith.mulf %add3A_165, %add3A_161 : vector<16xf32>
    %add3A_167 = arith.addf %mul3A_166, %gather3A : vector<16xf32>
    %add3A_168 = arith.constant 0 : i32
    %add3A_169 = vector.broadcast %add3A_168 : i32 to vector<16xi32>
    %add3A_170 = arith.addi %convert_element_type3A_150, %add3A_169 : vector<16xi32>
    tpu.vector_store_idx %arg8[%add3A_158, %add3A_170], %add3A_167 : memref<16x1024xf32, #tpu.memory_space<vmem>>[vector<16xi32>, vector<16xi32>], vector<16xf32>,
    %add3A_171 = arith.constant 2.000000e-03 : f32
    %add3A_172 = vector.broadcast %add3A_171 : f32 to vector<16xf32>
    %add3A_173 = arith.addf %sub3A_155, %add3A_172 : vector<16xf32>
    %mul3A_174 = arith.mulf %gather3A_48, %add3A_173 : vector<16xf32>
    %add3A_175 = arith.addf %mul3A_174, %gather3A_45 : vector<16xf32>
    %mul3A_176 = arith.mulf %add3A_175, %add3A_173 : vector<16xf32>
    %add3A_177 = arith.addf %mul3A_176, %gather3A_42 : vector<16xf32>
    %mul3A_178 = arith.mulf %add3A_177, %add3A_173 : vector<16xf32>
    %add3A_179 = arith.addf %mul3A_178, %gather3A_39 : vector<16xf32>
    %add3A_180 = arith.constant 1 : i32
    %add3A_181 = vector.broadcast %add3A_180 : i32 to vector<16xi32>
    %add3A_182 = arith.addi %convert_element_type3A_150, %add3A_181 : vector<16xi32>
    tpu.vector_store_idx %arg8[%add3A_158, %add3A_182], %add3A_179 : memref<16x1024xf32, #tpu.memory_space<vmem>>[vector<16xi32>, vector<16xi32>], vector<16xf32>,
    %add3A_183 = arith.constant 1.000000e-03 : f32
    %add3A_184 = vector.broadcast %add3A_183 : f32 to vector<16xf32>
    %add3A_185 = arith.addf %sub3A_155, %add3A_184 : vector<16xf32>
    %mul3A_186 = arith.mulf %gather3A_60, %add3A_185 : vector<16xf32>
    %add3A_187 = arith.addf %mul3A_186, %gather3A_57 : vector<16xf32>
    %mul3A_188 = arith.mulf %add3A_187, %add3A_185 : vector<16xf32>
    %add3A_189 = arith.addf %mul3A_188, %gather3A_54 : vector<16xf32>
    %mul3A_190 = arith.mulf %add3A_189, %add3A_185 : vector<16xf32>
    %add3A_191 = arith.addf %mul3A_190, %gather3A_51 : vector<16xf32>
    %add3A_192 = arith.constant 2 : i32
    %add3A_193 = vector.broadcast %add3A_192 : i32 to vector<16xi32>
    %add3A_194 = arith.addi %convert_element_type3A_150, %add3A_193 : vector<16xi32>
    tpu.vector_store_idx %arg8[%add3A_158, %add3A_194], %add3A_191 : memref<16x1024xf32, #tpu.memory_space<vmem>>[vector<16xi32>, vector<16xi32>], vector<16xf32>,
    %add3A_195 = arith.constant 0.000000e+00 : f32
    %add3A_196 = vector.broadcast %add3A_195 : f32 to vector<16xf32>
    %add3A_197 = arith.addf %sub3A_155, %add3A_196 : vector<16xf32>
    %mul3A_198 = arith.mulf %gather3A_72, %add3A_197 : vector<16xf32>
    %add3A_199 = arith.addf %mul3A_198, %gather3A_69 : vector<16xf32>
    %mul3A_200 = arith.mulf %add3A_199, %add3A_197 : vector<16xf32>
    %add3A_201 = arith.addf %mul3A_200, %gather3A_66 : vector<16xf32>
    %mul3A_202 = arith.mulf %add3A_201, %add3A_197 : vector<16xf32>
    %add3A_203 = arith.addf %mul3A_202, %gather3A_63 : vector<16xf32>
    %add3A_204 = arith.constant 3 : i32
    %add3A_205 = vector.broadcast %add3A_204 : i32 to vector<16xi32>
    %add3A_206 = arith.addi %convert_element_type3A_150, %add3A_205 : vector<16xi32>
    tpu.vector_store_idx %arg8[%add3A_158, %add3A_206], %add3A_203 : memref<16x1024xf32, #tpu.memory_space<vmem>>[vector<16xi32>, vector<16xi32>], vector<16xf32>,
    %add3A_207 = arith.constant 16 : i32
    %add3A_208 = arith.addi %mul3A_2, %add3A_207 : i32
    %dma_start3A_209 = arith.constant 0 : i32
    %dma_start3A_210 = tpu.memref_slice %arg4[%add3A_208, %dma_start3A_209] : memref<16384x1024xf32, #tpu.memory_space<hbm>> -> memref<16x1024xf32, #tpu.memory_space<hbm>>
    %dma_start3A_211 = arith.constant 0 : i32
    %dma_start3A_212 = tpu.memref_slice %arg4[%add3A_208, %dma_start3A_211] : memref<16384x1024xf32, #tpu.memory_space<hbm>> -> memref<16x1024xf32, #tpu.memory_space<hbm>>
    tpu.enqueue_dma source(%arg8 : memref<16x1024xf32, #tpu.memory_space<vmem>>) target(%dma_start3A_212 : memref<16x1024xf32, #tpu.memory_space<hbm>>) target_semaphore(%arg12 : memref<!tpu.dma_semaphore, #tpu.memory_space<semaphore_mem>>)
    %scan3A_213 = arith.constant 0 : i32
    %scan3A_214 = arith.constant 16 : i32
    %scan3A_215 = arith.addi %scan3A_213, %scan3A_214 : i32
    %scan3A_216 = arith.constant 1 : i32
    scf.for %scan3A_392 = %scan3A_213 to %scan3A_215 step %scan3A_216  : i32 {
      %mul3A_393 = arith.constant 1 : i32
      %mul3A_394 = arith.muli %scan3A_392, %mul3A_393 : i32
      %add3A_395 = arith.constant 0 : i32
      %add3A_396 = arith.addi %add3A_395, %mul3A_394 : i32
      %swap3A = arith.index_cast %add3A_396 : i32 to index
      %swap3A_397 = arith.constant 0 : index
      %swap3A_398 = tpu.vector_load %arg9[%swap3A, %swap3A_397] {strides = array<i32>} : memref<16x1024xf32, #tpu.memory_space<vmem>>, vector<16xf32>,
      tpu.vector_store %arg9[%swap3A, %swap3A_397], %broadcast_in_dim3A_12 {strides = array<i32>} : memref<16x1024xf32, #tpu.memory_space<vmem>>, vector<16xf32>,
      %swap3A_399 = arith.index_cast %add3A_396 : i32 to index
      %swap3A_400 = arith.constant 16 : index
      %swap3A_401 = tpu.vector_load %arg9[%swap3A_399, %swap3A_400] {strides = array<i32>} : memref<16x1024xf32, #tpu.memory_space<vmem>>, vector<16xf32>,
      tpu.vector_store %arg9[%swap3A_399, %swap3A_400], %broadcast_in_dim3A_12 {strides = array<i32>} : memref<16x1024xf32, #tpu.memory_space<vmem>>, vector<16xf32>,
      %swap3A_402 = arith.index_cast %add3A_396 : i32 to index
      %swap3A_403 = arith.constant 32 : index
      %swap3A_404 = tpu.vector_load %arg9[%swap3A_402, %swap3A_403] {strides = array<i32>} : memref<16x1024xf32, #tpu.memory_space<vmem>>, vector<16xf32>,
      tpu.vector_store %arg9[%swap3A_402, %swap3A_403], %broadcast_in_dim3A_12 {strides = array<i32>} : memref<16x1024xf32, #tpu.memory_space<vmem>>, vector<16xf32>,
      %swap3A_405 = arith.index_cast %add3A_396 : i32 to index
      %swap3A_406 = arith.constant 48 : index
      %swap3A_407 = tpu.vector_load %arg9[%swap3A_405, %swap3A_406] {strides = array<i32>} : memref<16x1024xf32, #tpu.memory_space<vmem>>, vector<16xf32>,
      tpu.vector_store %arg9[%swap3A_405, %swap3A_406], %broadcast_in_dim3A_12 {strides = array<i32>} : memref<16x1024xf32, #tpu.memory_space<vmem>>, vector<16xf32>,
      %swap3A_408 = arith.index_cast %add3A_396 : i32 to index
      %swap3A_409 = arith.constant 64 : index
      %swap3A_410 = tpu.vector_load %arg9[%swap3A_408, %swap3A_409] {strides = array<i32>} : memref<16x1024xf32, #tpu.memory_space<vmem>>, vector<16xf32>,
      tpu.vector_store %arg9[%swap3A_408, %swap3A_409], %broadcast_in_dim3A_12 {strides = array<i32>} : memref<16x1024xf32, #tpu.memory_space<vmem>>, vector<16xf32>,
      %swap3A_411 = arith.index_cast %add3A_396 : i32 to index
      %swap3A_412 = arith.constant 80 : index
      %swap3A_413 = tpu.vector_load %arg9[%swap3A_411, %swap3A_412] {strides = array<i32>} : memref<16x1024xf32, #tpu.memory_space<vmem>>, vector<16xf32>,
      tpu.vector_store %arg9[%swap3A_411, %swap3A_412], %broadcast_in_dim3A_12 {strides = array<i32>} : memref<16x1024xf32, #tpu.memory_space<vmem>>, vector<16xf32>,
      %swap3A_414 = arith.index_cast %add3A_396 : i32 to index
      %swap3A_415 = arith.constant 96 : index
      %swap3A_416 = tpu.vector_load %arg9[%swap3A_414, %swap3A_415] {strides = array<i32>} : memref<16x1024xf32, #tpu.memory_space<vmem>>, vector<16xf32>,
      tpu.vector_store %arg9[%swap3A_414, %swap3A_415], %broadcast_in_dim3A_12 {strides = array<i32>} : memref<16x1024xf32, #tpu.memory_space<vmem>>, vector<16xf32>,
      %swap3A_417 = arith.index_cast %add3A_396 : i32 to index
      %swap3A_418 = arith.constant 112 : index
      %swap3A_419 = tpu.vector_load %arg9[%swap3A_417, %swap3A_418] {strides = array<i32>} : memref<16x1024xf32, #tpu.memory_space<vmem>>, vector<16xf32>,
      tpu.vector_store %arg9[%swap3A_417, %swap3A_418], %broadcast_in_dim3A_12 {strides = array<i32>} : memref<16x1024xf32, #tpu.memory_space<vmem>>, vector<16xf32>,
      %swap3A_420 = arith.index_cast %add3A_396 : i32 to index
      %swap3A_421 = arith.constant 128 : index
      %swap3A_422 = tpu.vector_load %arg9[%swap3A_420, %swap3A_421] {strides = array<i32>} : memref<16x1024xf32, #tpu.memory_space<vmem>>, vector<16xf32>,
      tpu.vector_store %arg9[%swap3A_420, %swap3A_421], %broadcast_in_dim3A_12 {strides = array<i32>} : memref<16x1024xf32, #tpu.memory_space<vmem>>, vector<16xf32>,
      %swap3A_423 = arith.index_cast %add3A_396 : i32 to index
      %swap3A_424 = arith.constant 144 : index
      %swap3A_425 = tpu.vector_load %arg9[%swap3A_423, %swap3A_424] {strides = array<i32>} : memref<16x1024xf32, #tpu.memory_space<vmem>>, vector<16xf32>,
      tpu.vector_store %arg9[%swap3A_423, %swap3A_424], %broadcast_in_dim3A_12 {strides = array<i32>} : memref<16x1024xf32, #tpu.memory_space<vmem>>, vector<16xf32>,
      %swap3A_426 = arith.index_cast %add3A_396 : i32 to index
      %swap3A_427 = arith.constant 160 : index
      %swap3A_428 = tpu.vector_load %arg9[%swap3A_426, %swap3A_427] {strides = array<i32>} : memref<16x1024xf32, #tpu.memory_space<vmem>>, vector<16xf32>,
      tpu.vector_store %arg9[%swap3A_426, %swap3A_427], %broadcast_in_dim3A_12 {strides = array<i32>} : memref<16x1024xf32, #tpu.memory_space<vmem>>, vector<16xf32>,
      %swap3A_429 = arith.index_cast %add3A_396 : i32 to index
      %swap3A_430 = arith.constant 176 : index
      %swap3A_431 = tpu.vector_load %arg9[%swap3A_429, %swap3A_430] {strides = array<i32>} : memref<16x1024xf32, #tpu.memory_space<vmem>>, vector<16xf32>,
      tpu.vector_store %arg9[%swap3A_429, %swap3A_430], %broadcast_in_dim3A_12 {strides = array<i32>} : memref<16x1024xf32, #tpu.memory_space<vmem>>, vector<16xf32>,
      %swap3A_432 = arith.index_cast %add3A_396 : i32 to index
      %swap3A_433 = arith.constant 192 : index
      %swap3A_434 = tpu.vector_load %arg9[%swap3A_432, %swap3A_433] {strides = array<i32>} : memref<16x1024xf32, #tpu.memory_space<vmem>>, vector<16xf32>,
      tpu.vector_store %arg9[%swap3A_432, %swap3A_433], %broadcast_in_dim3A_12 {strides = array<i32>} : memref<16x1024xf32, #tpu.memory_space<vmem>>, vector<16xf32>,
      %swap3A_435 = arith.index_cast %add3A_396 : i32 to index
      %swap3A_436 = arith.constant 208 : index
      %swap3A_437 = tpu.vector_load %arg9[%swap3A_435, %swap3A_436] {strides = array<i32>} : memref<16x1024xf32, #tpu.memory_space<vmem>>, vector<16xf32>,
      tpu.vector_store %arg9[%swap3A_435, %swap3A_436], %broadcast_in_dim3A_12 {strides = array<i32>} : memref<16x1024xf32, #tpu.memory_space<vmem>>, vector<16xf32>,
      %swap3A_438 = arith.index_cast %add3A_396 : i32 to index
      %swap3A_439 = arith.constant 224 : index
      %swap3A_440 = tpu.vector_load %arg9[%swap3A_438, %swap3A_439] {strides = array<i32>} : memref<16x1024xf32, #tpu.memory_space<vmem>>, vector<16xf32>,
      tpu.vector_store %arg9[%swap3A_438, %swap3A_439], %broadcast_in_dim3A_12 {strides = array<i32>} : memref<16x1024xf32, #tpu.memory_space<vmem>>, vector<16xf32>,
      %swap3A_441 = arith.index_cast %add3A_396 : i32 to index
      %swap3A_442 = arith.constant 240 : index
      %swap3A_443 = tpu.vector_load %arg9[%swap3A_441, %swap3A_442] {strides = array<i32>} : memref<16x1024xf32, #tpu.memory_space<vmem>>, vector<16xf32>,
      tpu.vector_store %arg9[%swap3A_441, %swap3A_442], %broadcast_in_dim3A_12 {strides = array<i32>} : memref<16x1024xf32, #tpu.memory_space<vmem>>, vector<16xf32>,
      %swap3A_444 = arith.index_cast %add3A_396 : i32 to index
      %swap3A_445 = arith.constant 256 : index
      %swap3A_446 = tpu.vector_load %arg9[%swap3A_444, %swap3A_445] {strides = array<i32>} : memref<16x1024xf32, #tpu.memory_space<vmem>>, vector<16xf32>,
      tpu.vector_store %arg9[%swap3A_444, %swap3A_445], %broadcast_in_dim3A_12 {strides = array<i32>} : memref<16x1024xf32, #tpu.memory_space<vmem>>, vector<16xf32>,
      %swap3A_447 = arith.index_cast %add3A_396 : i32 to index
      %swap3A_448 = arith.constant 272 : index
      %swap3A_449 = tpu.vector_load %arg9[%swap3A_447, %swap3A_448] {strides = array<i32>} : memref<16x1024xf32, #tpu.memory_space<vmem>>, vector<16xf32>,
      tpu.vector_store %arg9[%swap3A_447, %swap3A_448], %broadcast_in_dim3A_12 {strides = array<i32>} : memref<16x1024xf32, #tpu.memory_space<vmem>>, vector<16xf32>,
      %swap3A_450 = arith.index_cast %add3A_396 : i32 to index
      %swap3A_451 = arith.constant 288 : index
      %swap3A_452 = tpu.vector_load %arg9[%swap3A_450, %swap3A_451] {strides = array<i32>} : memref<16x1024xf32, #tpu.memory_space<vmem>>, vector<16xf32>,
      tpu.vector_store %arg9[%swap3A_450, %swap3A_451], %broadcast_in_dim3A_12 {strides = array<i32>} : memref<16x1024xf32, #tpu.memory_space<vmem>>, vector<16xf32>,
      %swap3A_453 = arith.index_cast %add3A_396 : i32 to index
      %swap3A_454 = arith.constant 304 : index
      %swap3A_455 = tpu.vector_load %arg9[%swap3A_453, %swap3A_454] {strides = array<i32>} : memref<16x1024xf32, #tpu.memory_space<vmem>>, vector<16xf32>,
      tpu.vector_store %arg9[%swap3A_453, %swap3A_454], %broadcast_in_dim3A_12 {strides = array<i32>} : memref<16x1024xf32, #tpu.memory_space<vmem>>, vector<16xf32>,
      %swap3A_456 = arith.index_cast %add3A_396 : i32 to index
      %swap3A_457 = arith.constant 320 : index
      %swap3A_458 = tpu.vector_load %arg9[%swap3A_456, %swap3A_457] {strides = array<i32>} : memref<16x1024xf32, #tpu.memory_space<vmem>>, vector<16xf32>,
      tpu.vector_store %arg9[%swap3A_456, %swap3A_457], %broadcast_in_dim3A_12 {strides = array<i32>} : memref<16x1024xf32, #tpu.memory_space<vmem>>, vector<16xf32>,
      %swap3A_459 = arith.index_cast %add3A_396 : i32 to index
      %swap3A_460 = arith.constant 336 : index
      %swap3A_461 = tpu.vector_load %arg9[%swap3A_459, %swap3A_460] {strides = array<i32>} : memref<16x1024xf32, #tpu.memory_space<vmem>>, vector<16xf32>,
      tpu.vector_store %arg9[%swap3A_459, %swap3A_460], %broadcast_in_dim3A_12 {strides = array<i32>} : memref<16x1024xf32, #tpu.memory_space<vmem>>, vector<16xf32>,
      %swap3A_462 = arith.index_cast %add3A_396 : i32 to index
      %swap3A_463 = arith.constant 352 : index
      %swap3A_464 = tpu.vector_load %arg9[%swap3A_462, %swap3A_463] {strides = array<i32>} : memref<16x1024xf32, #tpu.memory_space<vmem>>, vector<16xf32>,
      tpu.vector_store %arg9[%swap3A_462, %swap3A_463], %broadcast_in_dim3A_12 {strides = array<i32>} : memref<16x1024xf32, #tpu.memory_space<vmem>>, vector<16xf32>,
      %swap3A_465 = arith.index_cast %add3A_396 : i32 to index
      %swap3A_466 = arith.constant 368 : index
      %swap3A_467 = tpu.vector_load %arg9[%swap3A_465, %swap3A_466] {strides = array<i32>} : memref<16x1024xf32, #tpu.memory_space<vmem>>, vector<16xf32>,
      tpu.vector_store %arg9[%swap3A_465, %swap3A_466], %broadcast_in_dim3A_12 {strides = array<i32>} : memref<16x1024xf32, #tpu.memory_space<vmem>>, vector<16xf32>,
      %swap3A_468 = arith.index_cast %add3A_396 : i32 to index
      %swap3A_469 = arith.constant 384 : index
      %swap3A_470 = tpu.vector_load %arg9[%swap3A_468, %swap3A_469] {strides = array<i32>} : memref<16x1024xf32, #tpu.memory_space<vmem>>, vector<16xf32>,
      tpu.vector_store %arg9[%swap3A_468, %swap3A_469], %broadcast_in_dim3A_12 {strides = array<i32>} : memref<16x1024xf32, #tpu.memory_space<vmem>>, vector<16xf32>,
      %swap3A_471 = arith.index_cast %add3A_396 : i32 to index
      %swap3A_472 = arith.constant 400 : index
      %swap3A_473 = tpu.vector_load %arg9[%swap3A_471, %swap3A_472] {strides = array<i32>} : memref<16x1024xf32, #tpu.memory_space<vmem>>, vector<16xf32>,
      tpu.vector_store %arg9[%swap3A_471, %swap3A_472], %broadcast_in_dim3A_12 {strides = array<i32>} : memref<16x1024xf32, #tpu.memory_space<vmem>>, vector<16xf32>,
      %swap3A_474 = arith.index_cast %add3A_396 : i32 to index
      %swap3A_475 = arith.constant 416 : index
      %swap3A_476 = tpu.vector_load %arg9[%swap3A_474, %swap3A_475] {strides = array<i32>} : memref<16x1024xf32, #tpu.memory_space<vmem>>, vector<16xf32>,
      tpu.vector_store %arg9[%swap3A_474, %swap3A_475], %broadcast_in_dim3A_12 {strides = array<i32>} : memref<16x1024xf32, #tpu.memory_space<vmem>>, vector<16xf32>,
      %swap3A_477 = arith.index_cast %add3A_396 : i32 to index
      %swap3A_478 = arith.constant 432 : index
      %swap3A_479 = tpu.vector_load %arg9[%swap3A_477, %swap3A_478] {strides = array<i32>} : memref<16x1024xf32, #tpu.memory_space<vmem>>, vector<16xf32>,
      tpu.vector_store %arg9[%swap3A_477, %swap3A_478], %broadcast_in_dim3A_12 {strides = array<i32>} : memref<16x1024xf32, #tpu.memory_space<vmem>>, vector<16xf32>,
      %swap3A_480 = arith.index_cast %add3A_396 : i32 to index
      %swap3A_481 = arith.constant 448 : index
      %swap3A_482 = tpu.vector_load %arg9[%swap3A_480, %swap3A_481] {strides = array<i32>} : memref<16x1024xf32, #tpu.memory_space<vmem>>, vector<16xf32>,
      tpu.vector_store %arg9[%swap3A_480, %swap3A_481], %broadcast_in_dim3A_12 {strides = array<i32>} : memref<16x1024xf32, #tpu.memory_space<vmem>>, vector<16xf32>,
      %swap3A_483 = arith.index_cast %add3A_396 : i32 to index
      %swap3A_484 = arith.constant 464 : index
      %swap3A_485 = tpu.vector_load %arg9[%swap3A_483, %swap3A_484] {strides = array<i32>} : memref<16x1024xf32, #tpu.memory_space<vmem>>, vector<16xf32>,
      tpu.vector_store %arg9[%swap3A_483, %swap3A_484], %broadcast_in_dim3A_12 {strides = array<i32>} : memref<16x1024xf32, #tpu.memory_space<vmem>>, vector<16xf32>,
      %swap3A_486 = arith.index_cast %add3A_396 : i32 to index
      %swap3A_487 = arith.constant 480 : index
      %swap3A_488 = tpu.vector_load %arg9[%swap3A_486, %swap3A_487] {strides = array<i32>} : memref<16x1024xf32, #tpu.memory_space<vmem>>, vector<16xf32>,
      tpu.vector_store %arg9[%swap3A_486, %swap3A_487], %broadcast_in_dim3A_12 {strides = array<i32>} : memref<16x1024xf32, #tpu.memory_space<vmem>>, vector<16xf32>,
      %swap3A_489 = arith.index_cast %add3A_396 : i32 to index
      %swap3A_490 = arith.constant 496 : index
      %swap3A_491 = tpu.vector_load %arg9[%swap3A_489, %swap3A_490] {strides = array<i32>} : memref<16x1024xf32, #tpu.memory_space<vmem>>, vector<16xf32>,
      tpu.vector_store %arg9[%swap3A_489, %swap3A_490], %broadcast_in_dim3A_12 {strides = array<i32>} : memref<16x1024xf32, #tpu.memory_space<vmem>>, vector<16xf32>,
      %swap3A_492 = arith.index_cast %add3A_396 : i32 to index
      %swap3A_493 = arith.constant 512 : index
      %swap3A_494 = tpu.vector_load %arg9[%swap3A_492, %swap3A_493] {strides = array<i32>} : memref<16x1024xf32, #tpu.memory_space<vmem>>, vector<16xf32>,
      tpu.vector_store %arg9[%swap3A_492, %swap3A_493], %broadcast_in_dim3A_12 {strides = array<i32>} : memref<16x1024xf32, #tpu.memory_space<vmem>>, vector<16xf32>,
      %swap3A_495 = arith.index_cast %add3A_396 : i32 to index
      %swap3A_496 = arith.constant 528 : index
      %swap3A_497 = tpu.vector_load %arg9[%swap3A_495, %swap3A_496] {strides = array<i32>} : memref<16x1024xf32, #tpu.memory_space<vmem>>, vector<16xf32>,
      tpu.vector_store %arg9[%swap3A_495, %swap3A_496], %broadcast_in_dim3A_12 {strides = array<i32>} : memref<16x1024xf32, #tpu.memory_space<vmem>>, vector<16xf32>,
      %swap3A_498 = arith.index_cast %add3A_396 : i32 to index
      %swap3A_499 = arith.constant 544 : index
      %swap3A_500 = tpu.vector_load %arg9[%swap3A_498, %swap3A_499] {strides = array<i32>} : memref<16x1024xf32, #tpu.memory_space<vmem>>, vector<16xf32>,
      tpu.vector_store %arg9[%swap3A_498, %swap3A_499], %broadcast_in_dim3A_12 {strides = array<i32>} : memref<16x1024xf32, #tpu.memory_space<vmem>>, vector<16xf32>,
      %swap3A_501 = arith.index_cast %add3A_396 : i32 to index
      %swap3A_502 = arith.constant 560 : index
      %swap3A_503 = tpu.vector_load %arg9[%swap3A_501, %swap3A_502] {strides = array<i32>} : memref<16x1024xf32, #tpu.memory_space<vmem>>, vector<16xf32>,
      tpu.vector_store %arg9[%swap3A_501, %swap3A_502], %broadcast_in_dim3A_12 {strides = array<i32>} : memref<16x1024xf32, #tpu.memory_space<vmem>>, vector<16xf32>,
      %swap3A_504 = arith.index_cast %add3A_396 : i32 to index
      %swap3A_505 = arith.constant 576 : index
      %swap3A_506 = tpu.vector_load %arg9[%swap3A_504, %swap3A_505] {strides = array<i32>} : memref<16x1024xf32, #tpu.memory_space<vmem>>, vector<16xf32>,
      tpu.vector_store %arg9[%swap3A_504, %swap3A_505], %broadcast_in_dim3A_12 {strides = array<i32>} : memref<16x1024xf32, #tpu.memory_space<vmem>>, vector<16xf32>,
      %swap3A_507 = arith.index_cast %add3A_396 : i32 to index
      %swap3A_508 = arith.constant 592 : index
      %swap3A_509 = tpu.vector_load %arg9[%swap3A_507, %swap3A_508] {strides = array<i32>} : memref<16x1024xf32, #tpu.memory_space<vmem>>, vector<16xf32>,
      tpu.vector_store %arg9[%swap3A_507, %swap3A_508], %broadcast_in_dim3A_12 {strides = array<i32>} : memref<16x1024xf32, #tpu.memory_space<vmem>>, vector<16xf32>,
      %swap3A_510 = arith.index_cast %add3A_396 : i32 to index
      %swap3A_511 = arith.constant 608 : index
      %swap3A_512 = tpu.vector_load %arg9[%swap3A_510, %swap3A_511] {strides = array<i32>} : memref<16x1024xf32, #tpu.memory_space<vmem>>, vector<16xf32>,
      tpu.vector_store %arg9[%swap3A_510, %swap3A_511], %broadcast_in_dim3A_12 {strides = array<i32>} : memref<16x1024xf32, #tpu.memory_space<vmem>>, vector<16xf32>,
      %swap3A_513 = arith.index_cast %add3A_396 : i32 to index
      %swap3A_514 = arith.constant 624 : index
      %swap3A_515 = tpu.vector_load %arg9[%swap3A_513, %swap3A_514] {strides = array<i32>} : memref<16x1024xf32, #tpu.memory_space<vmem>>, vector<16xf32>,
      tpu.vector_store %arg9[%swap3A_513, %swap3A_514], %broadcast_in_dim3A_12 {strides = array<i32>} : memref<16x1024xf32, #tpu.memory_space<vmem>>, vector<16xf32>,
      %swap3A_516 = arith.index_cast %add3A_396 : i32 to index
      %swap3A_517 = arith.constant 640 : index
      %swap3A_518 = tpu.vector_load %arg9[%swap3A_516, %swap3A_517] {strides = array<i32>} : memref<16x1024xf32, #tpu.memory_space<vmem>>, vector<16xf32>,
      tpu.vector_store %arg9[%swap3A_516, %swap3A_517], %broadcast_in_dim3A_12 {strides = array<i32>} : memref<16x1024xf32, #tpu.memory_space<vmem>>, vector<16xf32>,
      %swap3A_519 = arith.index_cast %add3A_396 : i32 to index
      %swap3A_520 = arith.constant 656 : index
      %swap3A_521 = tpu.vector_load %arg9[%swap3A_519, %swap3A_520] {strides = array<i32>} : memref<16x1024xf32, #tpu.memory_space<vmem>>, vector<16xf32>,
      tpu.vector_store %arg9[%swap3A_519, %swap3A_520], %broadcast_in_dim3A_12 {strides = array<i32>} : memref<16x1024xf32, #tpu.memory_space<vmem>>, vector<16xf32>,
      %swap3A_522 = arith.index_cast %add3A_396 : i32 to index
      %swap3A_523 = arith.constant 672 : index
      %swap3A_524 = tpu.vector_load %arg9[%swap3A_522, %swap3A_523] {strides = array<i32>} : memref<16x1024xf32, #tpu.memory_space<vmem>>, vector<16xf32>,
      tpu.vector_store %arg9[%swap3A_522, %swap3A_523], %broadcast_in_dim3A_12 {strides = array<i32>} : memref<16x1024xf32, #tpu.memory_space<vmem>>, vector<16xf32>,
      %swap3A_525 = arith.index_cast %add3A_396 : i32 to index
      %swap3A_526 = arith.constant 688 : index
      %swap3A_527 = tpu.vector_load %arg9[%swap3A_525, %swap3A_526] {strides = array<i32>} : memref<16x1024xf32, #tpu.memory_space<vmem>>, vector<16xf32>,
      tpu.vector_store %arg9[%swap3A_525, %swap3A_526], %broadcast_in_dim3A_12 {strides = array<i32>} : memref<16x1024xf32, #tpu.memory_space<vmem>>, vector<16xf32>,
      %swap3A_528 = arith.index_cast %add3A_396 : i32 to index
      %swap3A_529 = arith.constant 704 : index
      %swap3A_530 = tpu.vector_load %arg9[%swap3A_528, %swap3A_529] {strides = array<i32>} : memref<16x1024xf32, #tpu.memory_space<vmem>>, vector<16xf32>,
      tpu.vector_store %arg9[%swap3A_528, %swap3A_529], %broadcast_in_dim3A_12 {strides = array<i32>} : memref<16x1024xf32, #tpu.memory_space<vmem>>, vector<16xf32>,
      %swap3A_531 = arith.index_cast %add3A_396 : i32 to index
      %swap3A_532 = arith.constant 720 : index
      %swap3A_533 = tpu.vector_load %arg9[%swap3A_531, %swap3A_532] {strides = array<i32>} : memref<16x1024xf32, #tpu.memory_space<vmem>>, vector<16xf32>,
      tpu.vector_store %arg9[%swap3A_531, %swap3A_532], %broadcast_in_dim3A_12 {strides = array<i32>} : memref<16x1024xf32, #tpu.memory_space<vmem>>, vector<16xf32>,
      %swap3A_534 = arith.index_cast %add3A_396 : i32 to index
      %swap3A_535 = arith.constant 736 : index
      %swap3A_536 = tpu.vector_load %arg9[%swap3A_534, %swap3A_535] {strides = array<i32>} : memref<16x1024xf32, #tpu.memory_space<vmem>>, vector<16xf32>,
      tpu.vector_store %arg9[%swap3A_534, %swap3A_535], %broadcast_in_dim3A_12 {strides = array<i32>} : memref<16x1024xf32, #tpu.memory_space<vmem>>, vector<16xf32>,
      %swap3A_537 = arith.index_cast %add3A_396 : i32 to index
      %swap3A_538 = arith.constant 752 : index
      %swap3A_539 = tpu.vector_load %arg9[%swap3A_537, %swap3A_538] {strides = array<i32>} : memref<16x1024xf32, #tpu.memory_space<vmem>>, vector<16xf32>,
      tpu.vector_store %arg9[%swap3A_537, %swap3A_538], %broadcast_in_dim3A_12 {strides = array<i32>} : memref<16x1024xf32, #tpu.memory_space<vmem>>, vector<16xf32>,
      %swap3A_540 = arith.index_cast %add3A_396 : i32 to index
      %swap3A_541 = arith.constant 768 : index
      %swap3A_542 = tpu.vector_load %arg9[%swap3A_540, %swap3A_541] {strides = array<i32>} : memref<16x1024xf32, #tpu.memory_space<vmem>>, vector<16xf32>,
      tpu.vector_store %arg9[%swap3A_540, %swap3A_541], %broadcast_in_dim3A_12 {strides = array<i32>} : memref<16x1024xf32, #tpu.memory_space<vmem>>, vector<16xf32>,
      %swap3A_543 = arith.index_cast %add3A_396 : i32 to index
      %swap3A_544 = arith.constant 784 : index
      %swap3A_545 = tpu.vector_load %arg9[%swap3A_543, %swap3A_544] {strides = array<i32>} : memref<16x1024xf32, #tpu.memory_space<vmem>>, vector<16xf32>,
      tpu.vector_store %arg9[%swap3A_543, %swap3A_544], %broadcast_in_dim3A_12 {strides = array<i32>} : memref<16x1024xf32, #tpu.memory_space<vmem>>, vector<16xf32>,
      %swap3A_546 = arith.index_cast %add3A_396 : i32 to index
      %swap3A_547 = arith.constant 800 : index
      %swap3A_548 = tpu.vector_load %arg9[%swap3A_546, %swap3A_547] {strides = array<i32>} : memref<16x1024xf32, #tpu.memory_space<vmem>>, vector<16xf32>,
      tpu.vector_store %arg9[%swap3A_546, %swap3A_547], %broadcast_in_dim3A_12 {strides = array<i32>} : memref<16x1024xf32, #tpu.memory_space<vmem>>, vector<16xf32>,
      %swap3A_549 = arith.index_cast %add3A_396 : i32 to index
      %swap3A_550 = arith.constant 816 : index
      %swap3A_551 = tpu.vector_load %arg9[%swap3A_549, %swap3A_550] {strides = array<i32>} : memref<16x1024xf32, #tpu.memory_space<vmem>>, vector<16xf32>,
      tpu.vector_store %arg9[%swap3A_549, %swap3A_550], %broadcast_in_dim3A_12 {strides = array<i32>} : memref<16x1024xf32, #tpu.memory_space<vmem>>, vector<16xf32>,
      %swap3A_552 = arith.index_cast %add3A_396 : i32 to index
      %swap3A_553 = arith.constant 832 : index
      %swap3A_554 = tpu.vector_load %arg9[%swap3A_552, %swap3A_553] {strides = array<i32>} : memref<16x1024xf32, #tpu.memory_space<vmem>>, vector<16xf32>,
      tpu.vector_store %arg9[%swap3A_552, %swap3A_553], %broadcast_in_dim3A_12 {strides = array<i32>} : memref<16x1024xf32, #tpu.memory_space<vmem>>, vector<16xf32>,
      %swap3A_555 = arith.index_cast %add3A_396 : i32 to index
      %swap3A_556 = arith.constant 848 : index
      %swap3A_557 = tpu.vector_load %arg9[%swap3A_555, %swap3A_556] {strides = array<i32>} : memref<16x1024xf32, #tpu.memory_space<vmem>>, vector<16xf32>,
      tpu.vector_store %arg9[%swap3A_555, %swap3A_556], %broadcast_in_dim3A_12 {strides = array<i32>} : memref<16x1024xf32, #tpu.memory_space<vmem>>, vector<16xf32>,
      %swap3A_558 = arith.index_cast %add3A_396 : i32 to index
      %swap3A_559 = arith.constant 864 : index
      %swap3A_560 = tpu.vector_load %arg9[%swap3A_558, %swap3A_559] {strides = array<i32>} : memref<16x1024xf32, #tpu.memory_space<vmem>>, vector<16xf32>,
      tpu.vector_store %arg9[%swap3A_558, %swap3A_559], %broadcast_in_dim3A_12 {strides = array<i32>} : memref<16x1024xf32, #tpu.memory_space<vmem>>, vector<16xf32>,
      %swap3A_561 = arith.index_cast %add3A_396 : i32 to index
      %swap3A_562 = arith.constant 880 : index
      %swap3A_563 = tpu.vector_load %arg9[%swap3A_561, %swap3A_562] {strides = array<i32>} : memref<16x1024xf32, #tpu.memory_space<vmem>>, vector<16xf32>,
      tpu.vector_store %arg9[%swap3A_561, %swap3A_562], %broadcast_in_dim3A_12 {strides = array<i32>} : memref<16x1024xf32, #tpu.memory_space<vmem>>, vector<16xf32>,
      %swap3A_564 = arith.index_cast %add3A_396 : i32 to index
      %swap3A_565 = arith.constant 896 : index
      %swap3A_566 = tpu.vector_load %arg9[%swap3A_564, %swap3A_565] {strides = array<i32>} : memref<16x1024xf32, #tpu.memory_space<vmem>>, vector<16xf32>,
      tpu.vector_store %arg9[%swap3A_564, %swap3A_565], %broadcast_in_dim3A_12 {strides = array<i32>} : memref<16x1024xf32, #tpu.memory_space<vmem>>, vector<16xf32>,
      %swap3A_567 = arith.index_cast %add3A_396 : i32 to index
      %swap3A_568 = arith.constant 912 : index
      %swap3A_569 = tpu.vector_load %arg9[%swap3A_567, %swap3A_568] {strides = array<i32>} : memref<16x1024xf32, #tpu.memory_space<vmem>>, vector<16xf32>,
      tpu.vector_store %arg9[%swap3A_567, %swap3A_568], %broadcast_in_dim3A_12 {strides = array<i32>} : memref<16x1024xf32, #tpu.memory_space<vmem>>, vector<16xf32>,
      %swap3A_570 = arith.index_cast %add3A_396 : i32 to index
      %swap3A_571 = arith.constant 928 : index
      %swap3A_572 = tpu.vector_load %arg9[%swap3A_570, %swap3A_571] {strides = array<i32>} : memref<16x1024xf32, #tpu.memory_space<vmem>>, vector<16xf32>,
      tpu.vector_store %arg9[%swap3A_570, %swap3A_571], %broadcast_in_dim3A_12 {strides = array<i32>} : memref<16x1024xf32, #tpu.memory_space<vmem>>, vector<16xf32>,
      %swap3A_573 = arith.index_cast %add3A_396 : i32 to index
      %swap3A_574 = arith.constant 944 : index
      %swap3A_575 = tpu.vector_load %arg9[%swap3A_573, %swap3A_574] {strides = array<i32>} : memref<16x1024xf32, #tpu.memory_space<vmem>>, vector<16xf32>,
      tpu.vector_store %arg9[%swap3A_573, %swap3A_574], %broadcast_in_dim3A_12 {strides = array<i32>} : memref<16x1024xf32, #tpu.memory_space<vmem>>, vector<16xf32>,
      %swap3A_576 = arith.index_cast %add3A_396 : i32 to index
      %swap3A_577 = arith.constant 960 : index
      %swap3A_578 = tpu.vector_load %arg9[%swap3A_576, %swap3A_577] {strides = array<i32>} : memref<16x1024xf32, #tpu.memory_space<vmem>>, vector<16xf32>,
      tpu.vector_store %arg9[%swap3A_576, %swap3A_577], %broadcast_in_dim3A_12 {strides = array<i32>} : memref<16x1024xf32, #tpu.memory_space<vmem>>, vector<16xf32>,
      %swap3A_579 = arith.index_cast %add3A_396 : i32 to index
      %swap3A_580 = arith.constant 976 : index
      %swap3A_581 = tpu.vector_load %arg9[%swap3A_579, %swap3A_580] {strides = array<i32>} : memref<16x1024xf32, #tpu.memory_space<vmem>>, vector<16xf32>,
      tpu.vector_store %arg9[%swap3A_579, %swap3A_580], %broadcast_in_dim3A_12 {strides = array<i32>} : memref<16x1024xf32, #tpu.memory_space<vmem>>, vector<16xf32>,
      %swap3A_582 = arith.index_cast %add3A_396 : i32 to index
      %swap3A_583 = arith.constant 992 : index
      %swap3A_584 = tpu.vector_load %arg9[%swap3A_582, %swap3A_583] {strides = array<i32>} : memref<16x1024xf32, #tpu.memory_space<vmem>>, vector<16xf32>,
      tpu.vector_store %arg9[%swap3A_582, %swap3A_583], %broadcast_in_dim3A_12 {strides = array<i32>} : memref<16x1024xf32, #tpu.memory_space<vmem>>, vector<16xf32>,
      %swap3A_585 = arith.index_cast %add3A_396 : i32 to index
      %swap3A_586 = arith.constant 1008 : index
      %swap3A_587 = tpu.vector_load %arg9[%swap3A_585, %swap3A_586] {strides = array<i32>} : memref<16x1024xf32, #tpu.memory_space<vmem>>, vector<16xf32>,
      tpu.vector_store %arg9[%swap3A_585, %swap3A_586], %broadcast_in_dim3A_12 {strides = array<i32>} : memref<16x1024xf32, #tpu.memory_space<vmem>>, vector<16xf32>,
    }
    %scan3A_217 = arith.constant 16 : i32
    %multiple_of3A_218 = arith.constant 32 : i32
    %multiple_of3A_219 = tpu.assume_multiple %multiple_of3A_218, 16 : i32
    %get3A_220 = arith.index_cast %multiple_of3A_219 : i32 to index
    %get3A_221 = tpu.vector_load %arg5[%get3A_220] {strides = array<i32>} : memref<512xf32, #tpu.memory_space<vmem>>, vector<16xf32>,
    %div3A_222 = arith.constant 1.000000e-03 : f32
    %div3A_223 = vector.broadcast %div3A_222 : f32 to vector<16xf32>
    %div3A_224 = arith.divf %get3A_221, %div3A_223 : vector<16xf32>
    %convert_element_type3A_225 = arith.fptosi %div3A_224 : vector<16xf32> to vector<16xi32>
    %convert_element_type3A_226 = arith.sitofp %convert_element_type3A_225 : vector<16xi32> to vector<16xf32>
    %mul3A_227 = arith.constant 1.000000e-03 : f32
    %mul3A_228 = vector.broadcast %mul3A_227 : f32 to vector<16xf32>
    %mul3A_229 = arith.mulf %convert_element_type3A_226, %mul3A_228 : vector<16xf32>
    %sub3A_230 = arith.subf %get3A_221, %mul3A_229 : vector<16xf32>
    %add3A_231 = arith.constant 0 : i32
    %add3A_232 = vector.broadcast %add3A_231 : i32 to vector<16xi32>
    %add3A_233 = arith.addi %add3A_232, %iota3A : vector<16xi32>
    %add3A_234 = arith.constant 3.000000e-03 : f32
    %add3A_235 = vector.broadcast %add3A_234 : f32 to vector<16xf32>
    %add3A_236 = arith.addf %sub3A_230, %add3A_235 : vector<16xf32>
    %mul3A_237 = arith.mulf %gather3A_36, %add3A_236 : vector<16xf32>
    %add3A_238 = arith.addf %mul3A_237, %gather3A_33 : vector<16xf32>
    %mul3A_239 = arith.mulf %add3A_238, %add3A_236 : vector<16xf32>
    %add3A_240 = arith.addf %mul3A_239, %gather3A_30 : vector<16xf32>
    %mul3A_241 = arith.mulf %add3A_240, %add3A_236 : vector<16xf32>
    %add3A_242 = arith.addf %mul3A_241, %gather3A : vector<16xf32>
    %add3A_243 = arith.constant 0 : i32
    %add3A_244 = vector.broadcast %add3A_243 : i32 to vector<16xi32>
    %add3A_245 = arith.addi %convert_element_type3A_225, %add3A_244 : vector<16xi32>
    tpu.vector_store_idx %arg9[%add3A_233, %add3A_245], %add3A_242 : memref<16x1024xf32, #tpu.memory_space<vmem>>[vector<16xi32>, vector<16xi32>], vector<16xf32>,
    %add3A_246 = arith.constant 2.000000e-03 : f32
    %add3A_247 = vector.broadcast %add3A_246 : f32 to vector<16xf32>
    %add3A_248 = arith.addf %sub3A_230, %add3A_247 : vector<16xf32>
    %mul3A_249 = arith.mulf %gather3A_48, %add3A_248 : vector<16xf32>
    %add3A_250 = arith.addf %mul3A_249, %gather3A_45 : vector<16xf32>
    %mul3A_251 = arith.mulf %add3A_250, %add3A_248 : vector<16xf32>
    %add3A_252 = arith.addf %mul3A_251, %gather3A_42 : vector<16xf32>
    %mul3A_253 = arith.mulf %add3A_252, %add3A_248 : vector<16xf32>
    %add3A_254 = arith.addf %mul3A_253, %gather3A_39 : vector<16xf32>
    %add3A_255 = arith.constant 1 : i32
    %add3A_256 = vector.broadcast %add3A_255 : i32 to vector<16xi32>
    %add3A_257 = arith.addi %convert_element_type3A_225, %add3A_256 : vector<16xi32>
    tpu.vector_store_idx %arg9[%add3A_233, %add3A_257], %add3A_254 : memref<16x1024xf32, #tpu.memory_space<vmem>>[vector<16xi32>, vector<16xi32>], vector<16xf32>,
    %add3A_258 = arith.constant 1.000000e-03 : f32
    %add3A_259 = vector.broadcast %add3A_258 : f32 to vector<16xf32>
    %add3A_260 = arith.addf %sub3A_230, %add3A_259 : vector<16xf32>
    %mul3A_261 = arith.mulf %gather3A_60, %add3A_260 : vector<16xf32>
    %add3A_262 = arith.addf %mul3A_261, %gather3A_57 : vector<16xf32>
    %mul3A_263 = arith.mulf %add3A_262, %add3A_260 : vector<16xf32>
    %add3A_264 = arith.addf %mul3A_263, %gather3A_54 : vector<16xf32>
    %mul3A_265 = arith.mulf %add3A_264, %add3A_260 : vector<16xf32>
    %add3A_266 = arith.addf %mul3A_265, %gather3A_51 : vector<16xf32>
    %add3A_267 = arith.constant 2 : i32
    %add3A_268 = vector.broadcast %add3A_267 : i32 to vector<16xi32>
    %add3A_269 = arith.addi %convert_element_type3A_225, %add3A_268 : vector<16xi32>
    tpu.vector_store_idx %arg9[%add3A_233, %add3A_269], %add3A_266 : memref<16x1024xf32, #tpu.memory_space<vmem>>[vector<16xi32>, vector<16xi32>], vector<16xf32>,
    %add3A_270 = arith.constant 0.000000e+00 : f32
    %add3A_271 = vector.broadcast %add3A_270 : f32 to vector<16xf32>
    %add3A_272 = arith.addf %sub3A_230, %add3A_271 : vector<16xf32>
    %mul3A_273 = arith.mulf %gather3A_72, %add3A_272 : vector<16xf32>
    %add3A_274 = arith.addf %mul3A_273, %gather3A_69 : vector<16xf32>
    %mul3A_275 = arith.mulf %add3A_274, %add3A_272 : vector<16xf32>
    %add3A_276 = arith.addf %mul3A_275, %gather3A_66 : vector<16xf32>
    %mul3A_277 = arith.mulf %add3A_276, %add3A_272 : vector<16xf32>
    %add3A_278 = arith.addf %mul3A_277, %gather3A_63 : vector<16xf32>
    %add3A_279 = arith.constant 3 : i32
    %add3A_280 = vector.broadcast %add3A_279 : i32 to vector<16xi32>
    %add3A_281 = arith.addi %convert_element_type3A_225, %add3A_280 : vector<16xi32>
    tpu.vector_store_idx %arg9[%add3A_233, %add3A_281], %add3A_278 : memref<16x1024xf32, #tpu.memory_space<vmem>>[vector<16xi32>, vector<16xi32>], vector<16xf32>,
    %add3A_282 = arith.constant 32 : i32
    %add3A_283 = arith.addi %mul3A_2, %add3A_282 : i32
    %dma_start3A_284 = arith.constant 0 : i32
    %dma_start3A_285 = tpu.memref_slice %arg4[%add3A_283, %dma_start3A_284] : memref<16384x1024xf32, #tpu.memory_space<hbm>> -> memref<16x1024xf32, #tpu.memory_space<hbm>>
    %dma_start3A_286 = arith.constant 0 : i32
    %dma_start3A_287 = tpu.memref_slice %arg4[%add3A_283, %dma_start3A_286] : memref<16384x1024xf32, #tpu.memory_space<hbm>> -> memref<16x1024xf32, #tpu.memory_space<hbm>>
    tpu.enqueue_dma source(%arg9 : memref<16x1024xf32, #tpu.memory_space<vmem>>) target(%dma_start3A_287 : memref<16x1024xf32, #tpu.memory_space<hbm>>) target_semaphore(%arg13 : memref<!tpu.dma_semaphore, #tpu.memory_space<semaphore_mem>>)
    %scan3A_288 = arith.constant 0 : i32
    %scan3A_289 = arith.constant 16 : i32
    %scan3A_290 = arith.addi %scan3A_288, %scan3A_289 : i32
    %scan3A_291 = arith.constant 1 : i32
    scf.for %scan3A_392 = %scan3A_288 to %scan3A_290 step %scan3A_291  : i32 {
      %mul3A_393 = arith.constant 1 : i32
      %mul3A_394 = arith.muli %scan3A_392, %mul3A_393 : i32
      %add3A_395 = arith.constant 0 : i32
      %add3A_396 = arith.addi %add3A_395, %mul3A_394 : i32
      %swap3A = arith.index_cast %add3A_396 : i32 to index
      %swap3A_397 = arith.constant 0 : index
      %swap3A_398 = tpu.vector_load %arg10[%swap3A, %swap3A_397] {strides = array<i32>} : memref<16x1024xf32, #tpu.memory_space<vmem>>, vector<16xf32>,
      tpu.vector_store %arg10[%swap3A, %swap3A_397], %broadcast_in_dim3A_12 {strides = array<i32>} : memref<16x1024xf32, #tpu.memory_space<vmem>>, vector<16xf32>,
      %swap3A_399 = arith.index_cast %add3A_396 : i32 to index
      %swap3A_400 = arith.constant 16 : index
      %swap3A_401 = tpu.vector_load %arg10[%swap3A_399, %swap3A_400] {strides = array<i32>} : memref<16x1024xf32, #tpu.memory_space<vmem>>, vector<16xf32>,
      tpu.vector_store %arg10[%swap3A_399, %swap3A_400], %broadcast_in_dim3A_12 {strides = array<i32>} : memref<16x1024xf32, #tpu.memory_space<vmem>>, vector<16xf32>,
      %swap3A_402 = arith.index_cast %add3A_396 : i32 to index
      %swap3A_403 = arith.constant 32 : index
      %swap3A_404 = tpu.vector_load %arg10[%swap3A_402, %swap3A_403] {strides = array<i32>} : memref<16x1024xf32, #tpu.memory_space<vmem>>, vector<16xf32>,
      tpu.vector_store %arg10[%swap3A_402, %swap3A_403], %broadcast_in_dim3A_12 {strides = array<i32>} : memref<16x1024xf32, #tpu.memory_space<vmem>>, vector<16xf32>,
      %swap3A_405 = arith.index_cast %add3A_396 : i32 to index
      %swap3A_406 = arith.constant 48 : index
      %swap3A_407 = tpu.vector_load %arg10[%swap3A_405, %swap3A_406] {strides = array<i32>} : memref<16x1024xf32, #tpu.memory_space<vmem>>, vector<16xf32>,
      tpu.vector_store %arg10[%swap3A_405, %swap3A_406], %broadcast_in_dim3A_12 {strides = array<i32>} : memref<16x1024xf32, #tpu.memory_space<vmem>>, vector<16xf32>,
      %swap3A_408 = arith.index_cast %add3A_396 : i32 to index
      %swap3A_409 = arith.constant 64 : index
      %swap3A_410 = tpu.vector_load %arg10[%swap3A_408, %swap3A_409] {strides = array<i32>} : memref<16x1024xf32, #tpu.memory_space<vmem>>, vector<16xf32>,
      tpu.vector_store %arg10[%swap3A_408, %swap3A_409], %broadcast_in_dim3A_12 {strides = array<i32>} : memref<16x1024xf32, #tpu.memory_space<vmem>>, vector<16xf32>,
      %swap3A_411 = arith.index_cast %add3A_396 : i32 to index
      %swap3A_412 = arith.constant 80 : index
      %swap3A_413 = tpu.vector_load %arg10[%swap3A_411, %swap3A_412] {strides = array<i32>} : memref<16x1024xf32, #tpu.memory_space<vmem>>, vector<16xf32>,
      tpu.vector_store %arg10[%swap3A_411, %swap3A_412], %broadcast_in_dim3A_12 {strides = array<i32>} : memref<16x1024xf32, #tpu.memory_space<vmem>>, vector<16xf32>,
      %swap3A_414 = arith.index_cast %add3A_396 : i32 to index
      %swap3A_415 = arith.constant 96 : index
      %swap3A_416 = tpu.vector_load %arg10[%swap3A_414, %swap3A_415] {strides = array<i32>} : memref<16x1024xf32, #tpu.memory_space<vmem>>, vector<16xf32>,
      tpu.vector_store %arg10[%swap3A_414, %swap3A_415], %broadcast_in_dim3A_12 {strides = array<i32>} : memref<16x1024xf32, #tpu.memory_space<vmem>>, vector<16xf32>,
      %swap3A_417 = arith.index_cast %add3A_396 : i32 to index
      %swap3A_418 = arith.constant 112 : index
      %swap3A_419 = tpu.vector_load %arg10[%swap3A_417, %swap3A_418] {strides = array<i32>} : memref<16x1024xf32, #tpu.memory_space<vmem>>, vector<16xf32>,
      tpu.vector_store %arg10[%swap3A_417, %swap3A_418], %broadcast_in_dim3A_12 {strides = array<i32>} : memref<16x1024xf32, #tpu.memory_space<vmem>>, vector<16xf32>,
      %swap3A_420 = arith.index_cast %add3A_396 : i32 to index
      %swap3A_421 = arith.constant 128 : index
      %swap3A_422 = tpu.vector_load %arg10[%swap3A_420, %swap3A_421] {strides = array<i32>} : memref<16x1024xf32, #tpu.memory_space<vmem>>, vector<16xf32>,
      tpu.vector_store %arg10[%swap3A_420, %swap3A_421], %broadcast_in_dim3A_12 {strides = array<i32>} : memref<16x1024xf32, #tpu.memory_space<vmem>>, vector<16xf32>,
      %swap3A_423 = arith.index_cast %add3A_396 : i32 to index
      %swap3A_424 = arith.constant 144 : index
      %swap3A_425 = tpu.vector_load %arg10[%swap3A_423, %swap3A_424] {strides = array<i32>} : memref<16x1024xf32, #tpu.memory_space<vmem>>, vector<16xf32>,
      tpu.vector_store %arg10[%swap3A_423, %swap3A_424], %broadcast_in_dim3A_12 {strides = array<i32>} : memref<16x1024xf32, #tpu.memory_space<vmem>>, vector<16xf32>,
      %swap3A_426 = arith.index_cast %add3A_396 : i32 to index
      %swap3A_427 = arith.constant 160 : index
      %swap3A_428 = tpu.vector_load %arg10[%swap3A_426, %swap3A_427] {strides = array<i32>} : memref<16x1024xf32, #tpu.memory_space<vmem>>, vector<16xf32>,
      tpu.vector_store %arg10[%swap3A_426, %swap3A_427], %broadcast_in_dim3A_12 {strides = array<i32>} : memref<16x1024xf32, #tpu.memory_space<vmem>>, vector<16xf32>,
      %swap3A_429 = arith.index_cast %add3A_396 : i32 to index
      %swap3A_430 = arith.constant 176 : index
      %swap3A_431 = tpu.vector_load %arg10[%swap3A_429, %swap3A_430] {strides = array<i32>} : memref<16x1024xf32, #tpu.memory_space<vmem>>, vector<16xf32>,
      tpu.vector_store %arg10[%swap3A_429, %swap3A_430], %broadcast_in_dim3A_12 {strides = array<i32>} : memref<16x1024xf32, #tpu.memory_space<vmem>>, vector<16xf32>,
      %swap3A_432 = arith.index_cast %add3A_396 : i32 to index
      %swap3A_433 = arith.constant 192 : index
      %swap3A_434 = tpu.vector_load %arg10[%swap3A_432, %swap3A_433] {strides = array<i32>} : memref<16x1024xf32, #tpu.memory_space<vmem>>, vector<16xf32>,
      tpu.vector_store %arg10[%swap3A_432, %swap3A_433], %broadcast_in_dim3A_12 {strides = array<i32>} : memref<16x1024xf32, #tpu.memory_space<vmem>>, vector<16xf32>,
      %swap3A_435 = arith.index_cast %add3A_396 : i32 to index
      %swap3A_436 = arith.constant 208 : index
      %swap3A_437 = tpu.vector_load %arg10[%swap3A_435, %swap3A_436] {strides = array<i32>} : memref<16x1024xf32, #tpu.memory_space<vmem>>, vector<16xf32>,
      tpu.vector_store %arg10[%swap3A_435, %swap3A_436], %broadcast_in_dim3A_12 {strides = array<i32>} : memref<16x1024xf32, #tpu.memory_space<vmem>>, vector<16xf32>,
      %swap3A_438 = arith.index_cast %add3A_396 : i32 to index
      %swap3A_439 = arith.constant 224 : index
      %swap3A_440 = tpu.vector_load %arg10[%swap3A_438, %swap3A_439] {strides = array<i32>} : memref<16x1024xf32, #tpu.memory_space<vmem>>, vector<16xf32>,
      tpu.vector_store %arg10[%swap3A_438, %swap3A_439], %broadcast_in_dim3A_12 {strides = array<i32>} : memref<16x1024xf32, #tpu.memory_space<vmem>>, vector<16xf32>,
      %swap3A_441 = arith.index_cast %add3A_396 : i32 to index
      %swap3A_442 = arith.constant 240 : index
      %swap3A_443 = tpu.vector_load %arg10[%swap3A_441, %swap3A_442] {strides = array<i32>} : memref<16x1024xf32, #tpu.memory_space<vmem>>, vector<16xf32>,
      tpu.vector_store %arg10[%swap3A_441, %swap3A_442], %broadcast_in_dim3A_12 {strides = array<i32>} : memref<16x1024xf32, #tpu.memory_space<vmem>>, vector<16xf32>,
      %swap3A_444 = arith.index_cast %add3A_396 : i32 to index
      %swap3A_445 = arith.constant 256 : index
      %swap3A_446 = tpu.vector_load %arg10[%swap3A_444, %swap3A_445] {strides = array<i32>} : memref<16x1024xf32, #tpu.memory_space<vmem>>, vector<16xf32>,
      tpu.vector_store %arg10[%swap3A_444, %swap3A_445], %broadcast_in_dim3A_12 {strides = array<i32>} : memref<16x1024xf32, #tpu.memory_space<vmem>>, vector<16xf32>,
      %swap3A_447 = arith.index_cast %add3A_396 : i32 to index
      %swap3A_448 = arith.constant 272 : index
      %swap3A_449 = tpu.vector_load %arg10[%swap3A_447, %swap3A_448] {strides = array<i32>} : memref<16x1024xf32, #tpu.memory_space<vmem>>, vector<16xf32>,
      tpu.vector_store %arg10[%swap3A_447, %swap3A_448], %broadcast_in_dim3A_12 {strides = array<i32>} : memref<16x1024xf32, #tpu.memory_space<vmem>>, vector<16xf32>,
      %swap3A_450 = arith.index_cast %add3A_396 : i32 to index
      %swap3A_451 = arith.constant 288 : index
      %swap3A_452 = tpu.vector_load %arg10[%swap3A_450, %swap3A_451] {strides = array<i32>} : memref<16x1024xf32, #tpu.memory_space<vmem>>, vector<16xf32>,
      tpu.vector_store %arg10[%swap3A_450, %swap3A_451], %broadcast_in_dim3A_12 {strides = array<i32>} : memref<16x1024xf32, #tpu.memory_space<vmem>>, vector<16xf32>,
      %swap3A_453 = arith.index_cast %add3A_396 : i32 to index
      %swap3A_454 = arith.constant 304 : index
      %swap3A_455 = tpu.vector_load %arg10[%swap3A_453, %swap3A_454] {strides = array<i32>} : memref<16x1024xf32, #tpu.memory_space<vmem>>, vector<16xf32>,
      tpu.vector_store %arg10[%swap3A_453, %swap3A_454], %broadcast_in_dim3A_12 {strides = array<i32>} : memref<16x1024xf32, #tpu.memory_space<vmem>>, vector<16xf32>,
      %swap3A_456 = arith.index_cast %add3A_396 : i32 to index
      %swap3A_457 = arith.constant 320 : index
      %swap3A_458 = tpu.vector_load %arg10[%swap3A_456, %swap3A_457] {strides = array<i32>} : memref<16x1024xf32, #tpu.memory_space<vmem>>, vector<16xf32>,
      tpu.vector_store %arg10[%swap3A_456, %swap3A_457], %broadcast_in_dim3A_12 {strides = array<i32>} : memref<16x1024xf32, #tpu.memory_space<vmem>>, vector<16xf32>,
      %swap3A_459 = arith.index_cast %add3A_396 : i32 to index
      %swap3A_460 = arith.constant 336 : index
      %swap3A_461 = tpu.vector_load %arg10[%swap3A_459, %swap3A_460] {strides = array<i32>} : memref<16x1024xf32, #tpu.memory_space<vmem>>, vector<16xf32>,
      tpu.vector_store %arg10[%swap3A_459, %swap3A_460], %broadcast_in_dim3A_12 {strides = array<i32>} : memref<16x1024xf32, #tpu.memory_space<vmem>>, vector<16xf32>,
      %swap3A_462 = arith.index_cast %add3A_396 : i32 to index
      %swap3A_463 = arith.constant 352 : index
      %swap3A_464 = tpu.vector_load %arg10[%swap3A_462, %swap3A_463] {strides = array<i32>} : memref<16x1024xf32, #tpu.memory_space<vmem>>, vector<16xf32>,
      tpu.vector_store %arg10[%swap3A_462, %swap3A_463], %broadcast_in_dim3A_12 {strides = array<i32>} : memref<16x1024xf32, #tpu.memory_space<vmem>>, vector<16xf32>,
      %swap3A_465 = arith.index_cast %add3A_396 : i32 to index
      %swap3A_466 = arith.constant 368 : index
      %swap3A_467 = tpu.vector_load %arg10[%swap3A_465, %swap3A_466] {strides = array<i32>} : memref<16x1024xf32, #tpu.memory_space<vmem>>, vector<16xf32>,
      tpu.vector_store %arg10[%swap3A_465, %swap3A_466], %broadcast_in_dim3A_12 {strides = array<i32>} : memref<16x1024xf32, #tpu.memory_space<vmem>>, vector<16xf32>,
      %swap3A_468 = arith.index_cast %add3A_396 : i32 to index
      %swap3A_469 = arith.constant 384 : index
      %swap3A_470 = tpu.vector_load %arg10[%swap3A_468, %swap3A_469] {strides = array<i32>} : memref<16x1024xf32, #tpu.memory_space<vmem>>, vector<16xf32>,
      tpu.vector_store %arg10[%swap3A_468, %swap3A_469], %broadcast_in_dim3A_12 {strides = array<i32>} : memref<16x1024xf32, #tpu.memory_space<vmem>>, vector<16xf32>,
      %swap3A_471 = arith.index_cast %add3A_396 : i32 to index
      %swap3A_472 = arith.constant 400 : index
      %swap3A_473 = tpu.vector_load %arg10[%swap3A_471, %swap3A_472] {strides = array<i32>} : memref<16x1024xf32, #tpu.memory_space<vmem>>, vector<16xf32>,
      tpu.vector_store %arg10[%swap3A_471, %swap3A_472], %broadcast_in_dim3A_12 {strides = array<i32>} : memref<16x1024xf32, #tpu.memory_space<vmem>>, vector<16xf32>,
      %swap3A_474 = arith.index_cast %add3A_396 : i32 to index
      %swap3A_475 = arith.constant 416 : index
      %swap3A_476 = tpu.vector_load %arg10[%swap3A_474, %swap3A_475] {strides = array<i32>} : memref<16x1024xf32, #tpu.memory_space<vmem>>, vector<16xf32>,
      tpu.vector_store %arg10[%swap3A_474, %swap3A_475], %broadcast_in_dim3A_12 {strides = array<i32>} : memref<16x1024xf32, #tpu.memory_space<vmem>>, vector<16xf32>,
      %swap3A_477 = arith.index_cast %add3A_396 : i32 to index
      %swap3A_478 = arith.constant 432 : index
      %swap3A_479 = tpu.vector_load %arg10[%swap3A_477, %swap3A_478] {strides = array<i32>} : memref<16x1024xf32, #tpu.memory_space<vmem>>, vector<16xf32>,
      tpu.vector_store %arg10[%swap3A_477, %swap3A_478], %broadcast_in_dim3A_12 {strides = array<i32>} : memref<16x1024xf32, #tpu.memory_space<vmem>>, vector<16xf32>,
      %swap3A_480 = arith.index_cast %add3A_396 : i32 to index
      %swap3A_481 = arith.constant 448 : index
      %swap3A_482 = tpu.vector_load %arg10[%swap3A_480, %swap3A_481] {strides = array<i32>} : memref<16x1024xf32, #tpu.memory_space<vmem>>, vector<16xf32>,
      tpu.vector_store %arg10[%swap3A_480, %swap3A_481], %broadcast_in_dim3A_12 {strides = array<i32>} : memref<16x1024xf32, #tpu.memory_space<vmem>>, vector<16xf32>,
      %swap3A_483 = arith.index_cast %add3A_396 : i32 to index
      %swap3A_484 = arith.constant 464 : index
      %swap3A_485 = tpu.vector_load %arg10[%swap3A_483, %swap3A_484] {strides = array<i32>} : memref<16x1024xf32, #tpu.memory_space<vmem>>, vector<16xf32>,
      tpu.vector_store %arg10[%swap3A_483, %swap3A_484], %broadcast_in_dim3A_12 {strides = array<i32>} : memref<16x1024xf32, #tpu.memory_space<vmem>>, vector<16xf32>,
      %swap3A_486 = arith.index_cast %add3A_396 : i32 to index
      %swap3A_487 = arith.constant 480 : index
      %swap3A_488 = tpu.vector_load %arg10[%swap3A_486, %swap3A_487] {strides = array<i32>} : memref<16x1024xf32, #tpu.memory_space<vmem>>, vector<16xf32>,
      tpu.vector_store %arg10[%swap3A_486, %swap3A_487], %broadcast_in_dim3A_12 {strides = array<i32>} : memref<16x1024xf32, #tpu.memory_space<vmem>>, vector<16xf32>,
      %swap3A_489 = arith.index_cast %add3A_396 : i32 to index
      %swap3A_490 = arith.constant 496 : index
      %swap3A_491 = tpu.vector_load %arg10[%swap3A_489, %swap3A_490] {strides = array<i32>} : memref<16x1024xf32, #tpu.memory_space<vmem>>, vector<16xf32>,
      tpu.vector_store %arg10[%swap3A_489, %swap3A_490], %broadcast_in_dim3A_12 {strides = array<i32>} : memref<16x1024xf32, #tpu.memory_space<vmem>>, vector<16xf32>,
      %swap3A_492 = arith.index_cast %add3A_396 : i32 to index
      %swap3A_493 = arith.constant 512 : index
      %swap3A_494 = tpu.vector_load %arg10[%swap3A_492, %swap3A_493] {strides = array<i32>} : memref<16x1024xf32, #tpu.memory_space<vmem>>, vector<16xf32>,
      tpu.vector_store %arg10[%swap3A_492, %swap3A_493], %broadcast_in_dim3A_12 {strides = array<i32>} : memref<16x1024xf32, #tpu.memory_space<vmem>>, vector<16xf32>,
      %swap3A_495 = arith.index_cast %add3A_396 : i32 to index
      %swap3A_496 = arith.constant 528 : index
      %swap3A_497 = tpu.vector_load %arg10[%swap3A_495, %swap3A_496] {strides = array<i32>} : memref<16x1024xf32, #tpu.memory_space<vmem>>, vector<16xf32>,
      tpu.vector_store %arg10[%swap3A_495, %swap3A_496], %broadcast_in_dim3A_12 {strides = array<i32>} : memref<16x1024xf32, #tpu.memory_space<vmem>>, vector<16xf32>,
      %swap3A_498 = arith.index_cast %add3A_396 : i32 to index
      %swap3A_499 = arith.constant 544 : index
      %swap3A_500 = tpu.vector_load %arg10[%swap3A_498, %swap3A_499] {strides = array<i32>} : memref<16x1024xf32, #tpu.memory_space<vmem>>, vector<16xf32>,
      tpu.vector_store %arg10[%swap3A_498, %swap3A_499], %broadcast_in_dim3A_12 {strides = array<i32>} : memref<16x1024xf32, #tpu.memory_space<vmem>>, vector<16xf32>,
      %swap3A_501 = arith.index_cast %add3A_396 : i32 to index
      %swap3A_502 = arith.constant 560 : index
      %swap3A_503 = tpu.vector_load %arg10[%swap3A_501, %swap3A_502] {strides = array<i32>} : memref<16x1024xf32, #tpu.memory_space<vmem>>, vector<16xf32>,
      tpu.vector_store %arg10[%swap3A_501, %swap3A_502], %broadcast_in_dim3A_12 {strides = array<i32>} : memref<16x1024xf32, #tpu.memory_space<vmem>>, vector<16xf32>,
      %swap3A_504 = arith.index_cast %add3A_396 : i32 to index
      %swap3A_505 = arith.constant 576 : index
      %swap3A_506 = tpu.vector_load %arg10[%swap3A_504, %swap3A_505] {strides = array<i32>} : memref<16x1024xf32, #tpu.memory_space<vmem>>, vector<16xf32>,
      tpu.vector_store %arg10[%swap3A_504, %swap3A_505], %broadcast_in_dim3A_12 {strides = array<i32>} : memref<16x1024xf32, #tpu.memory_space<vmem>>, vector<16xf32>,
      %swap3A_507 = arith.index_cast %add3A_396 : i32 to index
      %swap3A_508 = arith.constant 592 : index
      %swap3A_509 = tpu.vector_load %arg10[%swap3A_507, %swap3A_508] {strides = array<i32>} : memref<16x1024xf32, #tpu.memory_space<vmem>>, vector<16xf32>,
      tpu.vector_store %arg10[%swap3A_507, %swap3A_508], %broadcast_in_dim3A_12 {strides = array<i32>} : memref<16x1024xf32, #tpu.memory_space<vmem>>, vector<16xf32>,
      %swap3A_510 = arith.index_cast %add3A_396 : i32 to index
      %swap3A_511 = arith.constant 608 : index
      %swap3A_512 = tpu.vector_load %arg10[%swap3A_510, %swap3A_511] {strides = array<i32>} : memref<16x1024xf32, #tpu.memory_space<vmem>>, vector<16xf32>,
      tpu.vector_store %arg10[%swap3A_510, %swap3A_511], %broadcast_in_dim3A_12 {strides = array<i32>} : memref<16x1024xf32, #tpu.memory_space<vmem>>, vector<16xf32>,
      %swap3A_513 = arith.index_cast %add3A_396 : i32 to index
      %swap3A_514 = arith.constant 624 : index
      %swap3A_515 = tpu.vector_load %arg10[%swap3A_513, %swap3A_514] {strides = array<i32>} : memref<16x1024xf32, #tpu.memory_space<vmem>>, vector<16xf32>,
      tpu.vector_store %arg10[%swap3A_513, %swap3A_514], %broadcast_in_dim3A_12 {strides = array<i32>} : memref<16x1024xf32, #tpu.memory_space<vmem>>, vector<16xf32>,
      %swap3A_516 = arith.index_cast %add3A_396 : i32 to index
      %swap3A_517 = arith.constant 640 : index
      %swap3A_518 = tpu.vector_load %arg10[%swap3A_516, %swap3A_517] {strides = array<i32>} : memref<16x1024xf32, #tpu.memory_space<vmem>>, vector<16xf32>,
      tpu.vector_store %arg10[%swap3A_516, %swap3A_517], %broadcast_in_dim3A_12 {strides = array<i32>} : memref<16x1024xf32, #tpu.memory_space<vmem>>, vector<16xf32>,
      %swap3A_519 = arith.index_cast %add3A_396 : i32 to index
      %swap3A_520 = arith.constant 656 : index
      %swap3A_521 = tpu.vector_load %arg10[%swap3A_519, %swap3A_520] {strides = array<i32>} : memref<16x1024xf32, #tpu.memory_space<vmem>>, vector<16xf32>,
      tpu.vector_store %arg10[%swap3A_519, %swap3A_520], %broadcast_in_dim3A_12 {strides = array<i32>} : memref<16x1024xf32, #tpu.memory_space<vmem>>, vector<16xf32>,
      %swap3A_522 = arith.index_cast %add3A_396 : i32 to index
      %swap3A_523 = arith.constant 672 : index
      %swap3A_524 = tpu.vector_load %arg10[%swap3A_522, %swap3A_523] {strides = array<i32>} : memref<16x1024xf32, #tpu.memory_space<vmem>>, vector<16xf32>,
      tpu.vector_store %arg10[%swap3A_522, %swap3A_523], %broadcast_in_dim3A_12 {strides = array<i32>} : memref<16x1024xf32, #tpu.memory_space<vmem>>, vector<16xf32>,
      %swap3A_525 = arith.index_cast %add3A_396 : i32 to index
      %swap3A_526 = arith.constant 688 : index
      %swap3A_527 = tpu.vector_load %arg10[%swap3A_525, %swap3A_526] {strides = array<i32>} : memref<16x1024xf32, #tpu.memory_space<vmem>>, vector<16xf32>,
      tpu.vector_store %arg10[%swap3A_525, %swap3A_526], %broadcast_in_dim3A_12 {strides = array<i32>} : memref<16x1024xf32, #tpu.memory_space<vmem>>, vector<16xf32>,
      %swap3A_528 = arith.index_cast %add3A_396 : i32 to index
      %swap3A_529 = arith.constant 704 : index
      %swap3A_530 = tpu.vector_load %arg10[%swap3A_528, %swap3A_529] {strides = array<i32>} : memref<16x1024xf32, #tpu.memory_space<vmem>>, vector<16xf32>,
      tpu.vector_store %arg10[%swap3A_528, %swap3A_529], %broadcast_in_dim3A_12 {strides = array<i32>} : memref<16x1024xf32, #tpu.memory_space<vmem>>, vector<16xf32>,
      %swap3A_531 = arith.index_cast %add3A_396 : i32 to index
      %swap3A_532 = arith.constant 720 : index
      %swap3A_533 = tpu.vector_load %arg10[%swap3A_531, %swap3A_532] {strides = array<i32>} : memref<16x1024xf32, #tpu.memory_space<vmem>>, vector<16xf32>,
      tpu.vector_store %arg10[%swap3A_531, %swap3A_532], %broadcast_in_dim3A_12 {strides = array<i32>} : memref<16x1024xf32, #tpu.memory_space<vmem>>, vector<16xf32>,
      %swap3A_534 = arith.index_cast %add3A_396 : i32 to index
      %swap3A_535 = arith.constant 736 : index
      %swap3A_536 = tpu.vector_load %arg10[%swap3A_534, %swap3A_535] {strides = array<i32>} : memref<16x1024xf32, #tpu.memory_space<vmem>>, vector<16xf32>,
      tpu.vector_store %arg10[%swap3A_534, %swap3A_535], %broadcast_in_dim3A_12 {strides = array<i32>} : memref<16x1024xf32, #tpu.memory_space<vmem>>, vector<16xf32>,
      %swap3A_537 = arith.index_cast %add3A_396 : i32 to index
      %swap3A_538 = arith.constant 752 : index
      %swap3A_539 = tpu.vector_load %arg10[%swap3A_537, %swap3A_538] {strides = array<i32>} : memref<16x1024xf32, #tpu.memory_space<vmem>>, vector<16xf32>,
      tpu.vector_store %arg10[%swap3A_537, %swap3A_538], %broadcast_in_dim3A_12 {strides = array<i32>} : memref<16x1024xf32, #tpu.memory_space<vmem>>, vector<16xf32>,
      %swap3A_540 = arith.index_cast %add3A_396 : i32 to index
      %swap3A_541 = arith.constant 768 : index
      %swap3A_542 = tpu.vector_load %arg10[%swap3A_540, %swap3A_541] {strides = array<i32>} : memref<16x1024xf32, #tpu.memory_space<vmem>>, vector<16xf32>,
      tpu.vector_store %arg10[%swap3A_540, %swap3A_541], %broadcast_in_dim3A_12 {strides = array<i32>} : memref<16x1024xf32, #tpu.memory_space<vmem>>, vector<16xf32>,
      %swap3A_543 = arith.index_cast %add3A_396 : i32 to index
      %swap3A_544 = arith.constant 784 : index
      %swap3A_545 = tpu.vector_load %arg10[%swap3A_543, %swap3A_544] {strides = array<i32>} : memref<16x1024xf32, #tpu.memory_space<vmem>>, vector<16xf32>,
      tpu.vector_store %arg10[%swap3A_543, %swap3A_544], %broadcast_in_dim3A_12 {strides = array<i32>} : memref<16x1024xf32, #tpu.memory_space<vmem>>, vector<16xf32>,
      %swap3A_546 = arith.index_cast %add3A_396 : i32 to index
      %swap3A_547 = arith.constant 800 : index
      %swap3A_548 = tpu.vector_load %arg10[%swap3A_546, %swap3A_547] {strides = array<i32>} : memref<16x1024xf32, #tpu.memory_space<vmem>>, vector<16xf32>,
      tpu.vector_store %arg10[%swap3A_546, %swap3A_547], %broadcast_in_dim3A_12 {strides = array<i32>} : memref<16x1024xf32, #tpu.memory_space<vmem>>, vector<16xf32>,
      %swap3A_549 = arith.index_cast %add3A_396 : i32 to index
      %swap3A_550 = arith.constant 816 : index
      %swap3A_551 = tpu.vector_load %arg10[%swap3A_549, %swap3A_550] {strides = array<i32>} : memref<16x1024xf32, #tpu.memory_space<vmem>>, vector<16xf32>,
      tpu.vector_store %arg10[%swap3A_549, %swap3A_550], %broadcast_in_dim3A_12 {strides = array<i32>} : memref<16x1024xf32, #tpu.memory_space<vmem>>, vector<16xf32>,
      %swap3A_552 = arith.index_cast %add3A_396 : i32 to index
      %swap3A_553 = arith.constant 832 : index
      %swap3A_554 = tpu.vector_load %arg10[%swap3A_552, %swap3A_553] {strides = array<i32>} : memref<16x1024xf32, #tpu.memory_space<vmem>>, vector<16xf32>,
      tpu.vector_store %arg10[%swap3A_552, %swap3A_553], %broadcast_in_dim3A_12 {strides = array<i32>} : memref<16x1024xf32, #tpu.memory_space<vmem>>, vector<16xf32>,
      %swap3A_555 = arith.index_cast %add3A_396 : i32 to index
      %swap3A_556 = arith.constant 848 : index
      %swap3A_557 = tpu.vector_load %arg10[%swap3A_555, %swap3A_556] {strides = array<i32>} : memref<16x1024xf32, #tpu.memory_space<vmem>>, vector<16xf32>,
      tpu.vector_store %arg10[%swap3A_555, %swap3A_556], %broadcast_in_dim3A_12 {strides = array<i32>} : memref<16x1024xf32, #tpu.memory_space<vmem>>, vector<16xf32>,
      %swap3A_558 = arith.index_cast %add3A_396 : i32 to index
      %swap3A_559 = arith.constant 864 : index
      %swap3A_560 = tpu.vector_load %arg10[%swap3A_558, %swap3A_559] {strides = array<i32>} : memref<16x1024xf32, #tpu.memory_space<vmem>>, vector<16xf32>,
      tpu.vector_store %arg10[%swap3A_558, %swap3A_559], %broadcast_in_dim3A_12 {strides = array<i32>} : memref<16x1024xf32, #tpu.memory_space<vmem>>, vector<16xf32>,
      %swap3A_561 = arith.index_cast %add3A_396 : i32 to index
      %swap3A_562 = arith.constant 880 : index
      %swap3A_563 = tpu.vector_load %arg10[%swap3A_561, %swap3A_562] {strides = array<i32>} : memref<16x1024xf32, #tpu.memory_space<vmem>>, vector<16xf32>,
      tpu.vector_store %arg10[%swap3A_561, %swap3A_562], %broadcast_in_dim3A_12 {strides = array<i32>} : memref<16x1024xf32, #tpu.memory_space<vmem>>, vector<16xf32>,
      %swap3A_564 = arith.index_cast %add3A_396 : i32 to index
      %swap3A_565 = arith.constant 896 : index
      %swap3A_566 = tpu.vector_load %arg10[%swap3A_564, %swap3A_565] {strides = array<i32>} : memref<16x1024xf32, #tpu.memory_space<vmem>>, vector<16xf32>,
      tpu.vector_store %arg10[%swap3A_564, %swap3A_565], %broadcast_in_dim3A_12 {strides = array<i32>} : memref<16x1024xf32, #tpu.memory_space<vmem>>, vector<16xf32>,
      %swap3A_567 = arith.index_cast %add3A_396 : i32 to index
      %swap3A_568 = arith.constant 912 : index
      %swap3A_569 = tpu.vector_load %arg10[%swap3A_567, %swap3A_568] {strides = array<i32>} : memref<16x1024xf32, #tpu.memory_space<vmem>>, vector<16xf32>,
      tpu.vector_store %arg10[%swap3A_567, %swap3A_568], %broadcast_in_dim3A_12 {strides = array<i32>} : memref<16x1024xf32, #tpu.memory_space<vmem>>, vector<16xf32>,
      %swap3A_570 = arith.index_cast %add3A_396 : i32 to index
      %swap3A_571 = arith.constant 928 : index
      %swap3A_572 = tpu.vector_load %arg10[%swap3A_570, %swap3A_571] {strides = array<i32>} : memref<16x1024xf32, #tpu.memory_space<vmem>>, vector<16xf32>,
      tpu.vector_store %arg10[%swap3A_570, %swap3A_571], %broadcast_in_dim3A_12 {strides = array<i32>} : memref<16x1024xf32, #tpu.memory_space<vmem>>, vector<16xf32>,
      %swap3A_573 = arith.index_cast %add3A_396 : i32 to index
      %swap3A_574 = arith.constant 944 : index
      %swap3A_575 = tpu.vector_load %arg10[%swap3A_573, %swap3A_574] {strides = array<i32>} : memref<16x1024xf32, #tpu.memory_space<vmem>>, vector<16xf32>,
      tpu.vector_store %arg10[%swap3A_573, %swap3A_574], %broadcast_in_dim3A_12 {strides = array<i32>} : memref<16x1024xf32, #tpu.memory_space<vmem>>, vector<16xf32>,
      %swap3A_576 = arith.index_cast %add3A_396 : i32 to index
      %swap3A_577 = arith.constant 960 : index
      %swap3A_578 = tpu.vector_load %arg10[%swap3A_576, %swap3A_577] {strides = array<i32>} : memref<16x1024xf32, #tpu.memory_space<vmem>>, vector<16xf32>,
      tpu.vector_store %arg10[%swap3A_576, %swap3A_577], %broadcast_in_dim3A_12 {strides = array<i32>} : memref<16x1024xf32, #tpu.memory_space<vmem>>, vector<16xf32>,
      %swap3A_579 = arith.index_cast %add3A_396 : i32 to index
      %swap3A_580 = arith.constant 976 : index
      %swap3A_581 = tpu.vector_load %arg10[%swap3A_579, %swap3A_580] {strides = array<i32>} : memref<16x1024xf32, #tpu.memory_space<vmem>>, vector<16xf32>,
      tpu.vector_store %arg10[%swap3A_579, %swap3A_580], %broadcast_in_dim3A_12 {strides = array<i32>} : memref<16x1024xf32, #tpu.memory_space<vmem>>, vector<16xf32>,
      %swap3A_582 = arith.index_cast %add3A_396 : i32 to index
      %swap3A_583 = arith.constant 992 : index
      %swap3A_584 = tpu.vector_load %arg10[%swap3A_582, %swap3A_583] {strides = array<i32>} : memref<16x1024xf32, #tpu.memory_space<vmem>>, vector<16xf32>,
      tpu.vector_store %arg10[%swap3A_582, %swap3A_583], %broadcast_in_dim3A_12 {strides = array<i32>} : memref<16x1024xf32, #tpu.memory_space<vmem>>, vector<16xf32>,
      %swap3A_585 = arith.index_cast %add3A_396 : i32 to index
      %swap3A_586 = arith.constant 1008 : index
      %swap3A_587 = tpu.vector_load %arg10[%swap3A_585, %swap3A_586] {strides = array<i32>} : memref<16x1024xf32, #tpu.memory_space<vmem>>, vector<16xf32>,
      tpu.vector_store %arg10[%swap3A_585, %swap3A_586], %broadcast_in_dim3A_12 {strides = array<i32>} : memref<16x1024xf32, #tpu.memory_space<vmem>>, vector<16xf32>,
    }
    %scan3A_292 = arith.constant 16 : i32
    %multiple_of3A_293 = arith.constant 48 : i32
    %multiple_of3A_294 = tpu.assume_multiple %multiple_of3A_293, 16 : i32
    %get3A_295 = arith.index_cast %multiple_of3A_294 : i32 to index
    %get3A_296 = tpu.vector_load %arg5[%get3A_295] {strides = array<i32>} : memref<512xf32, #tpu.memory_space<vmem>>, vector<16xf32>,
    %div3A_297 = arith.constant 1.000000e-03 : f32
    %div3A_298 = vector.broadcast %div3A_297 : f32 to vector<16xf32>
    %div3A_299 = arith.divf %get3A_296, %div3A_298 : vector<16xf32>
    %convert_element_type3A_300 = arith.fptosi %div3A_299 : vector<16xf32> to vector<16xi32>
    %convert_element_type3A_301 = arith.sitofp %convert_element_type3A_300 : vector<16xi32> to vector<16xf32>
    %mul3A_302 = arith.constant 1.000000e-03 : f32
    %mul3A_303 = vector.broadcast %mul3A_302 : f32 to vector<16xf32>
    %mul3A_304 = arith.mulf %convert_element_type3A_301, %mul3A_303 : vector<16xf32>
    %sub3A_305 = arith.subf %get3A_296, %mul3A_304 : vector<16xf32>
    %add3A_306 = arith.constant 0 : i32
    %add3A_307 = vector.broadcast %add3A_306 : i32 to vector<16xi32>
    %add3A_308 = arith.addi %add3A_307, %iota3A : vector<16xi32>
    %add3A_309 = arith.constant 3.000000e-03 : f32
    %add3A_310 = vector.broadcast %add3A_309 : f32 to vector<16xf32>
    %add3A_311 = arith.addf %sub3A_305, %add3A_310 : vector<16xf32>
    %mul3A_312 = arith.mulf %gather3A_36, %add3A_311 : vector<16xf32>
    %add3A_313 = arith.addf %mul3A_312, %gather3A_33 : vector<16xf32>
    %mul3A_314 = arith.mulf %add3A_313, %add3A_311 : vector<16xf32>
    %add3A_315 = arith.addf %mul3A_314, %gather3A_30 : vector<16xf32>
    %mul3A_316 = arith.mulf %add3A_315, %add3A_311 : vector<16xf32>
    %add3A_317 = arith.addf %mul3A_316, %gather3A : vector<16xf32>
    %add3A_318 = arith.constant 0 : i32
    %add3A_319 = vector.broadcast %add3A_318 : i32 to vector<16xi32>
    %add3A_320 = arith.addi %convert_element_type3A_300, %add3A_319 : vector<16xi32>
    tpu.vector_store_idx %arg10[%add3A_308, %add3A_320], %add3A_317 : memref<16x1024xf32, #tpu.memory_space<vmem>>[vector<16xi32>, vector<16xi32>], vector<16xf32>,
    %add3A_321 = arith.constant 2.000000e-03 : f32
    %add3A_322 = vector.broadcast %add3A_321 : f32 to vector<16xf32>
    %add3A_323 = arith.addf %sub3A_305, %add3A_322 : vector<16xf32>
    %mul3A_324 = arith.mulf %gather3A_48, %add3A_323 : vector<16xf32>
    %add3A_325 = arith.addf %mul3A_324, %gather3A_45 : vector<16xf32>
    %mul3A_326 = arith.mulf %add3A_325, %add3A_323 : vector<16xf32>
    %add3A_327 = arith.addf %mul3A_326, %gather3A_42 : vector<16xf32>
    %mul3A_328 = arith.mulf %add3A_327, %add3A_323 : vector<16xf32>
    %add3A_329 = arith.addf %mul3A_328, %gather3A_39 : vector<16xf32>
    %add3A_330 = arith.constant 1 : i32
    %add3A_331 = vector.broadcast %add3A_330 : i32 to vector<16xi32>
    %add3A_332 = arith.addi %convert_element_type3A_300, %add3A_331 : vector<16xi32>
    tpu.vector_store_idx %arg10[%add3A_308, %add3A_332], %add3A_329 : memref<16x1024xf32, #tpu.memory_space<vmem>>[vector<16xi32>, vector<16xi32>], vector<16xf32>,
    %add3A_333 = arith.constant 1.000000e-03 : f32
    %add3A_334 = vector.broadcast %add3A_333 : f32 to vector<16xf32>
    %add3A_335 = arith.addf %sub3A_305, %add3A_334 : vector<16xf32>
    %mul3A_336 = arith.mulf %gather3A_60, %add3A_335 : vector<16xf32>
    %add3A_337 = arith.addf %mul3A_336, %gather3A_57 : vector<16xf32>
    %mul3A_338 = arith.mulf %add3A_337, %add3A_335 : vector<16xf32>
    %add3A_339 = arith.addf %mul3A_338, %gather3A_54 : vector<16xf32>
    %mul3A_340 = arith.mulf %add3A_339, %add3A_335 : vector<16xf32>
    %add3A_341 = arith.addf %mul3A_340, %gather3A_51 : vector<16xf32>
    %add3A_342 = arith.constant 2 : i32
    %add3A_343 = vector.broadcast %add3A_342 : i32 to vector<16xi32>
    %add3A_344 = arith.addi %convert_element_type3A_300, %add3A_343 : vector<16xi32>
    tpu.vector_store_idx %arg10[%add3A_308, %add3A_344], %add3A_341 : memref<16x1024xf32, #tpu.memory_space<vmem>>[vector<16xi32>, vector<16xi32>], vector<16xf32>,
    %add3A_345 = arith.constant 0.000000e+00 : f32
    %add3A_346 = vector.broadcast %add3A_345 : f32 to vector<16xf32>
    %add3A_347 = arith.addf %sub3A_305, %add3A_346 : vector<16xf32>
    %mul3A_348 = arith.mulf %gather3A_72, %add3A_347 : vector<16xf32>
    %add3A_349 = arith.addf %mul3A_348, %gather3A_69 : vector<16xf32>
    %mul3A_350 = arith.mulf %add3A_349, %add3A_347 : vector<16xf32>
    %add3A_351 = arith.addf %mul3A_350, %gather3A_66 : vector<16xf32>
    %mul3A_352 = arith.mulf %add3A_351, %add3A_347 : vector<16xf32>
    %add3A_353 = arith.addf %mul3A_352, %gather3A_63 : vector<16xf32>
    %add3A_354 = arith.constant 3 : i32
    %add3A_355 = vector.broadcast %add3A_354 : i32 to vector<16xi32>
    %add3A_356 = arith.addi %convert_element_type3A_300, %add3A_355 : vector<16xi32>
    tpu.vector_store_idx %arg10[%add3A_308, %add3A_356], %add3A_353 : memref<16x1024xf32, #tpu.memory_space<vmem>>[vector<16xi32>, vector<16xi32>], vector<16xf32>,
    %add3A_357 = arith.constant 48 : i32
    %add3A_358 = arith.addi %mul3A_2, %add3A_357 : i32
    %dma_start3A_359 = arith.constant 0 : i32
    %dma_start3A_360 = tpu.memref_slice %arg4[%add3A_358, %dma_start3A_359] : memref<16384x1024xf32, #tpu.memory_space<hbm>> -> memref<16x1024xf32, #tpu.memory_space<hbm>>
    %dma_start3A_361 = arith.constant 0 : i32
    %dma_start3A_362 = tpu.memref_slice %arg4[%add3A_358, %dma_start3A_361] : memref<16384x1024xf32, #tpu.memory_space<hbm>> -> memref<16x1024xf32, #tpu.memory_space<hbm>>
    tpu.enqueue_dma source(%arg10 : memref<16x1024xf32, #tpu.memory_space<vmem>>) target(%dma_start3A_362 : memref<16x1024xf32, #tpu.memory_space<hbm>>) target_semaphore(%arg14 : memref<!tpu.dma_semaphore, #tpu.memory_space<semaphore_mem>>)
    %scan3A_363 = arith.constant 0 : i32
    %scan3A_364 = arith.constant 7 : i32
    %scan3A_365 = arith.addi %scan3A_363, %scan3A_364 : i32
    %scan3A_366 = arith.constant 1 : i32
    scf.for %scan3A_392 = %scan3A_363 to %scan3A_365 step %scan3A_366  : i32 {
      %mul3A_393 = arith.constant 1 : i32
      %mul3A_394 = arith.muli %scan3A_392, %mul3A_393 : i32
      %add3A_395 = arith.constant 1 : i32
      %add3A_396 = arith.addi %add3A_395, %mul3A_394 : i32
      %mul3A_397 = arith.constant 4 : i32
      %mul3A_398 = arith.muli %add3A_396, %mul3A_397 : i32
      %add3A_399 = arith.constant 0 : i32
      %add3A_400 = arith.addi %mul3A_398, %add3A_399 : i32
      %sub3A_401 = arith.constant 4 : i32
      %sub3A_402 = arith.subi %add3A_400, %sub3A_401 : i32
      %mul3A_403 = arith.constant 16 : i32
      %mul3A_404 = arith.muli %sub3A_402, %mul3A_403 : i32
      %add3A_405 = arith.addi %mul3A_2, %mul3A_404 : i32
      %dma_wait3A_406 = arith.constant 0 : i32
      %dma_wait3A_407 = tpu.memref_slice %arg4[%add3A_405, %dma_wait3A_406] : memref<16384x1024xf32, #tpu.memory_space<hbm>> -> memref<16x1024xf32, #tpu.memory_space<hbm>>
      %dma_wait3A_408 = arith.constant 0 : i32
      %dma_wait3A_409 = tpu.memref_slice %arg4[%add3A_405, %dma_wait3A_408] : memref<16384x1024xf32, #tpu.memory_space<hbm>> -> memref<16x1024xf32, #tpu.memory_space<hbm>>
      tpu.wait_dma2 semaphore(%arg11 : memref<!tpu.dma_semaphore, #tpu.memory_space<semaphore_mem>>) src(%arg7 : memref<16x1024xf32, #tpu.memory_space<vmem>>) dst(%dma_wait3A_409 : memref<16x1024xf32, #tpu.memory_space<hbm>>)
      %sub3A_410 = arith.constant 4 : i32
      %sub3A_411 = arith.subi %add3A_400, %sub3A_410 : i32
      %mul3A_412 = arith.constant 16 : i32
      %mul3A_413 = arith.muli %sub3A_411, %mul3A_412 : i32
      %add3A_414 = arith.constant 0 : i32
      %add3A_415 = arith.addi %mul3A_413, %add3A_414 : i32
      %multiple_of3A_416 = tpu.assume_multiple %add3A_415, 16 : i32
      %get3A_417 = arith.index_cast %multiple_of3A_416 : i32 to index
      %get3A_418 = tpu.vector_load %arg5[%get3A_417] {strides = array<i32>} : memref<512xf32, #tpu.memory_space<vmem>>, vector<16xf32>,
      %div3A_419 = arith.constant 1.000000e-03 : f32
      %div3A_420 = vector.broadcast %div3A_419 : f32 to vector<16xf32>
      %div3A_421 = arith.divf %get3A_418, %div3A_420 : vector<16xf32>
      %convert_element_type3A_422 = arith.fptosi %div3A_421 : vector<16xf32> to vector<16xi32>
      %add3A_423 = arith.constant 0 : i32
      %add3A_424 = vector.broadcast %add3A_423 : i32 to vector<16xi32>
      %add3A_425 = arith.addi %add3A_424, %iota3A : vector<16xi32>
      %add3A_426 = arith.constant 0 : i32
      %add3A_427 = vector.broadcast %add3A_426 : i32 to vector<16xi32>
      %add3A_428 = arith.addi %convert_element_type3A_422, %add3A_427 : vector<16xi32>
      tpu.vector_store_idx %arg7[%add3A_425, %add3A_428], %broadcast_in_dim3A_12 : memref<16x1024xf32, #tpu.memory_space<vmem>>[vector<16xi32>, vector<16xi32>], vector<16xf32>,
      %add3A_429 = arith.constant 1 : i32
      %add3A_430 = vector.broadcast %add3A_429 : i32 to vector<16xi32>
      %add3A_431 = arith.addi %convert_element_type3A_422, %add3A_430 : vector<16xi32>
      tpu.vector_store_idx %arg7[%add3A_425, %add3A_431], %broadcast_in_dim3A_12 : memref<16x1024xf32, #tpu.memory_space<vmem>>[vector<16xi32>, vector<16xi32>], vector<16xf32>,
      %add3A_432 = arith.constant 2 : i32
      %add3A_433 = vector.broadcast %add3A_432 : i32 to vector<16xi32>
      %add3A_434 = arith.addi %convert_element_type3A_422, %add3A_433 : vector<16xi32>
      tpu.vector_store_idx %arg7[%add3A_425, %add3A_434], %broadcast_in_dim3A_12 : memref<16x1024xf32, #tpu.memory_space<vmem>>[vector<16xi32>, vector<16xi32>], vector<16xf32>,
      %add3A_435 = arith.constant 3 : i32
      %add3A_436 = vector.broadcast %add3A_435 : i32 to vector<16xi32>
      %add3A_437 = arith.addi %convert_element_type3A_422, %add3A_436 : vector<16xi32>
      tpu.vector_store_idx %arg7[%add3A_425, %add3A_437], %broadcast_in_dim3A_12 : memref<16x1024xf32, #tpu.memory_space<vmem>>[vector<16xi32>, vector<16xi32>], vector<16xf32>,
      %mul3A_438 = arith.constant 16 : i32
      %mul3A_439 = arith.muli %add3A_400, %mul3A_438 : i32
      %add3A_440 = arith.constant 0 : i32
      %add3A_441 = arith.addi %mul3A_439, %add3A_440 : i32
      %multiple_of3A_442 = tpu.assume_multiple %add3A_441, 16 : i32
      %get3A_443 = arith.index_cast %multiple_of3A_442 : i32 to index
      %get3A_444 = tpu.vector_load %arg5[%get3A_443] {strides = array<i32>} : memref<512xf32, #tpu.memory_space<vmem>>, vector<16xf32>,
      %div3A_445 = arith.constant 1.000000e-03 : f32
      %div3A_446 = vector.broadcast %div3A_445 : f32 to vector<16xf32>
      %div3A_447 = arith.divf %get3A_444, %div3A_446 : vector<16xf32>
      %convert_element_type3A_448 = arith.fptosi %div3A_447 : vector<16xf32> to vector<16xi32>
      %convert_element_type3A_449 = arith.sitofp %convert_element_type3A_448 : vector<16xi32> to vector<16xf32>
      %mul3A_450 = arith.constant 1.000000e-03 : f32
      %mul3A_451 = vector.broadcast %mul3A_450 : f32 to vector<16xf32>
      %mul3A_452 = arith.mulf %convert_element_type3A_449, %mul3A_451 : vector<16xf32>
      %sub3A_453 = arith.subf %get3A_444, %mul3A_452 : vector<16xf32>
      %add3A_454 = arith.constant 0 : i32
      %add3A_455 = vector.broadcast %add3A_454 : i32 to vector<16xi32>
      %add3A_456 = arith.addi %add3A_455, %iota3A : vector<16xi32>
      %add3A_457 = arith.constant 3.000000e-03 : f32
      %add3A_458 = vector.broadcast %add3A_457 : f32 to vector<16xf32>
      %add3A_459 = arith.addf %sub3A_453, %add3A_458 : vector<16xf32>
      %mul3A_460 = arith.mulf %gather3A_36, %add3A_459 : vector<16xf32>
      %add3A_461 = arith.addf %mul3A_460, %gather3A_33 : vector<16xf32>
      %mul3A_462 = arith.mulf %add3A_461, %add3A_459 : vector<16xf32>
      %add3A_463 = arith.addf %mul3A_462, %gather3A_30 : vector<16xf32>
      %mul3A_464 = arith.mulf %add3A_463, %add3A_459 : vector<16xf32>
      %add3A_465 = arith.addf %mul3A_464, %gather3A : vector<16xf32>
      %add3A_466 = arith.constant 0 : i32
      %add3A_467 = vector.broadcast %add3A_466 : i32 to vector<16xi32>
      %add3A_468 = arith.addi %convert_element_type3A_448, %add3A_467 : vector<16xi32>
      tpu.vector_store_idx %arg7[%add3A_456, %add3A_468], %add3A_465 : memref<16x1024xf32, #tpu.memory_space<vmem>>[vector<16xi32>, vector<16xi32>], vector<16xf32>,
      %add3A_469 = arith.constant 2.000000e-03 : f32
      %add3A_470 = vector.broadcast %add3A_469 : f32 to vector<16xf32>
      %add3A_471 = arith.addf %sub3A_453, %add3A_470 : vector<16xf32>
      %mul3A_472 = arith.mulf %gather3A_48, %add3A_471 : vector<16xf32>
      %add3A_473 = arith.addf %mul3A_472, %gather3A_45 : vector<16xf32>
      %mul3A_474 = arith.mulf %add3A_473, %add3A_471 : vector<16xf32>
      %add3A_475 = arith.addf %mul3A_474, %gather3A_42 : vector<16xf32>
      %mul3A_476 = arith.mulf %add3A_475, %add3A_471 : vector<16xf32>
      %add3A_477 = arith.addf %mul3A_476, %gather3A_39 : vector<16xf32>
      %add3A_478 = arith.constant 1 : i32
      %add3A_479 = vector.broadcast %add3A_478 : i32 to vector<16xi32>
      %add3A_480 = arith.addi %convert_element_type3A_448, %add3A_479 : vector<16xi32>
      tpu.vector_store_idx %arg7[%add3A_456, %add3A_480], %add3A_477 : memref<16x1024xf32, #tpu.memory_space<vmem>>[vector<16xi32>, vector<16xi32>], vector<16xf32>,
      %add3A_481 = arith.constant 1.000000e-03 : f32
      %add3A_482 = vector.broadcast %add3A_481 : f32 to vector<16xf32>
      %add3A_483 = arith.addf %sub3A_453, %add3A_482 : vector<16xf32>
      %mul3A_484 = arith.mulf %gather3A_60, %add3A_483 : vector<16xf32>
      %add3A_485 = arith.addf %mul3A_484, %gather3A_57 : vector<16xf32>
      %mul3A_486 = arith.mulf %add3A_485, %add3A_483 : vector<16xf32>
      %add3A_487 = arith.addf %mul3A_486, %gather3A_54 : vector<16xf32>
      %mul3A_488 = arith.mulf %add3A_487, %add3A_483 : vector<16xf32>
      %add3A_489 = arith.addf %mul3A_488, %gather3A_51 : vector<16xf32>
      %add3A_490 = arith.constant 2 : i32
      %add3A_491 = vector.broadcast %add3A_490 : i32 to vector<16xi32>
      %add3A_492 = arith.addi %convert_element_type3A_448, %add3A_491 : vector<16xi32>
      tpu.vector_store_idx %arg7[%add3A_456, %add3A_492], %add3A_489 : memref<16x1024xf32, #tpu.memory_space<vmem>>[vector<16xi32>, vector<16xi32>], vector<16xf32>,
      %add3A_493 = arith.constant 0.000000e+00 : f32
      %add3A_494 = vector.broadcast %add3A_493 : f32 to vector<16xf32>
      %add3A_495 = arith.addf %sub3A_453, %add3A_494 : vector<16xf32>
      %mul3A_496 = arith.mulf %gather3A_72, %add3A_495 : vector<16xf32>
      %add3A_497 = arith.addf %mul3A_496, %gather3A_69 : vector<16xf32>
      %mul3A_498 = arith.mulf %add3A_497, %add3A_495 : vector<16xf32>
      %add3A_499 = arith.addf %mul3A_498, %gather3A_66 : vector<16xf32>
      %mul3A_500 = arith.mulf %add3A_499, %add3A_495 : vector<16xf32>
      %add3A_501 = arith.addf %mul3A_500, %gather3A_63 : vector<16xf32>
      %add3A_502 = arith.constant 3 : i32
      %add3A_503 = vector.broadcast %add3A_502 : i32 to vector<16xi32>
      %add3A_504 = arith.addi %convert_element_type3A_448, %add3A_503 : vector<16xi32>
      tpu.vector_store_idx %arg7[%add3A_456, %add3A_504], %add3A_501 : memref<16x1024xf32, #tpu.memory_space<vmem>>[vector<16xi32>, vector<16xi32>], vector<16xf32>,
      %mul3A_505 = arith.constant 16 : i32
      %mul3A_506 = arith.muli %add3A_400, %mul3A_505 : i32
      %add3A_507 = arith.addi %mul3A_2, %mul3A_506 : i32
      %dma_start3A_508 = arith.constant 0 : i32
      %dma_start3A_509 = tpu.memref_slice %arg4[%add3A_507, %dma_start3A_508] : memref<16384x1024xf32, #tpu.memory_space<hbm>> -> memref<16x1024xf32, #tpu.memory_space<hbm>>
      %dma_start3A_510 = arith.constant 0 : i32
      %dma_start3A_511 = tpu.memref_slice %arg4[%add3A_507, %dma_start3A_510] : memref<16384x1024xf32, #tpu.memory_space<hbm>> -> memref<16x1024xf32, #tpu.memory_space<hbm>>
      tpu.enqueue_dma source(%arg7 : memref<16x1024xf32, #tpu.memory_space<vmem>>) target(%dma_start3A_511 : memref<16x1024xf32, #tpu.memory_space<hbm>>) target_semaphore(%arg11 : memref<!tpu.dma_semaphore, #tpu.memory_space<semaphore_mem>>)
      %mul3A_512 = arith.constant 4 : i32
      %mul3A_513 = arith.muli %add3A_396, %mul3A_512 : i32
      %add3A_514 = arith.constant 1 : i32
      %add3A_515 = arith.addi %mul3A_513, %add3A_514 : i32
      %sub3A_516 = arith.constant 4 : i32
      %sub3A_517 = arith.subi %add3A_515, %sub3A_516 : i32
      %mul3A_518 = arith.constant 16 : i32
      %mul3A_519 = arith.muli %sub3A_517, %mul3A_518 : i32
      %add3A_520 = arith.addi %mul3A_2, %mul3A_519 : i32
      %dma_wait3A_521 = arith.constant 0 : i32
      %dma_wait3A_522 = tpu.memref_slice %arg4[%add3A_520, %dma_wait3A_521] : memref<16384x1024xf32, #tpu.memory_space<hbm>> -> memref<16x1024xf32, #tpu.memory_space<hbm>>
      %dma_wait3A_523 = arith.constant 0 : i32
      %dma_wait3A_524 = tpu.memref_slice %arg4[%add3A_520, %dma_wait3A_523] : memref<16384x1024xf32, #tpu.memory_space<hbm>> -> memref<16x1024xf32, #tpu.memory_space<hbm>>
      tpu.wait_dma2 semaphore(%arg12 : memref<!tpu.dma_semaphore, #tpu.memory_space<semaphore_mem>>) src(%arg8 : memref<16x1024xf32, #tpu.memory_space<vmem>>) dst(%dma_wait3A_524 : memref<16x1024xf32, #tpu.memory_space<hbm>>)
      %sub3A_525 = arith.constant 4 : i32
      %sub3A_526 = arith.subi %add3A_515, %sub3A_525 : i32
      %mul3A_527 = arith.constant 16 : i32
      %mul3A_528 = arith.muli %sub3A_526, %mul3A_527 : i32
      %add3A_529 = arith.constant 0 : i32
      %add3A_530 = arith.addi %mul3A_528, %add3A_529 : i32
      %multiple_of3A_531 = tpu.assume_multiple %add3A_530, 16 : i32
      %get3A_532 = arith.index_cast %multiple_of3A_531 : i32 to index
      %get3A_533 = tpu.vector_load %arg5[%get3A_532] {strides = array<i32>} : memref<512xf32, #tpu.memory_space<vmem>>, vector<16xf32>,
      %div3A_534 = arith.constant 1.000000e-03 : f32
      %div3A_535 = vector.broadcast %div3A_534 : f32 to vector<16xf32>
      %div3A_536 = arith.divf %get3A_533, %div3A_535 : vector<16xf32>
      %convert_element_type3A_537 = arith.fptosi %div3A_536 : vector<16xf32> to vector<16xi32>
      %add3A_538 = arith.constant 0 : i32
      %add3A_539 = vector.broadcast %add3A_538 : i32 to vector<16xi32>
      %add3A_540 = arith.addi %add3A_539, %iota3A : vector<16xi32>
      %add3A_541 = arith.constant 0 : i32
      %add3A_542 = vector.broadcast %add3A_541 : i32 to vector<16xi32>
      %add3A_543 = arith.addi %convert_element_type3A_537, %add3A_542 : vector<16xi32>
      tpu.vector_store_idx %arg8[%add3A_540, %add3A_543], %broadcast_in_dim3A_12 : memref<16x1024xf32, #tpu.memory_space<vmem>>[vector<16xi32>, vector<16xi32>], vector<16xf32>,
      %add3A_544 = arith.constant 1 : i32
      %add3A_545 = vector.broadcast %add3A_544 : i32 to vector<16xi32>
      %add3A_546 = arith.addi %convert_element_type3A_537, %add3A_545 : vector<16xi32>
      tpu.vector_store_idx %arg8[%add3A_540, %add3A_546], %broadcast_in_dim3A_12 : memref<16x1024xf32, #tpu.memory_space<vmem>>[vector<16xi32>, vector<16xi32>], vector<16xf32>,
      %add3A_547 = arith.constant 2 : i32
      %add3A_548 = vector.broadcast %add3A_547 : i32 to vector<16xi32>
      %add3A_549 = arith.addi %convert_element_type3A_537, %add3A_548 : vector<16xi32>
      tpu.vector_store_idx %arg8[%add3A_540, %add3A_549], %broadcast_in_dim3A_12 : memref<16x1024xf32, #tpu.memory_space<vmem>>[vector<16xi32>, vector<16xi32>], vector<16xf32>,
      %add3A_550 = arith.constant 3 : i32
      %add3A_551 = vector.broadcast %add3A_550 : i32 to vector<16xi32>
      %add3A_552 = arith.addi %convert_element_type3A_537, %add3A_551 : vector<16xi32>
      tpu.vector_store_idx %arg8[%add3A_540, %add3A_552], %broadcast_in_dim3A_12 : memref<16x1024xf32, #tpu.memory_space<vmem>>[vector<16xi32>, vector<16xi32>], vector<16xf32>,
      %mul3A_553 = arith.constant 16 : i32
      %mul3A_554 = arith.muli %add3A_515, %mul3A_553 : i32
      %add3A_555 = arith.constant 0 : i32
      %add3A_556 = arith.addi %mul3A_554, %add3A_555 : i32
      %multiple_of3A_557 = tpu.assume_multiple %add3A_556, 16 : i32
      %get3A_558 = arith.index_cast %multiple_of3A_557 : i32 to index
      %get3A_559 = tpu.vector_load %arg5[%get3A_558] {strides = array<i32>} : memref<512xf32, #tpu.memory_space<vmem>>, vector<16xf32>,
      %div3A_560 = arith.constant 1.000000e-03 : f32
      %div3A_561 = vector.broadcast %div3A_560 : f32 to vector<16xf32>
      %div3A_562 = arith.divf %get3A_559, %div3A_561 : vector<16xf32>
      %convert_element_type3A_563 = arith.fptosi %div3A_562 : vector<16xf32> to vector<16xi32>
      %convert_element_type3A_564 = arith.sitofp %convert_element_type3A_563 : vector<16xi32> to vector<16xf32>
      %mul3A_565 = arith.constant 1.000000e-03 : f32
      %mul3A_566 = vector.broadcast %mul3A_565 : f32 to vector<16xf32>
      %mul3A_567 = arith.mulf %convert_element_type3A_564, %mul3A_566 : vector<16xf32>
      %sub3A_568 = arith.subf %get3A_559, %mul3A_567 : vector<16xf32>
      %add3A_569 = arith.constant 0 : i32
      %add3A_570 = vector.broadcast %add3A_569 : i32 to vector<16xi32>
      %add3A_571 = arith.addi %add3A_570, %iota3A : vector<16xi32>
      %add3A_572 = arith.constant 3.000000e-03 : f32
      %add3A_573 = vector.broadcast %add3A_572 : f32 to vector<16xf32>
      %add3A_574 = arith.addf %sub3A_568, %add3A_573 : vector<16xf32>
      %mul3A_575 = arith.mulf %gather3A_36, %add3A_574 : vector<16xf32>
      %add3A_576 = arith.addf %mul3A_575, %gather3A_33 : vector<16xf32>
      %mul3A_577 = arith.mulf %add3A_576, %add3A_574 : vector<16xf32>
      %add3A_578 = arith.addf %mul3A_577, %gather3A_30 : vector<16xf32>
      %mul3A_579 = arith.mulf %add3A_578, %add3A_574 : vector<16xf32>
      %add3A_580 = arith.addf %mul3A_579, %gather3A : vector<16xf32>
      %add3A_581 = arith.constant 0 : i32
      %add3A_582 = vector.broadcast %add3A_581 : i32 to vector<16xi32>
      %add3A_583 = arith.addi %convert_element_type3A_563, %add3A_582 : vector<16xi32>
      tpu.vector_store_idx %arg8[%add3A_571, %add3A_583], %add3A_580 : memref<16x1024xf32, #tpu.memory_space<vmem>>[vector<16xi32>, vector<16xi32>], vector<16xf32>,
      %add3A_584 = arith.constant 2.000000e-03 : f32
      %add3A_585 = vector.broadcast %add3A_584 : f32 to vector<16xf32>
      %add3A_586 = arith.addf %sub3A_568, %add3A_585 : vector<16xf32>
      %mul3A_587 = arith.mulf %gather3A_48, %add3A_586 : vector<16xf32>
      %add3A_588 = arith.addf %mul3A_587, %gather3A_45 : vector<16xf32>
      %mul3A_589 = arith.mulf %add3A_588, %add3A_586 : vector<16xf32>
      %add3A_590 = arith.addf %mul3A_589, %gather3A_42 : vector<16xf32>
      %mul3A_591 = arith.mulf %add3A_590, %add3A_586 : vector<16xf32>
      %add3A_592 = arith.addf %mul3A_591, %gather3A_39 : vector<16xf32>
      %add3A_593 = arith.constant 1 : i32
      %add3A_594 = vector.broadcast %add3A_593 : i32 to vector<16xi32>
      %add3A_595 = arith.addi %convert_element_type3A_563, %add3A_594 : vector<16xi32>
      tpu.vector_store_idx %arg8[%add3A_571, %add3A_595], %add3A_592 : memref<16x1024xf32, #tpu.memory_space<vmem>>[vector<16xi32>, vector<16xi32>], vector<16xf32>,
      %add3A_596 = arith.constant 1.000000e-03 : f32
      %add3A_597 = vector.broadcast %add3A_596 : f32 to vector<16xf32>
      %add3A_598 = arith.addf %sub3A_568, %add3A_597 : vector<16xf32>
      %mul3A_599 = arith.mulf %gather3A_60, %add3A_598 : vector<16xf32>
      %add3A_600 = arith.addf %mul3A_599, %gather3A_57 : vector<16xf32>
      %mul3A_601 = arith.mulf %add3A_600, %add3A_598 : vector<16xf32>
      %add3A_602 = arith.addf %mul3A_601, %gather3A_54 : vector<16xf32>
      %mul3A_603 = arith.mulf %add3A_602, %add3A_598 : vector<16xf32>
      %add3A_604 = arith.addf %mul3A_603, %gather3A_51 : vector<16xf32>
      %add3A_605 = arith.constant 2 : i32
      %add3A_606 = vector.broadcast %add3A_605 : i32 to vector<16xi32>
      %add3A_607 = arith.addi %convert_element_type3A_563, %add3A_606 : vector<16xi32>
      tpu.vector_store_idx %arg8[%add3A_571, %add3A_607], %add3A_604 : memref<16x1024xf32, #tpu.memory_space<vmem>>[vector<16xi32>, vector<16xi32>], vector<16xf32>,
      %add3A_608 = arith.constant 0.000000e+00 : f32
      %add3A_609 = vector.broadcast %add3A_608 : f32 to vector<16xf32>
      %add3A_610 = arith.addf %sub3A_568, %add3A_609 : vector<16xf32>
      %mul3A_611 = arith.mulf %gather3A_72, %add3A_610 : vector<16xf32>
      %add3A_612 = arith.addf %mul3A_611, %gather3A_69 : vector<16xf32>
      %mul3A_613 = arith.mulf %add3A_612, %add3A_610 : vector<16xf32>
      %add3A_614 = arith.addf %mul3A_613, %gather3A_66 : vector<16xf32>
      %mul3A_615 = arith.mulf %add3A_614, %add3A_610 : vector<16xf32>
      %add3A_616 = arith.addf %mul3A_615, %gather3A_63 : vector<16xf32>
      %add3A_617 = arith.constant 3 : i32
      %add3A_618 = vector.broadcast %add3A_617 : i32 to vector<16xi32>
      %add3A_619 = arith.addi %convert_element_type3A_563, %add3A_618 : vector<16xi32>
      tpu.vector_store_idx %arg8[%add3A_571, %add3A_619], %add3A_616 : memref<16x1024xf32, #tpu.memory_space<vmem>>[vector<16xi32>, vector<16xi32>], vector<16xf32>,
      %mul3A_620 = arith.constant 16 : i32
      %mul3A_621 = arith.muli %add3A_515, %mul3A_620 : i32
      %add3A_622 = arith.addi %mul3A_2, %mul3A_621 : i32
      %dma_start3A_623 = arith.constant 0 : i32
      %dma_start3A_624 = tpu.memref_slice %arg4[%add3A_622, %dma_start3A_623] : memref<16384x1024xf32, #tpu.memory_space<hbm>> -> memref<16x1024xf32, #tpu.memory_space<hbm>>
      %dma_start3A_625 = arith.constant 0 : i32
      %dma_start3A_626 = tpu.memref_slice %arg4[%add3A_622, %dma_start3A_625] : memref<16384x1024xf32, #tpu.memory_space<hbm>> -> memref<16x1024xf32, #tpu.memory_space<hbm>>
      tpu.enqueue_dma source(%arg8 : memref<16x1024xf32, #tpu.memory_space<vmem>>) target(%dma_start3A_626 : memref<16x1024xf32, #tpu.memory_space<hbm>>) target_semaphore(%arg12 : memref<!tpu.dma_semaphore, #tpu.memory_space<semaphore_mem>>)
      %mul3A_627 = arith.constant 4 : i32
      %mul3A_628 = arith.muli %add3A_396, %mul3A_627 : i32
      %add3A_629 = arith.constant 2 : i32
      %add3A_630 = arith.addi %mul3A_628, %add3A_629 : i32
      %sub3A_631 = arith.constant 4 : i32
      %sub3A_632 = arith.subi %add3A_630, %sub3A_631 : i32
      %mul3A_633 = arith.constant 16 : i32
      %mul3A_634 = arith.muli %sub3A_632, %mul3A_633 : i32
      %add3A_635 = arith.addi %mul3A_2, %mul3A_634 : i32
      %dma_wait3A_636 = arith.constant 0 : i32
      %dma_wait3A_637 = tpu.memref_slice %arg4[%add3A_635, %dma_wait3A_636] : memref<16384x1024xf32, #tpu.memory_space<hbm>> -> memref<16x1024xf32, #tpu.memory_space<hbm>>
      %dma_wait3A_638 = arith.constant 0 : i32
      %dma_wait3A_639 = tpu.memref_slice %arg4[%add3A_635, %dma_wait3A_638] : memref<16384x1024xf32, #tpu.memory_space<hbm>> -> memref<16x1024xf32, #tpu.memory_space<hbm>>
      tpu.wait_dma2 semaphore(%arg13 : memref<!tpu.dma_semaphore, #tpu.memory_space<semaphore_mem>>) src(%arg9 : memref<16x1024xf32, #tpu.memory_space<vmem>>) dst(%dma_wait3A_639 : memref<16x1024xf32, #tpu.memory_space<hbm>>)
      %sub3A_640 = arith.constant 4 : i32
      %sub3A_641 = arith.subi %add3A_630, %sub3A_640 : i32
      %mul3A_642 = arith.constant 16 : i32
      %mul3A_643 = arith.muli %sub3A_641, %mul3A_642 : i32
      %add3A_644 = arith.constant 0 : i32
      %add3A_645 = arith.addi %mul3A_643, %add3A_644 : i32
      %multiple_of3A_646 = tpu.assume_multiple %add3A_645, 16 : i32
      %get3A_647 = arith.index_cast %multiple_of3A_646 : i32 to index
      %get3A_648 = tpu.vector_load %arg5[%get3A_647] {strides = array<i32>} : memref<512xf32, #tpu.memory_space<vmem>>, vector<16xf32>,
      %div3A_649 = arith.constant 1.000000e-03 : f32
      %div3A_650 = vector.broadcast %div3A_649 : f32 to vector<16xf32>
      %div3A_651 = arith.divf %get3A_648, %div3A_650 : vector<16xf32>
      %convert_element_type3A_652 = arith.fptosi %div3A_651 : vector<16xf32> to vector<16xi32>
      %add3A_653 = arith.constant 0 : i32
      %add3A_654 = vector.broadcast %add3A_653 : i32 to vector<16xi32>
      %add3A_655 = arith.addi %add3A_654, %iota3A : vector<16xi32>
      %add3A_656 = arith.constant 0 : i32
      %add3A_657 = vector.broadcast %add3A_656 : i32 to vector<16xi32>
      %add3A_658 = arith.addi %convert_element_type3A_652, %add3A_657 : vector<16xi32>
      tpu.vector_store_idx %arg9[%add3A_655, %add3A_658], %broadcast_in_dim3A_12 : memref<16x1024xf32, #tpu.memory_space<vmem>>[vector<16xi32>, vector<16xi32>], vector<16xf32>,
      %add3A_659 = arith.constant 1 : i32
      %add3A_660 = vector.broadcast %add3A_659 : i32 to vector<16xi32>
      %add3A_661 = arith.addi %convert_element_type3A_652, %add3A_660 : vector<16xi32>
      tpu.vector_store_idx %arg9[%add3A_655, %add3A_661], %broadcast_in_dim3A_12 : memref<16x1024xf32, #tpu.memory_space<vmem>>[vector<16xi32>, vector<16xi32>], vector<16xf32>,
      %add3A_662 = arith.constant 2 : i32
      %add3A_663 = vector.broadcast %add3A_662 : i32 to vector<16xi32>
      %add3A_664 = arith.addi %convert_element_type3A_652, %add3A_663 : vector<16xi32>
      tpu.vector_store_idx %arg9[%add3A_655, %add3A_664], %broadcast_in_dim3A_12 : memref<16x1024xf32, #tpu.memory_space<vmem>>[vector<16xi32>, vector<16xi32>], vector<16xf32>,
      %add3A_665 = arith.constant 3 : i32
      %add3A_666 = vector.broadcast %add3A_665 : i32 to vector<16xi32>
      %add3A_667 = arith.addi %convert_element_type3A_652, %add3A_666 : vector<16xi32>
      tpu.vector_store_idx %arg9[%add3A_655, %add3A_667], %broadcast_in_dim3A_12 : memref<16x1024xf32, #tpu.memory_space<vmem>>[vector<16xi32>, vector<16xi32>], vector<16xf32>,
      %mul3A_668 = arith.constant 16 : i32
      %mul3A_669 = arith.muli %add3A_630, %mul3A_668 : i32
      %add3A_670 = arith.constant 0 : i32
      %add3A_671 = arith.addi %mul3A_669, %add3A_670 : i32
      %multiple_of3A_672 = tpu.assume_multiple %add3A_671, 16 : i32
      %get3A_673 = arith.index_cast %multiple_of3A_672 : i32 to index
      %get3A_674 = tpu.vector_load %arg5[%get3A_673] {strides = array<i32>} : memref<512xf32, #tpu.memory_space<vmem>>, vector<16xf32>,
      %div3A_675 = arith.constant 1.000000e-03 : f32
      %div3A_676 = vector.broadcast %div3A_675 : f32 to vector<16xf32>
      %div3A_677 = arith.divf %get3A_674, %div3A_676 : vector<16xf32>
      %convert_element_type3A_678 = arith.fptosi %div3A_677 : vector<16xf32> to vector<16xi32>
      %convert_element_type3A_679 = arith.sitofp %convert_element_type3A_678 : vector<16xi32> to vector<16xf32>
      %mul3A_680 = arith.constant 1.000000e-03 : f32
      %mul3A_681 = vector.broadcast %mul3A_680 : f32 to vector<16xf32>
      %mul3A_682 = arith.mulf %convert_element_type3A_679, %mul3A_681 : vector<16xf32>
      %sub3A_683 = arith.subf %get3A_674, %mul3A_682 : vector<16xf32>
      %add3A_684 = arith.constant 0 : i32
      %add3A_685 = vector.broadcast %add3A_684 : i32 to vector<16xi32>
      %add3A_686 = arith.addi %add3A_685, %iota3A : vector<16xi32>
      %add3A_687 = arith.constant 3.000000e-03 : f32
      %add3A_688 = vector.broadcast %add3A_687 : f32 to vector<16xf32>
      %add3A_689 = arith.addf %sub3A_683, %add3A_688 : vector<16xf32>
      %mul3A_690 = arith.mulf %gather3A_36, %add3A_689 : vector<16xf32>
      %add3A_691 = arith.addf %mul3A_690, %gather3A_33 : vector<16xf32>
      %mul3A_692 = arith.mulf %add3A_691, %add3A_689 : vector<16xf32>
      %add3A_693 = arith.addf %mul3A_692, %gather3A_30 : vector<16xf32>
      %mul3A_694 = arith.mulf %add3A_693, %add3A_689 : vector<16xf32>
      %add3A_695 = arith.addf %mul3A_694, %gather3A : vector<16xf32>
      %add3A_696 = arith.constant 0 : i32
      %add3A_697 = vector.broadcast %add3A_696 : i32 to vector<16xi32>
      %add3A_698 = arith.addi %convert_element_type3A_678, %add3A_697 : vector<16xi32>
      tpu.vector_store_idx %arg9[%add3A_686, %add3A_698], %add3A_695 : memref<16x1024xf32, #tpu.memory_space<vmem>>[vector<16xi32>, vector<16xi32>], vector<16xf32>,
      %add3A_699 = arith.constant 2.000000e-03 : f32
      %add3A_700 = vector.broadcast %add3A_699 : f32 to vector<16xf32>
      %add3A_701 = arith.addf %sub3A_683, %add3A_700 : vector<16xf32>
      %mul3A_702 = arith.mulf %gather3A_48, %add3A_701 : vector<16xf32>
      %add3A_703 = arith.addf %mul3A_702, %gather3A_45 : vector<16xf32>
      %mul3A_704 = arith.mulf %add3A_703, %add3A_701 : vector<16xf32>
      %add3A_705 = arith.addf %mul3A_704, %gather3A_42 : vector<16xf32>
      %mul3A_706 = arith.mulf %add3A_705, %add3A_701 : vector<16xf32>
      %add3A_707 = arith.addf %mul3A_706, %gather3A_39 : vector<16xf32>
      %add3A_708 = arith.constant 1 : i32
      %add3A_709 = vector.broadcast %add3A_708 : i32 to vector<16xi32>
      %add3A_710 = arith.addi %convert_element_type3A_678, %add3A_709 : vector<16xi32>
      tpu.vector_store_idx %arg9[%add3A_686, %add3A_710], %add3A_707 : memref<16x1024xf32, #tpu.memory_space<vmem>>[vector<16xi32>, vector<16xi32>], vector<16xf32>,
      %add3A_711 = arith.constant 1.000000e-03 : f32
      %add3A_712 = vector.broadcast %add3A_711 : f32 to vector<16xf32>
      %add3A_713 = arith.addf %sub3A_683, %add3A_712 : vector<16xf32>
      %mul3A_714 = arith.mulf %gather3A_60, %add3A_713 : vector<16xf32>
      %add3A_715 = arith.addf %mul3A_714, %gather3A_57 : vector<16xf32>
      %mul3A_716 = arith.mulf %add3A_715, %add3A_713 : vector<16xf32>
      %add3A_717 = arith.addf %mul3A_716, %gather3A_54 : vector<16xf32>
      %mul3A_718 = arith.mulf %add3A_717, %add3A_713 : vector<16xf32>
      %add3A_719 = arith.addf %mul3A_718, %gather3A_51 : vector<16xf32>
      %add3A_720 = arith.constant 2 : i32
      %add3A_721 = vector.broadcast %add3A_720 : i32 to vector<16xi32>
      %add3A_722 = arith.addi %convert_element_type3A_678, %add3A_721 : vector<16xi32>
      tpu.vector_store_idx %arg9[%add3A_686, %add3A_722], %add3A_719 : memref<16x1024xf32, #tpu.memory_space<vmem>>[vector<16xi32>, vector<16xi32>], vector<16xf32>,
      %add3A_723 = arith.constant 0.000000e+00 : f32
      %add3A_724 = vector.broadcast %add3A_723 : f32 to vector<16xf32>
      %add3A_725 = arith.addf %sub3A_683, %add3A_724 : vector<16xf32>
      %mul3A_726 = arith.mulf %gather3A_72, %add3A_725 : vector<16xf32>
      %add3A_727 = arith.addf %mul3A_726, %gather3A_69 : vector<16xf32>
      %mul3A_728 = arith.mulf %add3A_727, %add3A_725 : vector<16xf32>
      %add3A_729 = arith.addf %mul3A_728, %gather3A_66 : vector<16xf32>
      %mul3A_730 = arith.mulf %add3A_729, %add3A_725 : vector<16xf32>
      %add3A_731 = arith.addf %mul3A_730, %gather3A_63 : vector<16xf32>
      %add3A_732 = arith.constant 3 : i32
      %add3A_733 = vector.broadcast %add3A_732 : i32 to vector<16xi32>
      %add3A_734 = arith.addi %convert_element_type3A_678, %add3A_733 : vector<16xi32>
      tpu.vector_store_idx %arg9[%add3A_686, %add3A_734], %add3A_731 : memref<16x1024xf32, #tpu.memory_space<vmem>>[vector<16xi32>, vector<16xi32>], vector<16xf32>,
      %mul3A_735 = arith.constant 16 : i32
      %mul3A_736 = arith.muli %add3A_630, %mul3A_735 : i32
      %add3A_737 = arith.addi %mul3A_2, %mul3A_736 : i32
      %dma_start3A_738 = arith.constant 0 : i32
      %dma_start3A_739 = tpu.memref_slice %arg4[%add3A_737, %dma_start3A_738] : memref<16384x1024xf32, #tpu.memory_space<hbm>> -> memref<16x1024xf32, #tpu.memory_space<hbm>>
      %dma_start3A_740 = arith.constant 0 : i32
      %dma_start3A_741 = tpu.memref_slice %arg4[%add3A_737, %dma_start3A_740] : memref<16384x1024xf32, #tpu.memory_space<hbm>> -> memref<16x1024xf32, #tpu.memory_space<hbm>>
      tpu.enqueue_dma source(%arg9 : memref<16x1024xf32, #tpu.memory_space<vmem>>) target(%dma_start3A_741 : memref<16x1024xf32, #tpu.memory_space<hbm>>) target_semaphore(%arg13 : memref<!tpu.dma_semaphore, #tpu.memory_space<semaphore_mem>>)
      %mul3A_742 = arith.constant 4 : i32
      %mul3A_743 = arith.muli %add3A_396, %mul3A_742 : i32
      %add3A_744 = arith.constant 3 : i32
      %add3A_745 = arith.addi %mul3A_743, %add3A_744 : i32
      %sub3A_746 = arith.constant 4 : i32
      %sub3A_747 = arith.subi %add3A_745, %sub3A_746 : i32
      %mul3A_748 = arith.constant 16 : i32
      %mul3A_749 = arith.muli %sub3A_747, %mul3A_748 : i32
      %add3A_750 = arith.addi %mul3A_2, %mul3A_749 : i32
      %dma_wait3A_751 = arith.constant 0 : i32
      %dma_wait3A_752 = tpu.memref_slice %arg4[%add3A_750, %dma_wait3A_751] : memref<16384x1024xf32, #tpu.memory_space<hbm>> -> memref<16x1024xf32, #tpu.memory_space<hbm>>
      %dma_wait3A_753 = arith.constant 0 : i32
      %dma_wait3A_754 = tpu.memref_slice %arg4[%add3A_750, %dma_wait3A_753] : memref<16384x1024xf32, #tpu.memory_space<hbm>> -> memref<16x1024xf32, #tpu.memory_space<hbm>>
      tpu.wait_dma2 semaphore(%arg14 : memref<!tpu.dma_semaphore, #tpu.memory_space<semaphore_mem>>) src(%arg10 : memref<16x1024xf32, #tpu.memory_space<vmem>>) dst(%dma_wait3A_754 : memref<16x1024xf32, #tpu.memory_space<hbm>>)
      %sub3A_755 = arith.constant 4 : i32
      %sub3A_756 = arith.subi %add3A_745, %sub3A_755 : i32
      %mul3A_757 = arith.constant 16 : i32
      %mul3A_758 = arith.muli %sub3A_756, %mul3A_757 : i32
      %add3A_759 = arith.constant 0 : i32
      %add3A_760 = arith.addi %mul3A_758, %add3A_759 : i32
      %multiple_of3A_761 = tpu.assume_multiple %add3A_760, 16 : i32
      %get3A_762 = arith.index_cast %multiple_of3A_761 : i32 to index
      %get3A_763 = tpu.vector_load %arg5[%get3A_762] {strides = array<i32>} : memref<512xf32, #tpu.memory_space<vmem>>, vector<16xf32>,
      %div3A_764 = arith.constant 1.000000e-03 : f32
      %div3A_765 = vector.broadcast %div3A_764 : f32 to vector<16xf32>
      %div3A_766 = arith.divf %get3A_763, %div3A_765 : vector<16xf32>
      %convert_element_type3A_767 = arith.fptosi %div3A_766 : vector<16xf32> to vector<16xi32>
      %add3A_768 = arith.constant 0 : i32
      %add3A_769 = vector.broadcast %add3A_768 : i32 to vector<16xi32>
      %add3A_770 = arith.addi %add3A_769, %iota3A : vector<16xi32>
      %add3A_771 = arith.constant 0 : i32
      %add3A_772 = vector.broadcast %add3A_771 : i32 to vector<16xi32>
      %add3A_773 = arith.addi %convert_element_type3A_767, %add3A_772 : vector<16xi32>
      tpu.vector_store_idx %arg10[%add3A_770, %add3A_773], %broadcast_in_dim3A_12 : memref<16x1024xf32, #tpu.memory_space<vmem>>[vector<16xi32>, vector<16xi32>], vector<16xf32>,
      %add3A_774 = arith.constant 1 : i32
      %add3A_775 = vector.broadcast %add3A_774 : i32 to vector<16xi32>
      %add3A_776 = arith.addi %convert_element_type3A_767, %add3A_775 : vector<16xi32>
      tpu.vector_store_idx %arg10[%add3A_770, %add3A_776], %broadcast_in_dim3A_12 : memref<16x1024xf32, #tpu.memory_space<vmem>>[vector<16xi32>, vector<16xi32>], vector<16xf32>,
      %add3A_777 = arith.constant 2 : i32
      %add3A_778 = vector.broadcast %add3A_777 : i32 to vector<16xi32>
      %add3A_779 = arith.addi %convert_element_type3A_767, %add3A_778 : vector<16xi32>
      tpu.vector_store_idx %arg10[%add3A_770, %add3A_779], %broadcast_in_dim3A_12 : memref<16x1024xf32, #tpu.memory_space<vmem>>[vector<16xi32>, vector<16xi32>], vector<16xf32>,
      %add3A_780 = arith.constant 3 : i32
      %add3A_781 = vector.broadcast %add3A_780 : i32 to vector<16xi32>
      %add3A_782 = arith.addi %convert_element_type3A_767, %add3A_781 : vector<16xi32>
      tpu.vector_store_idx %arg10[%add3A_770, %add3A_782], %broadcast_in_dim3A_12 : memref<16x1024xf32, #tpu.memory_space<vmem>>[vector<16xi32>, vector<16xi32>], vector<16xf32>,
      %mul3A_783 = arith.constant 16 : i32
      %mul3A_784 = arith.muli %add3A_745, %mul3A_783 : i32
      %add3A_785 = arith.constant 0 : i32
      %add3A_786 = arith.addi %mul3A_784, %add3A_785 : i32
      %multiple_of3A_787 = tpu.assume_multiple %add3A_786, 16 : i32
      %get3A_788 = arith.index_cast %multiple_of3A_787 : i32 to index
      %get3A_789 = tpu.vector_load %arg5[%get3A_788] {strides = array<i32>} : memref<512xf32, #tpu.memory_space<vmem>>, vector<16xf32>,
      %div3A_790 = arith.constant 1.000000e-03 : f32
      %div3A_791 = vector.broadcast %div3A_790 : f32 to vector<16xf32>
      %div3A_792 = arith.divf %get3A_789, %div3A_791 : vector<16xf32>
      %convert_element_type3A_793 = arith.fptosi %div3A_792 : vector<16xf32> to vector<16xi32>
      %convert_element_type3A_794 = arith.sitofp %convert_element_type3A_793 : vector<16xi32> to vector<16xf32>
      %mul3A_795 = arith.constant 1.000000e-03 : f32
      %mul3A_796 = vector.broadcast %mul3A_795 : f32 to vector<16xf32>
      %mul3A_797 = arith.mulf %convert_element_type3A_794, %mul3A_796 : vector<16xf32>
      %sub3A_798 = arith.subf %get3A_789, %mul3A_797 : vector<16xf32>
      %add3A_799 = arith.constant 0 : i32
      %add3A_800 = vector.broadcast %add3A_799 : i32 to vector<16xi32>
      %add3A_801 = arith.addi %add3A_800, %iota3A : vector<16xi32>
      %add3A_802 = arith.constant 3.000000e-03 : f32
      %add3A_803 = vector.broadcast %add3A_802 : f32 to vector<16xf32>
      %add3A_804 = arith.addf %sub3A_798, %add3A_803 : vector<16xf32>
      %mul3A_805 = arith.mulf %gather3A_36, %add3A_804 : vector<16xf32>
      %add3A_806 = arith.addf %mul3A_805, %gather3A_33 : vector<16xf32>
      %mul3A_807 = arith.mulf %add3A_806, %add3A_804 : vector<16xf32>
      %add3A_808 = arith.addf %mul3A_807, %gather3A_30 : vector<16xf32>
      %mul3A_809 = arith.mulf %add3A_808, %add3A_804 : vector<16xf32>
      %add3A_810 = arith.addf %mul3A_809, %gather3A : vector<16xf32>
      %add3A_811 = arith.constant 0 : i32
      %add3A_812 = vector.broadcast %add3A_811 : i32 to vector<16xi32>
      %add3A_813 = arith.addi %convert_element_type3A_793, %add3A_812 : vector<16xi32>
      tpu.vector_store_idx %arg10[%add3A_801, %add3A_813], %add3A_810 : memref<16x1024xf32, #tpu.memory_space<vmem>>[vector<16xi32>, vector<16xi32>], vector<16xf32>,
      %add3A_814 = arith.constant 2.000000e-03 : f32
      %add3A_815 = vector.broadcast %add3A_814 : f32 to vector<16xf32>
      %add3A_816 = arith.addf %sub3A_798, %add3A_815 : vector<16xf32>
      %mul3A_817 = arith.mulf %gather3A_48, %add3A_816 : vector<16xf32>
      %add3A_818 = arith.addf %mul3A_817, %gather3A_45 : vector<16xf32>
      %mul3A_819 = arith.mulf %add3A_818, %add3A_816 : vector<16xf32>
      %add3A_820 = arith.addf %mul3A_819, %gather3A_42 : vector<16xf32>
      %mul3A_821 = arith.mulf %add3A_820, %add3A_816 : vector<16xf32>
      %add3A_822 = arith.addf %mul3A_821, %gather3A_39 : vector<16xf32>
      %add3A_823 = arith.constant 1 : i32
      %add3A_824 = vector.broadcast %add3A_823 : i32 to vector<16xi32>
      %add3A_825 = arith.addi %convert_element_type3A_793, %add3A_824 : vector<16xi32>
      tpu.vector_store_idx %arg10[%add3A_801, %add3A_825], %add3A_822 : memref<16x1024xf32, #tpu.memory_space<vmem>>[vector<16xi32>, vector<16xi32>], vector<16xf32>,
      %add3A_826 = arith.constant 1.000000e-03 : f32
      %add3A_827 = vector.broadcast %add3A_826 : f32 to vector<16xf32>
      %add3A_828 = arith.addf %sub3A_798, %add3A_827 : vector<16xf32>
      %mul3A_829 = arith.mulf %gather3A_60, %add3A_828 : vector<16xf32>
      %add3A_830 = arith.addf %mul3A_829, %gather3A_57 : vector<16xf32>
      %mul3A_831 = arith.mulf %add3A_830, %add3A_828 : vector<16xf32>
      %add3A_832 = arith.addf %mul3A_831, %gather3A_54 : vector<16xf32>
      %mul3A_833 = arith.mulf %add3A_832, %add3A_828 : vector<16xf32>
      %add3A_834 = arith.addf %mul3A_833, %gather3A_51 : vector<16xf32>
      %add3A_835 = arith.constant 2 : i32
      %add3A_836 = vector.broadcast %add3A_835 : i32 to vector<16xi32>
      %add3A_837 = arith.addi %convert_element_type3A_793, %add3A_836 : vector<16xi32>
      tpu.vector_store_idx %arg10[%add3A_801, %add3A_837], %add3A_834 : memref<16x1024xf32, #tpu.memory_space<vmem>>[vector<16xi32>, vector<16xi32>], vector<16xf32>,
      %add3A_838 = arith.constant 0.000000e+00 : f32
      %add3A_839 = vector.broadcast %add3A_838 : f32 to vector<16xf32>
      %add3A_840 = arith.addf %sub3A_798, %add3A_839 : vector<16xf32>
      %mul3A_841 = arith.mulf %gather3A_72, %add3A_840 : vector<16xf32>
      %add3A_842 = arith.addf %mul3A_841, %gather3A_69 : vector<16xf32>
      %mul3A_843 = arith.mulf %add3A_842, %add3A_840 : vector<16xf32>
      %add3A_844 = arith.addf %mul3A_843, %gather3A_66 : vector<16xf32>
      %mul3A_845 = arith.mulf %add3A_844, %add3A_840 : vector<16xf32>
      %add3A_846 = arith.addf %mul3A_845, %gather3A_63 : vector<16xf32>
      %add3A_847 = arith.constant 3 : i32
      %add3A_848 = vector.broadcast %add3A_847 : i32 to vector<16xi32>
      %add3A_849 = arith.addi %convert_element_type3A_793, %add3A_848 : vector<16xi32>
      tpu.vector_store_idx %arg10[%add3A_801, %add3A_849], %add3A_846 : memref<16x1024xf32, #tpu.memory_space<vmem>>[vector<16xi32>, vector<16xi32>], vector<16xf32>,
      %mul3A_850 = arith.constant 16 : i32
      %mul3A_851 = arith.muli %add3A_745, %mul3A_850 : i32
      %add3A_852 = arith.addi %mul3A_2, %mul3A_851 : i32
      %dma_start3A_853 = arith.constant 0 : i32
      %dma_start3A_854 = tpu.memref_slice %arg4[%add3A_852, %dma_start3A_853] : memref<16384x1024xf32, #tpu.memory_space<hbm>> -> memref<16x1024xf32, #tpu.memory_space<hbm>>
      %dma_start3A_855 = arith.constant 0 : i32
      %dma_start3A_856 = tpu.memref_slice %arg4[%add3A_852, %dma_start3A_855] : memref<16384x1024xf32, #tpu.memory_space<hbm>> -> memref<16x1024xf32, #tpu.memory_space<hbm>>
      tpu.enqueue_dma source(%arg10 : memref<16x1024xf32, #tpu.memory_space<vmem>>) target(%dma_start3A_856 : memref<16x1024xf32, #tpu.memory_space<hbm>>) target_semaphore(%arg14 : memref<!tpu.dma_semaphore, #tpu.memory_space<semaphore_mem>>)
    }
    %scan3A_367 = arith.constant 7 : i32
    %add3A_368 = arith.constant 448 : i32
    %add3A_369 = arith.addi %mul3A_2, %add3A_368 : i32
    %dma_wait3A_370 = arith.constant 0 : i32
    %dma_wait3A_371 = tpu.memref_slice %arg4[%add3A_369, %dma_wait3A_370] : memref<16384x1024xf32, #tpu.memory_space<hbm>> -> memref<16x1024xf32, #tpu.memory_space<hbm>>
    %dma_wait3A_372 = arith.constant 0 : i32
    %dma_wait3A_373 = tpu.memref_slice %arg4[%add3A_369, %dma_wait3A_372] : memref<16384x1024xf32, #tpu.memory_space<hbm>> -> memref<16x1024xf32, #tpu.memory_space<hbm>>
    tpu.wait_dma2 semaphore(%arg11 : memref<!tpu.dma_semaphore, #tpu.memory_space<semaphore_mem>>) src(%arg7 : memref<16x1024xf32, #tpu.memory_space<vmem>>) dst(%dma_wait3A_373 : memref<16x1024xf32, #tpu.memory_space<hbm>>)
    %add3A_374 = arith.constant 464 : i32
    %add3A_375 = arith.addi %mul3A_2, %add3A_374 : i32
    %dma_wait3A_376 = arith.constant 0 : i32
    %dma_wait3A_377 = tpu.memref_slice %arg4[%add3A_375, %dma_wait3A_376] : memref<16384x1024xf32, #tpu.memory_space<hbm>> -> memref<16x1024xf32, #tpu.memory_space<hbm>>
    %dma_wait3A_378 = arith.constant 0 : i32
    %dma_wait3A_379 = tpu.memref_slice %arg4[%add3A_375, %dma_wait3A_378] : memref<16384x1024xf32, #tpu.memory_space<hbm>> -> memref<16x1024xf32, #tpu.memory_space<hbm>>
    tpu.wait_dma2 semaphore(%arg12 : memref<!tpu.dma_semaphore, #tpu.memory_space<semaphore_mem>>) src(%arg8 : memref<16x1024xf32, #tpu.memory_space<vmem>>) dst(%dma_wait3A_379 : memref<16x1024xf32, #tpu.memory_space<hbm>>)
    %add3A_380 = arith.constant 480 : i32
    %add3A_381 = arith.addi %mul3A_2, %add3A_380 : i32
    %dma_wait3A_382 = arith.constant 0 : i32
    %dma_wait3A_383 = tpu.memref_slice %arg4[%add3A_381, %dma_wait3A_382] : memref<16384x1024xf32, #tpu.memory_space<hbm>> -> memref<16x1024xf32, #tpu.memory_space<hbm>>
    %dma_wait3A_384 = arith.constant 0 : i32
    %dma_wait3A_385 = tpu.memref_slice %arg4[%add3A_381, %dma_wait3A_384] : memref<16384x1024xf32, #tpu.memory_space<hbm>> -> memref<16x1024xf32, #tpu.memory_space<hbm>>
    tpu.wait_dma2 semaphore(%arg13 : memref<!tpu.dma_semaphore, #tpu.memory_space<semaphore_mem>>) src(%arg9 : memref<16x1024xf32, #tpu.memory_space<vmem>>) dst(%dma_wait3A_385 : memref<16x1024xf32, #tpu.memory_space<hbm>>)
    %add3A_386 = arith.constant 496 : i32
    %add3A_387 = arith.addi %mul3A_2, %add3A_386 : i32
    %dma_wait3A_388 = arith.constant 0 : i32
    %dma_wait3A_389 = tpu.memref_slice %arg4[%add3A_387, %dma_wait3A_388] : memref<16384x1024xf32, #tpu.memory_space<hbm>> -> memref<16x1024xf32, #tpu.memory_space<hbm>>
    %dma_wait3A_390 = arith.constant 0 : i32
    %dma_wait3A_391 = tpu.memref_slice %arg4[%add3A_387, %dma_wait3A_390] : memref<16384x1024xf32, #tpu.memory_space<hbm>> -> memref<16x1024xf32, #tpu.memory_space<hbm>>
    tpu.wait_dma2 semaphore(%arg14 : memref<!tpu.dma_semaphore, #tpu.memory_space<semaphore_mem>>) src(%arg10 : memref<16x1024xf32, #tpu.memory_space<vmem>>) dst(%dma_wait3A_391 : memref<16x1024xf32, #tpu.memory_space<hbm>>)
    return
  }
}

</mosaic_0001>

<sc_bundles>
// kernel: kernel.3.cloned.1.call-start
scs
__scs_entry_jumppad:
0x0: {  	(pc) =	sbr.rel $0x88, $3  }
0x1: {  	(tag) =	ssettag $0x0;
	lr =	simm.s32 $0x1  }
0x2: {  	[smem:$0x3F9F] =	sst lr;
	_ =	strace $0xD0000000  }
0x3: {  	_ = 	snop  }
0x4: {  	_ = 	snop  }
0x5: {  	_ = 	snop  }
0x6: {  	_ = 	snop  }
0x7: {  	_ = 	snop  }
__scs_overlays_trampoline_lowered:
0x8: {  	[smem:$0x3FAE] =	sst s0  }
0x9: {  	[smem:$0x3FAF] =	sst s1  }
0xa: {  	[smem:$0x3FB0] =	sst s2  }
0xb: {  	[smem:$0x3FB1] =	sst s3  }
0xc: {  	[smem:$0x3FB2] =	sst s4  }
0xd: {  	[smem:$0x3FB3] =	sst s5  }
0xe: {  	[smem:$0x3FB4] =	sst s6  }
0xf: {  	[smem:$0x3FB5] =	sst s7  }
0x10: {  	[smem:$0x3FB6] =	sst s8  }
0x11: {  	[smem:$0x3FB7] =	sst s9;
	s0 =	simm.s32 @!p0 $0x0  }
0x12: {  	s1 =	sld [smem:$0x3F9D];
	s0 =	simm.s32 @p0 $0x1  }
0x13: {  	[smem:$0x3FB8] =	sst s0;
	s0 =	simm.s32 @!p1 $0x0  }
0x14: {  	s2 =	sld [smem:$0x3F9C];
	s0 =	simm.s32 @p1 $0x1  }
0x15: {  	[smem:$0x3FB9] =	sst s0;
	s0 =	simm.s32 @!p2 $0x0  }
0x16: {  	s3 =	sld [smem:$0x3FDB];
	s0 =	simm.s32 @p2 $0x1  }
0x17: {  	s4 =	simm.s32 $0x1BF5;
	[smem:$0x3FBB] =	sst s0  }
0x18: {  	s0 =	sld [smem:$0x3F9E];
	_ =	swait.ge [sflag:s4], $0x0  }
0x19: {  	s7 =	sld [smem:$0x3F9F]  }
0x1a: {  	s8 =	sadd.s32 $0xFFFFE003, lr  }
0x1b: {  	s9 =	sadd.s32 $0xFFFFFEF7, lr;
	s5 =	simm.s32 $0xFFFFFFFF;
	p2 =	slt.u32 s8, $0xFFFFF086  }
0x1c: {  	p1 =	slt.u32 s9, $0xF7A;
	s5 =	simm.s32 @!p2 $0x0  }
0x1d: {  	s5 =	simm.s32 @p1 $0x1;
	p0 =	seq.s32 s7, s2  }
0x1e: {  	s7 =	smul.u32 @!p0 $0xF7A, s2;
	p2 =	seq.s32 @!p0 s5, $0x0  }
0x1f: {  	s9 =	smul.u32 $0xF7A, s1;
	s8 =	simm.s32 @!p0 $0x1BF5;
	p2 =	por !p2, p0  }
0x20: {  	[sflag:s8] =	ssyncset.s32 @!p0 $0xFFFFF086;
	s6 =	sadd.s32 @!p0 s3, s7;
	s7 =	simm.s32 @!p0 $0x108  }
0x21: {  	s3 =	sadd.s32 s3, s9;
	s6 =	sadd.s32 @!p0 $0x88, s6;
	s7 =	simm.s32 @p2 $0x1082  }
0x22: {  	[simem:s7], [sflag:s8] =	dma.local @!p0 [hbm:s6], $0xF7A  }
0x23: {  	s9 =	sor.u32 $0xD0000000, s2;
	s6 =	simm.s32 $0x108;
	_ =	swait.ge @!p0 [sflag:s8], $0x0  }
0x24: {  	s3 =	sadd.s32 $0x88, s3;
	s6 =	simm.s32 @!p1 $0x1082;
	[sflag:s4] =	ssyncset.s32 $0xFFFFF086  }
0x25: {  	[simem:s6], [sflag:s4] =	dma.local [hbm:s3], $0xF7A  }
0x26: {  	[smem:$0x3F9F] =	sst s1;
	(tag) =	ssettag s2;
	_ =	strace s9  }
0x27: {  	s1 =	sld [smem:$0x3FAF]  }
0x28: {  	s2 =	sld [smem:$0x3FB0]  }
0x29: {  	s4 =	sld [smem:$0x3FB2]  }
0x2a: {  	p0 =	seq.s32 s5, $0x0;
	s5 =	sld [smem:$0x3FB3]  }
0x2b: {  	s6 =	sld [smem:$0x3FB4]  }
0x2c: {  	s7 =	sld [smem:$0x3FB5]  }
0x2d: {  	s3 =	simm.s32 $0x108;
	s8 =	sld [smem:$0x3FB6]  }
0x2e: {  	s3 =	simm.s32 @!p0 $0x1082;
	s9 =	sld [smem:$0x3FB7]  }
0x2f: {  	lr =	sadd.s32 s0, s3;
	s0 =	sld [smem:$0x3FAE]  }
0x30: {  	s3 =	sld [smem:$0x3FB1]  }
0x31: {  	[smem:$0x3FBA] =	sst s10  }
0x32: {  	s10 =	sld [smem:$0x3FB8];
	_ =	sdelay $0x3  }
0x33: {  	p0 =	seq.s32 s10, $0x1;
	s10 =	sld [smem:$0x3FBA];
	_ =	sdelay $0x3  }
0x34: {  	[smem:$0x3FBA] =	sst s10  }
0x35: {  	s10 =	sld [smem:$0x3FB9];
	_ =	sdelay $0x3  }
0x36: {  	p1 =	seq.s32 s10, $0x1;
	s10 =	sld [smem:$0x3FBA];
	_ =	sdelay $0x3  }
0x37: {  	[smem:$0x3FBA] =	sst s10  }
0x38: {  	s10 =	sld [smem:$0x3FBB]  }
0x39: {  	_ = 	snop;
	(pc) =	sbr.ind lr, $3  }
0x3a: {  	_ = 	snop  }
0x3b: {  	_ = 	snop  }
0x3c: {  	p2 =	seq.s32 s10, $0x1;
	s10 =	sld [smem:$0x3FBA]  }
0x3d: {  	_ =	shalt  }
0x3e: {  	_ =	shalt  }
0x3f: {  	_ =	shalt  }
0x40: {  	_ =	shalt  }
0x41: {  	_ =	shalt  }
0x42: {  	_ =	shalt  }
0x43: {  	_ =	shalt  }
0x44: {  	_ =	shalt  }
0x45: {  	_ =	shalt  }
0x46: {  	_ =	shalt  }
0x47: {  	_ =	shalt  }
0x48: {  	_ =	shalt  }
0x49: {  	_ =	shalt  }
0x4a: {  	_ =	shalt  }
0x4b: {  	_ =	shalt  }
0x4c: {  	_ =	shalt  }
0x4d: {  	_ =	shalt  }
0x4e: {  	_ =	shalt  }
0x4f: {  	_ =	shalt  }
0x50: {  	_ =	shalt  }
0x51: {  	_ =	shalt  }
0x52: {  	_ =	shalt  }
0x53: {  	_ =	shalt  }
0x54: {  	_ =	shalt  }
0x55: {  	_ =	shalt  }
0x56: {  	_ =	shalt  }
0x57: {  	_ =	shalt  }
0x58: {  	_ =	shalt  }
0x59: {  	_ =	shalt  }
0x5a: {  	_ =	shalt  }
0x5b: {  	_ =	shalt  }
0x5c: {  	_ =	shalt  }
0x5d: {  	_ =	shalt  }
0x5e: {  	_ =	shalt  }
0x5f: {  	_ =	shalt  }
0x60: {  	_ =	shalt  }
0x61: {  	_ =	shalt  }
0x62: {  	_ =	shalt  }
0x63: {  	_ =	shalt  }
0x64: {  	_ =	shalt  }
0x65: {  	_ =	shalt  }
0x66: {  	_ =	shalt  }
0x67: {  	_ =	shalt  }
0x68: {  	_ =	shalt  }
0x69: {  	_ =	shalt  }
0x6a: {  	_ =	shalt  }
0x6b: {  	_ =	shalt  }
0x6c: {  	_ =	shalt  }
0x6d: {  	_ =	shalt  }
0x6e: {  	_ =	shalt  }
0x6f: {  	_ =	shalt  }
0x70: {  	_ =	shalt  }
0x71: {  	_ =	shalt  }
0x72: {  	_ =	shalt  }
0x73: {  	_ =	shalt  }
0x74: {  	_ =	shalt  }
0x75: {  	_ =	shalt  }
0x76: {  	_ =	shalt  }
0x77: {  	_ =	shalt  }
0x78: {  	_ =	shalt  }
0x79: {  	_ =	shalt  }
0x7a: {  	_ =	shalt  }
0x7b: {  	_ =	shalt  }
0x7c: {  	_ =	shalt  }
0x7d: {  	_ =	shalt  }
0x7e: {  	_ =	shalt  }
0x7f: {  	_ =	shalt  }
0x80: {  	_ =	shalt  }
0x81: {  	_ =	shalt  }
0x82: {  	_ =	shalt  }
0x83: {  	_ =	shalt  }
0x84: {  	_ =	shalt  }
0x85: {  	_ =	shalt  }
0x86: {  	_ =	shalt  }
0x87: {  	_ =	shalt  }
.Lfunc_end0:
.L_simem_size_0:
called_computation_lowered:
.L_overlay_start_0:
0x88: {  	s2 =	sld [smem:$0x3FD9]  }
0x89: {  	s3 =	sld [smem:$0x3FFE];
	_ =	sdelay $0x1  }
0x8a: {  	s1 =	srdreg.scid  }
0x8b: {  	s0 =	sand.u32 $0x1, s1  }
0x8c: {  	s17 =	sshll.u32 s0, $0xA;
	s2 =	sadd.s32 s3, s2  }
0x8d: {  	s2 =	sadd.s32 s2, s17  }
0x8e: {  	[smem:$0x3FC6] =	sst s2  }
0x8f: {  	_ = 	snop  }
0x90: {  	s2 =	sld [smem:$0x3FC9]  }
0x91: {  	s18 =	sld [smem:$0x3FD0];
	(tm) =	ssettm $0x1  }
0x92: {  	s4 =	sld [smem:$0x3FFB];
	_ =	sdelay $0x3  }
0x93: {  	_ =	strace s4  }
0x94: {  	s4 =	sld [smem:$0x3FFC];
	_ =	sdelay $0x3  }
0x95: {  	_ =	strace s4  }
0x96: {  	s4 =	sld [smem:$0x3FFD];
	_ =	sdelay $0x3  }
0x97: {  	_ =	strace s4  }
0x98: {  	_ =	strace $0x8FFFFFFF  }
0x99: {  	s19 =	sld [smem:$0x3FDB];
	_ =	sdelay $0x1  }
0x9a: {  	s5 =	simm.s32 $_scs_section_size  }
0x9b: {  	s6 =	simm.s32 $_size__tile_overlayer_lowered;
	s7 =	simm.s32 $_tile_overlayer_lowered  }
0x9c: {  	s22 =	simm.s32 $0x1BFF;
	s21 =	sshll.u32 s7, $0x1;
	s4 =	sadd.s32 s5, s19  }
0x9d: {  	s8 =	simm.s32 $0x0;
	s20 =	sshll.u32 s6, $0x1;
	s6 =	sadd.s32 s21, s4  }
0x9e: {  	[timem:s8], [sflag:s22] =	dma.local [hbm:s6], s20  }
0x9f: {  	_ =	swait.ge [sflag:s22], s20  }
0xa0: {  	s5 =	ssub.s32 $0x0, s20;
	[sflag:s22] =	ssyncset.done $0x0  }
0xa1: {  	[sflag:s22] =	ssyncadd.s32 s5;
	_ =	sdelay $0x1  }
0xa2: {  	s23 =	simm.s32 $0x1B8B  }
0xa3: {  	_ =	swait.ge [sflag:s23], $0x1  }
0xa4: {  	[sflag:s23] =	ssyncset.done $0x0  }
0xa5: {  	s25 =	simm.s32 $0x1B8E;
	s24 =	sld [smem:$0x3FFE];
	[sflag:s23] =	ssyncadd.s32 $0xFFFFFFFF  }
0xa6: {  	s26 =	simm.s32 $execute0_lowered;
	[smem:$0x3FD2] =	sst s25  }
0xa7: {  	s6 =	sshll.u32 s26, $0x1;
	_ =	strace $0x80000046;
	[dreg:$0x1] =	wrdreg $0xFFFFFFFF  }
0xa8: {  	s28 =	simm.s32 $_size_execute0_lowered;
	s4 =	sadd.s32 s4, s6;
	[dreg:$0x0] =	wrdreg $0x0  }
0xa9: {  	s6 =	sshll.u32 s28, $0x1;
	[dreg:$0x2] =	wrdreg s4  }
0xaa: {  	[dreg:$0x3] =	wrdreg s6  }
0xab: {  	[dreg:$0x4] =	wrdreg $0xC0  }
0xac: {  	_ =	task [dreg:s8], $0x5FFFF  }
0xad: {  	[dreg:$0x1] =	wrdreg $0xFFFFFFFF  }
0xae: {  	[dreg:$0x0] =	wrdreg $0x60  }
0xaf: {  	[dreg:$0x2] =	wrdreg s2  }
0xb0: {  	[dreg:$0x3] =	wrdreg s24  }
0xb1: {  	[dreg:$0x4] =	wrdreg s18  }
0xb2: {  	[dreg:$0x5] =	wrdreg $0x9  }
0xb3: {  	_ =	task.clear_ibuf [dreg:s8], $0x6FFFF;
	_ =	strace $0x90000046  }
0xb4: {  	s29 =	simm.s32 $0x9;
	_ =	strace $0x80000048  }
0xb5: {  	_ =	swait.ge [sflag:s29], $0x1  }
0xb6: {  	[sflag:s29] =	ssyncadd.s32 $0xFFFFFFFF  }
0xb7: {  	_ =	strace $0x90000048  }
0xb8: {  	_ =	sfence  }
0xb9: {  	s30 =	sld [smem:$0x0];
	_ =	sdelay $0x2  }
0xba: {  	s31 =	sshll.u32 s1, $0xD;
	s1 =	sshrl.u32 s1, $0x2  }
0xbb: {  	s3 =	sand.u32 $0x4000, s31;
	s1 =	sadd.s32 s1, s30  }
0xbc: {  	s0 =	sor.u32 s3, s0;
	s1 =	sshll.u32 s1, $0x11  }
0xbd: {  	s0 =	sor.u32 s1, s0  }
0xbe: {  	s0 =	sadd.s32 $0x8F2B, s0  }
0xbf: {  	[sflag:s0] =	ssyncadd.remote.s32 $0x1  }
0xc0: {  	_ =	sfence.sel $0xFFFF  }
0xc1: {  	[dreg:$0x0] =	wrdreg $0xFFFFFFFF;
	(pc) =	sbr.abs _section_cstart, $3  }
0xc2: {  	[dreg:$0x1] =	wrdreg $0xFFFFFFFF  }
0xc3: {  	_ =	task.clear_ibuf [dreg:s8], $0x2FFFF;
	_ =	strace $0x9FFFFFFF  }
0xc4: {  	(tm) =	ssettm $0x7FFFFFFF  }
0xc5: {  	_ =	shalt  }
tec
execute0_lowered:
.L_overlay_start_1:
0x0: {  	(tag) =	ssettag $0x1  }
0x1: {  	v2 =	vimm.s32 $0x2380;
	vm0 =	vcmask $0x300  }
0x2: {  	s5 =	rddreg [dreg:$0x0];
	v0 =	vimm.f32 $1.000000050e-03;
	vm14 =	vcmask $0x704;
	v3 =	vsel vm0, $0x0, v2  }
0x3: {  	s3 =	rddreg [dreg:$0x1];
	v1 =	vimm.s32 $0x10;
	vm15 =	vcmask $0xB08;
	v4 =	vsel vm14, $0x80, v3  }
0x4: {  	s10 =	rddreg [dreg:$0x2];
	vm4 =	vcmask $0xF0C;
	vm5 =	vcmask $0x1310;
	v5 =	vsel vm15, $0x100, v4  }
0x5: {  	s0 =	rddreg [dreg:$0x3];
	s1 =	simm.s32 $0x0;
	vm6 =	vcmask $0x1714;
	vm7 =	vcmask $0x1B18;
	v6 =	vsel vm4, $0x180, v5  }
0x6: {  	s4 =	srdreg.scid;
	vm8 =	vcmask $0x1F1C;
	vm9 =	vcmask $0x2320;
	[smem:$0x7FF] =	sst s1;
	v7 =	vsel vm5, $0x200, v6  }
0x7: {  	s2 =	stileid.u32;
	vm10 =	vcmask $0x2724;
	vm11 =	vcmask $0x2B28;
	s14 =	simm.s32 $0x2;
	_ =	strace $0x80000047;
	v8 =	vsel vm6, $0x280, v7  }
0x8: {  	vm12 =	vcmask $0x2F2C;
	s15 =	simm.s32 $0x280;
	s16 =	simm.s32 $0x4280;
	s17 =	simm.s32 $0x8280;
	(erf) = vrcp.f32 v0;
	v9 =	vsel vm7, $0x300, v8  }
0x9: {  	vm13 =	vcmask $0x3330;
	s18 =	simm.s32 $0xC280;
	v16 =	vimm.s32 $0x1E;
	s19 =	simm.s32 $0x3;
	s20 =	simm.s32 $0x4;
	v10 =	vsel vm8, $0x380, v9  }
0xa: {  	v17 =	vimm.s32 $0x1F;
	s21 =	simm.s32 $0x0;
	v2 =	vimm.s32 $0x11;
	s11 =	sand.u32 $0x1, s4;
	s30 =	sshll.u32 s2, $0xA;
	v11 =	vsel vm9, $0x2000, v10  }
0xb: {  	s3 =	sadd.s32 $0x400, s3;
	s13 =	sshll.u32 s2, $0x11;
	v3 =	vimm.s32 $0x12;
	s6 =	sshll.u32 s11, $0x9;
	vm14 =	vcmask $0x3734;
	v12 =	vsel vm10, $0x2080, v11  }
0xc: {  	s31 =	ssub.s32 $0x2, s11;
	s11 =	sshll.u32 s11, $0x10;
	v0 =	vimm.f32 $0.0e+00;
	v4 =	vimm.s32 $0x13;
	s4 =	sor.u32 s6, s30;
	v13 =	vsel vm11, $0x2100, v12  }
0xd: {  	s8 =	sshrl.u32 s31, $0x1;
	vm15 =	vcmask $0x3B38;
	v5 =	vimm.s32 $0x14;
	s7 =	sshll.u32 s4, $0x7;
	s9 =	sshrl.u32 s4, $0x3;
	v14 =	vsel vm12, $0x2180, v13  }
0xe: {  	s12 =	ssub.s32 s31, s8;
	v6 =	vimm.s32 $0x15;
	s4 =	sadd.s32 s10, s7;
	s5 =	sadd.s32 s5, s9;
	v7 =	vimm.s32 $0x16;
	v15 =	vsel vm13, $0x2200, v14  }
0xf: {  	s9 =	smax.u32 s12, $0x1;
	s10 =	sadd.s32 s13, s10;
	s12 =	simm.s32 $0x210;
	v8 =	vimm.s32 $0x17;
	v9 =	vimm.s32 $0x18;
	v10 =	vimm.s32 $0x19  }
0x10: {  	s13 =	simm.s32 $0x1;
	s6 =	sadd.s32 $0x800, s4;
	s7 =	sadd.s32 $0x1000, s4;
	v11 =	vimm.s32 $0x1A;
	v12 =	vimm.s32 $0x1B;
	v18 =	vsel vm14, $0x2280, v15  }
0x11: {  	s8 =	sadd.s32 $0x1800, s4;
	s10 =	sadd.s32 s11, s10;
	s11 =	simm.s32 $0x200;
	v13 =	vimm.s32 $0x1C;
	v14 =	vimm.s32 $0x1D;
	v18 =	vsel vm15, $0x2300, v18;
	v15 =	vpop (erf)  }
.LBB2_1:
0x12: {  	[tilespmem:s1], [sflag:$0x1] =	stream.linear.gather [hbm4b:s5+s1], $0x200, $0x38;
	[tilespmem:$0x10280] =	vst v63  }
0x13: {  	s22 =	simm.s32 $0xFFFFC000  }
0x14: {  	[tilespmem:s11], [sflag:$0x2] =	stream.linear.gather [hbm4b:s3+s1], $0x10, $0x38;
	[tilespmem:$0x10280] =	vst v63  }
0x15: {  	s23 =	simm.s32 $0x0;
	s24 =	simm.s32 $0x0;
	s25 =	simm.s32 $0x0  }
0x16: {  	[tilespmem:s12], [sflag:$0x2] =	stream.linear.gather [hbm4b:s3+s1], $0x10, $0x38;
	[tilespmem:$0x10280] =	vst v63  }
.LBB2_2:
0x17: {  	s26 =	sadd.s32 $0x4000, s22  }
0x18: {  	s28 =	sand.u32 $0x380, s25;
	s26 =	sand.u32 $0x2000, s26  }
0x19: {  	s26 =	sor.u32 s28, s26  }
0x1a: {  	[tilespmem:s26+$0x280] =	vst v0  }
0x1b: {  	[tilespmem:s26+$0x290] =	vst v0  }
0x1c: {  	[tilespmem:s26+$0x2A0] =	vst v0  }
0x1d: {  	[tilespmem:s26+$0x2B0] =	vst v0  }
0x1e: {  	[tilespmem:s26+$0x2C0] =	vst v0  }
0x1f: {  	[tilespmem:s26+$0x2D0] =	vst v0  }
0x20: {  	[tilespmem:s26+$0x2E0] =	vst v0  }
0x21: {  	[tilespmem:s26+$0x2F0] =	vst v0  }
0x22: {  	[tilespmem:s26+$0x680] =	vst v0  }
0x23: {  	[tilespmem:s26+$0x690] =	vst v0  }
0x24: {  	[tilespmem:s26+$0x6A0] =	vst v0  }
0x25: {  	[tilespmem:s26+$0x6B0] =	vst v0  }
0x26: {  	[tilespmem:s26+$0x6C0] =	vst v0  }
0x27: {  	[tilespmem:s26+$0x6D0] =	vst v0  }
0x28: {  	[tilespmem:s26+$0x6E0] =	vst v0  }
0x29: {  	[tilespmem:s26+$0x6F0] =	vst v0  }
0x2a: {  	[tilespmem:s26+$0xA80] =	vst v0  }
0x2b: {  	[tilespmem:s26+$0xA90] =	vst v0  }
0x2c: {  	[tilespmem:s26+$0xAA0] =	vst v0  }
0x2d: {  	[tilespmem:s26+$0xAB0] =	vst v0  }
0x2e: {  	[tilespmem:s26+$0xAC0] =	vst v0  }
0x2f: {  	[tilespmem:s26+$0xAD0] =	vst v0  }
0x30: {  	[tilespmem:s26+$0xAE0] =	vst v0  }
0x31: {  	[tilespmem:s26+$0xAF0] =	vst v0  }
0x32: {  	[tilespmem:s26+$0xE80] =	vst v0  }
0x33: {  	[tilespmem:s26+$0xE90] =	vst v0  }
0x34: {  	[tilespmem:s26+$0xEA0] =	vst v0  }
0x35: {  	[tilespmem:s26+$0xEB0] =	vst v0  }
0x36: {  	[tilespmem:s26+$0xEC0] =	vst v0  }
0x37: {  	[tilespmem:s26+$0xED0] =	vst v0  }
0x38: {  	[tilespmem:s26+$0xEE0] =	vst v0  }
0x39: {  	[tilespmem:s26+$0xEF0] =	vst v0  }
0x3a: {  	[tilespmem:s26+$0x1280] =	vst v0  }
0x3b: {  	[tilespmem:s26+$0x1290] =	vst v0  }
0x3c: {  	[tilespmem:s26+$0x12A0] =	vst v0  }
0x3d: {  	[tilespmem:s26+$0x12B0] =	vst v0  }
0x3e: {  	[tilespmem:s26+$0x12C0] =	vst v0  }
0x3f: {  	[tilespmem:s26+$0x12D0] =	vst v0  }
0x40: {  	[tilespmem:s26+$0x12E0] =	vst v0  }
0x41: {  	[tilespmem:s26+$0x12F0] =	vst v0  }
0x42: {  	[tilespmem:s26+$0x1680] =	vst v0  }
0x43: {  	[tilespmem:s26+$0x1690] =	vst v0  }
0x44: {  	[tilespmem:s26+$0x16A0] =	vst v0  }
0x45: {  	[tilespmem:s26+$0x16B0] =	vst v0  }
0x46: {  	[tilespmem:s26+$0x16C0] =	vst v0  }
0x47: {  	[tilespmem:s26+$0x16D0] =	vst v0  }
0x48: {  	[tilespmem:s26+$0x16E0] =	vst v0  }
0x49: {  	[tilespmem:s26+$0x16F0] =	vst v0  }
0x4a: {  	[tilespmem:s26+$0x1A80] =	vst v0  }
0x4b: {  	[tilespmem:s26+$0x1A90] =	vst v0  }
0x4c: {  	[tilespmem:s26+$0x1AA0] =	vst v0  }
0x4d: {  	[tilespmem:s26+$0x1AB0] =	vst v0  }
0x4e: {  	s29 =	sand.u32 $0x7, s23;
	[tilespmem:s26+$0x1AC0] =	vst v0  }
0x4f: {  	s28 =	sshll.u32 s29, $0x7;
	[tilespmem:s26+$0x1AD0] =	vst v0  }
0x50: {  	s28 =	sadd.s32 s28, s24;
	[tilespmem:s26+$0x1AE0] =	vst v0  }
0x51: {  	[tilespmem:s26+$0x1AF0] =	vst v0;
	s30 =	sor.u32 $0x1C00, s28  }
0x52: {  	s31 =	sor.u32 $0x1C10, s28;
	[tilespmem:s30+$0x280] =	vst v0  }
0x53: {  	s29 =	sor.u32 $0x1C20, s28;
	[tilespmem:s31+$0x280] =	vst v0  }
0x54: {  	p0 =	sne.s32 s25, $0x780;
	s30 =	sor.u32 $0x1C30, s28;
	[tilespmem:s29+$0x280] =	vst v0  }
.Ltmp0:
0x55: {  	s31 =	sor.u32 $0x1C40, s28;
	[tilespmem:s30+$0x280] =	vst v0;
	(pc) =	sbr.rel @p0 .LBB2_2-.Ltmp0, $4  }
0x56: {  	s29 =	sor.u32 $0x1C50, s28;
	[tilespmem:s31+$0x280] =	vst v0  }
0x57: {  	s30 =	sor.u32 $0x1C60, s28;
	[tilespmem:s29+$0x280] =	vst v0  }
0x58: {  	s23 =	sadd.s32 $0x1, s23;
	s31 =	sor.u32 $0x1C70, s28;
	[tilespmem:s30+$0x280] =	vst v0  }
0x59: {  	s22 =	sadd.s32 $0x400, s22;
	s25 =	sadd.s32 $0x80, s25;
	s24 =	sadd.s32 $0x400, s24;
	[tilespmem:s31+$0x280] =	vst v0  }
0x5a: {  	_ =	swait.ge [sflag:s13], $0x200  }
0x5b: {  	[sflag:s13] =	ssyncset.done $0x0  }
0x5c: {  	[sflag:s13] =	ssyncadd.s32 $0xFFFFFE00  }
0x5d: {  	_ =	swait.ge [sflag:s14], $0x10  }
0x5e: {  	[sflag:s14] =	ssyncset.done $0x0  }
0x5f: {  	[sflag:s14] =	ssyncadd.s32 $0xFFFFFFF0  }
0x60: {  	_ =	swait.ge [sflag:s14], $0x10  }
0x61: {  	[sflag:s14] =	ssyncset.done $0x0  }
0x62: {  	[sflag:s14] =	ssyncadd.s32 $0xFFFFFFF0  }
0x63: {  	v20 =	vld [tilespmem:$0x0];
	_ =	sdelay $0x4  }
0x64: {  	v19 =	vmul.f32 v20, v15;
	_ =	sdelay $0x1  }
0x65: {  	v19 =	vtrunc.f32 v19  }
0x66: {  	v33 =	vcvt.f32.s32 v19;
	_ =	sdelay $0x1  }
0x67: {  	v19 =	vcvt.s32.f32 v33;
	_ =	sdelay $0x1  }
0x68: {  	v21 =	vmul.f32 $1.000000050e-03, v19  }
0x69: {  	v19 =	vld.idx.msk [tilespmem:v4+s11+$0x0], $0xffff  }
0x6a: {  	v29 =	vsub.f32 v20, v21  }
0x6b: {  	v20 =	vld.idx.msk [tilespmem:v3+s11+$0x0], $0xffff  }
0x6c: {  	v28 =	vadd.f32 $3.000000030e-03, v29;
	_ =	sdelay $0x1  }
0x6d: {  	v21 =	vld.idx.msk [tilespmem:v8+s11+$0x0], $0xffff;
	v24 =	vmul.f32 v28, v19  }
0x6e: {  	v22 =	vld.idx.msk [tilespmem:v2+s11+$0x0], $0xffff  }
0x6f: {  	v23 =	vld.idx.msk [tilespmem:v7+s11+$0x0], $0xffff;
	v25 =	vadd.f32 v24, v20  }
0x70: {  	v31 =	vadd.f32 $2.000000090e-03, v29  }
0x71: {  	v24 =	vld.idx.msk [tilespmem:v6+s11+$0x0], $0xffff;
	v27 =	vmul.f32 v25, v28  }
0x72: {  	v34 =	vshll.u32 v33, $0x3;
	v35 =	vand.u32 $0x7F, v33;
	v30 =	vmul.f32 v31, v21;
	v25 =	vld.idx.msk [tilespmem:v12+s11+$0x0], $0xffff  }
0x73: {  	v55 =	vadd.s32 $0x1, v33;
	v42 =	vadd.s32 $0x2, v33;
	v32 =	vadd.f32 v27, v22;
	v27 =	vld.idx.msk [tilespmem:v17+s11+$0x0], $0xffff  }
0x74: {  	v26 =	vld.idx.msk [tilespmem:v11+s11+$0x0], $0xffff;
	v44 =	vadd.s32 $0x3, v33;
	v34 =	vand.u32 $0xFFFFFC00, v34;
	v30 =	vadd.f32 v30, v23  }
0x75: {  	v56 =	vshll.u32 v55, $0x3;
	v54 =	vadd.f32 $1.000000050e-03, v29;
	v36 =	vmul.f32 v32, v28;
	v28 =	vld.idx.msk [tilespmem:v16+s11+$0x0], $0xffff  }
0x76: {  	v60 =	vshll.u32 v42, $0x3;
	v39 =	vadd.f32 $0.0e+00, v29;
	v30 =	vmul.f32 v30, v31  }
0x77: {  	v42 =	vand.u32 $0x7F, v42;
	v57 =	vand.u32 $0xFFFFFC00, v56;
	v38 =	vmul.f32 v54, v25  }
0x78: {  	v29 =	vld.idx.msk [tilespmem:v10+s11+$0x0], $0xffff;
	v40 =	vadd.f32 v30, v24;
	v30 =	vand.u32 $0x7F, v55;
	v59 =	vmul.f32 v39, v27  }
0x79: {  	v45 =	vshll.u32 v44, $0x3;
	v32 =	vor.u32 v30, v57;
	v30 =	vld.idx.msk [tilespmem:v14+s11+$0x0], $0xffff;
	v58 =	vadd.f32 v38, v26  }
0x7a: {  	v44 =	vand.u32 $0x7F, v44;
	v40 =	vmul.f32 v40, v31;
	v31 =	vld.idx.msk [tilespmem:v1+s11+$0x0], $0xffff;
	v38 =	vadd.f32 v59, v28  }
0x7b: {  	v53 =	vor.u32 v35, v34;
	v41 =	vadd.s32 v18, v32;
	v32 =	vld.idx.msk [tilespmem:v5+s11+$0x0], $0xffff;
	v43 =	vmul.f32 v58, v54  }
0x7c: {  	v33 =	vld.idx.msk [tilespmem:v9+s11+$0x0], $0xffff;
	v34 =	vand.u32 $0xFFFFFC00, v60;
	v37 =	vadd.s32 v18, v53;
	v38 =	vmul.f32 v38, v39  }
0x7d: {  	v45 =	vand.u32 $0xFFFFFC00, v45;
	v42 =	vor.u32 v42, v34;
	v34 =	vld.idx.msk [tilespmem:v13+s11+$0x0], $0xffff;
	v43 =	vadd.f32 v43, v29  }
0x7e: {  	v44 =	vor.u32 v44, v45;
	v42 =	vadd.s32 v18, v42;
	v38 =	vadd.f32 v38, v30  }
0x7f: {  	v61 =	vadd.s32 v18, v44;
	v36 =	vadd.f32 v36, v31;
	v35 =	vmul.f32 v43, v54  }
0x80: {  	v62 =	vadd.f32 v40, v32;
	v38 =	vmul.f32 v38, v39  }
0x81: {  	[tilespmem:v37+s15+$0x0] =	vst.idx.msk $0xffff, v36;
	v35 =	vadd.f32 v35, v33  }
0x82: {  	[tilespmem:v41+s15+$0x0] =	vst.idx.msk $0xffff, v62;
	v63 =	vadd.f32 v38, v34  }
0x83: {  	s22 =	simm.s32 $0x0;
	[tilespmem:v42+s15+$0x0] =	vst.idx.msk $0xffff, v35  }
0x84: {  	s23 =	simm.s32 $0xFFFFC000;
	s24 =	simm.s32 $0x0;
	s25 =	simm.s32 $0x0;
	[tilespmem:v61+s15+$0x0] =	vst.idx.msk $0xffff, v63  }
0x85: {  	[hbm4b:s4+s22] =	stream.linear.scatter [tilespmem:s15], [sflag:$0x1], $0x4000, $0x38;
	[tilespmem:$0x10280] =	vst v63  }
.LBB2_4:
0x86: {  	s26 =	sadd.s32 $0x4000, s23  }
0x87: {  	s28 =	sand.u32 $0x380, s25;
	s26 =	sand.u32 $0x2000, s26  }
0x88: {  	s26 =	sor.u32 s28, s26  }
0x89: {  	[tilespmem:s26+$0x4280] =	vst v0  }
0x8a: {  	[tilespmem:s26+$0x4290] =	vst v0  }
0x8b: {  	[tilespmem:s26+$0x42A0] =	vst v0  }
0x8c: {  	[tilespmem:s26+$0x42B0] =	vst v0  }
0x8d: {  	[tilespmem:s26+$0x42C0] =	vst v0  }
0x8e: {  	[tilespmem:s26+$0x42D0] =	vst v0  }
0x8f: {  	[tilespmem:s26+$0x42E0] =	vst v0  }
0x90: {  	[tilespmem:s26+$0x42F0] =	vst v0  }
0x91: {  	[tilespmem:s26+$0x4680] =	vst v0  }
0x92: {  	[tilespmem:s26+$0x4690] =	vst v0  }
0x93: {  	[tilespmem:s26+$0x46A0] =	vst v0  }
0x94: {  	[tilespmem:s26+$0x46B0] =	vst v0  }
0x95: {  	[tilespmem:s26+$0x46C0] =	vst v0  }
0x96: {  	[tilespmem:s26+$0x46D0] =	vst v0  }
0x97: {  	[tilespmem:s26+$0x46E0] =	vst v0  }
0x98: {  	[tilespmem:s26+$0x46F0] =	vst v0  }
0x99: {  	[tilespmem:s26+$0x4A80] =	vst v0  }
0x9a: {  	[tilespmem:s26+$0x4A90] =	vst v0  }
0x9b: {  	[tilespmem:s26+$0x4AA0] =	vst v0  }
0x9c: {  	[tilespmem:s26+$0x4AB0] =	vst v0  }
0x9d: {  	[tilespmem:s26+$0x4AC0] =	vst v0  }
0x9e: {  	[tilespmem:s26+$0x4AD0] =	vst v0  }
0x9f: {  	[tilespmem:s26+$0x4AE0] =	vst v0  }
0xa0: {  	[tilespmem:s26+$0x4AF0] =	vst v0  }
0xa1: {  	[tilespmem:s26+$0x4E80] =	vst v0  }
0xa2: {  	[tilespmem:s26+$0x4E90] =	vst v0  }
0xa3: {  	[tilespmem:s26+$0x4EA0] =	vst v0  }
0xa4: {  	[tilespmem:s26+$0x4EB0] =	vst v0  }
0xa5: {  	[tilespmem:s26+$0x4EC0] =	vst v0  }
0xa6: {  	[tilespmem:s26+$0x4ED0] =	vst v0  }
0xa7: {  	[tilespmem:s26+$0x4EE0] =	vst v0  }
0xa8: {  	[tilespmem:s26+$0x4EF0] =	vst v0  }
0xa9: {  	[tilespmem:s26+$0x5280] =	vst v0  }
0xaa: {  	[tilespmem:s26+$0x5290] =	vst v0  }
0xab: {  	[tilespmem:s26+$0x52A0] =	vst v0  }
0xac: {  	[tilespmem:s26+$0x52B0] =	vst v0  }
0xad: {  	[tilespmem:s26+$0x52C0] =	vst v0  }
0xae: {  	[tilespmem:s26+$0x52D0] =	vst v0  }
0xaf: {  	[tilespmem:s26+$0x52E0] =	vst v0  }
0xb0: {  	[tilespmem:s26+$0x52F0] =	vst v0  }
0xb1: {  	[tilespmem:s26+$0x5680] =	vst v0  }
0xb2: {  	[tilespmem:s26+$0x5690] =	vst v0  }
0xb3: {  	[tilespmem:s26+$0x56A0] =	vst v0  }
0xb4: {  	[tilespmem:s26+$0x56B0] =	vst v0  }
0xb5: {  	[tilespmem:s26+$0x56C0] =	vst v0  }
0xb6: {  	[tilespmem:s26+$0x56D0] =	vst v0  }
0xb7: {  	[tilespmem:s26+$0x56E0] =	vst v0  }
0xb8: {  	[tilespmem:s26+$0x56F0] =	vst v0  }
0xb9: {  	[tilespmem:s26+$0x5A80] =	vst v0  }
0xba: {  	[tilespmem:s26+$0x5A90] =	vst v0  }
0xbb: {  	[tilespmem:s26+$0x5AA0] =	vst v0  }
0xbc: {  	[tilespmem:s26+$0x5AB0] =	vst v0  }
0xbd: {  	s29 =	sand.u32 $0x7, s22;
	[tilespmem:s26+$0x5AC0] =	vst v0  }
0xbe: {  	s28 =	sshll.u32 s29, $0x7;
	[tilespmem:s26+$0x5AD0] =	vst v0  }
0xbf: {  	s28 =	sadd.s32 s28, s24;
	[tilespmem:s26+$0x5AE0] =	vst v0  }
0xc0: {  	[tilespmem:s26+$0x5AF0] =	vst v0;
	s30 =	sor.u32 $0x1C00, s28  }
0xc1: {  	s31 =	sor.u32 $0x1C10, s28;
	[tilespmem:s30+$0x4280] =	vst v0  }
0xc2: {  	s29 =	sor.u32 $0x1C20, s28;
	[tilespmem:s31+$0x4280] =	vst v0  }
0xc3: {  	p0 =	sne.s32 s25, $0x780;
	s30 =	sor.u32 $0x1C30, s28;
	[tilespmem:s29+$0x4280] =	vst v0  }
.Ltmp1:
0xc4: {  	s31 =	sor.u32 $0x1C40, s28;
	[tilespmem:s30+$0x4280] =	vst v0;
	(pc) =	sbr.rel @p0 .LBB2_4-.Ltmp1, $4  }
0xc5: {  	s29 =	sor.u32 $0x1C50, s28;
	[tilespmem:s31+$0x4280] =	vst v0  }
0xc6: {  	s30 =	sor.u32 $0x1C60, s28;
	[tilespmem:s29+$0x4280] =	vst v0  }
0xc7: {  	s22 =	sadd.s32 $0x1, s22;
	s31 =	sor.u32 $0x1C70, s28;
	[tilespmem:s30+$0x4280] =	vst v0  }
0xc8: {  	s23 =	sadd.s32 $0x400, s23;
	s25 =	sadd.s32 $0x80, s25;
	s24 =	sadd.s32 $0x400, s24;
	[tilespmem:s31+$0x4280] =	vst v0  }
0xc9: {  	v35 =	vld [tilespmem:$0x10];
	_ =	sdelay $0x4  }
0xca: {  	v36 =	vmul.f32 v35, v15;
	_ =	sdelay $0x1  }
0xcb: {  	v36 =	vtrunc.f32 v36  }
0xcc: {  	v36 =	vcvt.f32.s32 v36;
	_ =	sdelay $0x1  }
0xcd: {  	v37 =	vcvt.s32.f32 v36;
	_ =	sdelay $0x1  }
0xce: {  	v37 =	vmul.f32 $1.000000050e-03, v37  }
0xcf: {  	v41 =	vshll.u32 v36, $0x3  }
0xd0: {  	v42 =	vand.u32 $0x7F, v36;
	v57 =	vadd.s32 $0x1, v36;
	v35 =	vsub.f32 v35, v37  }
0xd1: {  	v61 =	vadd.s32 $0x2, v36;
	v36 =	vadd.s32 $0x3, v36;
	v41 =	vand.u32 $0xFFFFFC00, v41  }
0xd2: {  	v43 =	vshll.u32 v57, $0x3;
	v45 =	vshll.u32 v61, $0x3;
	v37 =	vadd.f32 $3.000000030e-03, v35  }
0xd3: {  	v62 =	vshll.u32 v36, $0x3;
	v36 =	vand.u32 $0x7F, v36;
	v55 =	vor.u32 v42, v41  }
0xd4: {  	v42 =	vand.u32 $0x7F, v57;
	v39 =	vadd.f32 $2.000000090e-03, v35;
	v38 =	vmul.f32 v37, v19  }
0xd5: {  	v43 =	vand.u32 $0xFFFFFC00, v43;
	v56 =	vadd.f32 $1.000000050e-03, v35;
	v35 =	vadd.f32 $0.0e+00, v35  }
0xd6: {  	v45 =	vand.u32 $0xFFFFFC00, v45;
	v40 =	vmul.f32 v39, v21;
	v38 =	vadd.f32 v38, v20  }
0xd7: {  	v42 =	vor.u32 v42, v43;
	v44 =	vmul.f32 v56, v25;
	v59 =	vmul.f32 v35, v27  }
0xd8: {  	v60 =	vadd.s32 v18, v42;
	v40 =	vadd.f32 v40, v23;
	v38 =	vmul.f32 v38, v37  }
0xd9: {  	v42 =	vand.u32 $0x7F, v61;
	v58 =	vadd.f32 v44, v26;
	v44 =	vadd.f32 v59, v28  }
0xda: {  	v42 =	vor.u32 v42, v45;
	v40 =	vmul.f32 v40, v39;
	v38 =	vadd.f32 v38, v22  }
0xdb: {  	v45 =	vand.u32 $0xFFFFFC00, v62;
	v43 =	vmul.f32 v58, v56;
	v44 =	vmul.f32 v44, v35  }
0xdc: {  	v40 =	vadd.f32 v40, v24;
	v37 =	vmul.f32 v38, v37;
	v38 =	vadd.s32 v18, v55  }
0xdd: {  	v36 =	vor.u32 v36, v45;
	v43 =	vadd.f32 v43, v29  }
0xde: {  	v42 =	vadd.s32 v18, v42;
	v44 =	vadd.f32 v44, v30;
	v39 =	vmul.f32 v40, v39  }
0xdf: {  	v36 =	vadd.s32 v18, v36;
	v41 =	vmul.f32 v43, v56;
	v37 =	vadd.f32 v37, v31  }
0xe0: {  	v35 =	vmul.f32 v44, v35;
	v39 =	vadd.f32 v39, v32  }
0xe1: {  	v63 =	vadd.f32 v41, v33;
	[tilespmem:v38+s16+$0x0] =	vst.idx.msk $0xffff, v37  }
0xe2: {  	v35 =	vadd.f32 v35, v34;
	[tilespmem:v60+s16+$0x0] =	vst.idx.msk $0xffff, v39  }
0xe3: {  	s22 =	simm.s32 $0x0;
	[tilespmem:v42+s16+$0x0] =	vst.idx.msk $0xffff, v63  }
0xe4: {  	s23 =	simm.s32 $0xFFFFC000;
	s24 =	simm.s32 $0x0;
	s25 =	simm.s32 $0x0;
	[tilespmem:v36+s16+$0x0] =	vst.idx.msk $0xffff, v35  }
0xe5: {  	[hbm4b:s6+s22] =	stream.linear.scatter [tilespmem:s16], [sflag:$0x2], $0x4000, $0x38;
	[tilespmem:$0x10280] =	vst v63  }
.LBB2_6:
0xe6: {  	s26 =	sadd.s32 $0x4000, s23  }
0xe7: {  	s28 =	sand.u32 $0x380, s25;
	s26 =	sand.u32 $0x2000, s26  }
0xe8: {  	s26 =	sor.u32 s28, s26  }
0xe9: {  	[tilespmem:s26+$0x8280] =	vst v0  }
0xea: {  	[tilespmem:s26+$0x8290] =	vst v0  }
0xeb: {  	[tilespmem:s26+$0x82A0] =	vst v0  }
0xec: {  	[tilespmem:s26+$0x82B0] =	vst v0  }
0xed: {  	[tilespmem:s26+$0x82C0] =	vst v0  }
0xee: {  	[tilespmem:s26+$0x82D0] =	vst v0  }
0xef: {  	[tilespmem:s26+$0x82E0] =	vst v0  }
0xf0: {  	[tilespmem:s26+$0x82F0] =	vst v0  }
0xf1: {  	[tilespmem:s26+$0x8680] =	vst v0  }
0xf2: {  	[tilespmem:s26+$0x8690] =	vst v0  }
0xf3: {  	[tilespmem:s26+$0x86A0] =	vst v0  }
0xf4: {  	[tilespmem:s26+$0x86B0] =	vst v0  }
0xf5: {  	[tilespmem:s26+$0x86C0] =	vst v0  }
0xf6: {  	[tilespmem:s26+$0x86D0] =	vst v0  }
0xf7: {  	[tilespmem:s26+$0x86E0] =	vst v0  }
0xf8: {  	[tilespmem:s26+$0x86F0] =	vst v0  }
0xf9: {  	[tilespmem:s26+$0x8A80] =	vst v0  }
0xfa: {  	[tilespmem:s26+$0x8A90] =	vst v0  }
0xfb: {  	[tilespmem:s26+$0x8AA0] =	vst v0  }
0xfc: {  	[tilespmem:s26+$0x8AB0] =	vst v0  }
0xfd: {  	[tilespmem:s26+$0x8AC0] =	vst v0  }
0xfe: {  	[tilespmem:s26+$0x8AD0] =	vst v0  }
0xff: {  	[tilespmem:s26+$0x8AE0] =	vst v0  }
0x100: {  	[tilespmem:s26+$0x8AF0] =	vst v0  }
0x101: {  	[tilespmem:s26+$0x8E80] =	vst v0  }
0x102: {  	[tilespmem:s26+$0x8E90] =	vst v0  }
0x103: {  	[tilespmem:s26+$0x8EA0] =	vst v0  }
0x104: {  	[tilespmem:s26+$0x8EB0] =	vst v0  }
0x105: {  	[tilespmem:s26+$0x8EC0] =	vst v0  }
0x106: {  	[tilespmem:s26+$0x8ED0] =	vst v0  }
0x107: {  	[tilespmem:s26+$0x8EE0] =	vst v0  }
0x108: {  	[tilespmem:s26+$0x8EF0] =	vst v0  }
0x109: {  	[tilespmem:s26+$0x9280] =	vst v0  }
0x10a: {  	[tilespmem:s26+$0x9290] =	vst v0  }
0x10b: {  	[tilespmem:s26+$0x92A0] =	vst v0  }
0x10c: {  	[tilespmem:s26+$0x92B0] =	vst v0  }
0x10d: {  	[tilespmem:s26+$0x92C0] =	vst v0  }
0x10e: {  	[tilespmem:s26+$0x92D0] =	vst v0  }
0x10f: {  	[tilespmem:s26+$0x92E0] =	vst v0  }
0x110: {  	[tilespmem:s26+$0x92F0] =	vst v0  }
0x111: {  	[tilespmem:s26+$0x9680] =	vst v0  }
0x112: {  	[tilespmem:s26+$0x9690] =	vst v0  }
0x113: {  	[tilespmem:s26+$0x96A0] =	vst v0  }
0x114: {  	[tilespmem:s26+$0x96B0] =	vst v0  }
0x115: {  	[tilespmem:s26+$0x96C0] =	vst v0  }
0x116: {  	[tilespmem:s26+$0x96D0] =	vst v0  }
0x117: {  	[tilespmem:s26+$0x96E0] =	vst v0  }
0x118: {  	[tilespmem:s26+$0x96F0] =	vst v0  }
0x119: {  	[tilespmem:s26+$0x9A80] =	vst v0  }
0x11a: {  	[tilespmem:s26+$0x9A90] =	vst v0  }
0x11b: {  	[tilespmem:s26+$0x9AA0] =	vst v0  }
0x11c: {  	[tilespmem:s26+$0x9AB0] =	vst v0  }
0x11d: {  	s29 =	sand.u32 $0x7, s22;
	[tilespmem:s26+$0x9AC0] =	vst v0  }
0x11e: {  	s28 =	sshll.u32 s29, $0x7;
	[tilespmem:s26+$0x9AD0] =	vst v0  }
0x11f: {  	s28 =	sadd.s32 s28, s24;
	[tilespmem:s26+$0x9AE0] =	vst v0  }
0x120: {  	[tilespmem:s26+$0x9AF0] =	vst v0;
	s30 =	sor.u32 $0x1C00, s28  }
0x121: {  	s31 =	sor.u32 $0x1C10, s28;
	[tilespmem:s30+$0x8280] =	vst v0  }
0x122: {  	s29 =	sor.u32 $0x1C20, s28;
	[tilespmem:s31+$0x8280] =	vst v0  }
0x123: {  	p0 =	sne.s32 s25, $0x780;
	s30 =	sor.u32 $0x1C30, s28;
	[tilespmem:s29+$0x8280] =	vst v0  }
.Ltmp2:
0x124: {  	s31 =	sor.u32 $0x1C40, s28;
	[tilespmem:s30+$0x8280] =	vst v0;
	(pc) =	sbr.rel @p0 .LBB2_6-.Ltmp2, $4  }
0x125: {  	s29 =	sor.u32 $0x1C50, s28;
	[tilespmem:s31+$0x8280] =	vst v0  }
0x126: {  	s30 =	sor.u32 $0x1C60, s28;
	[tilespmem:s29+$0x8280] =	vst v0  }
0x127: {  	s22 =	sadd.s32 $0x1, s22;
	s31 =	sor.u32 $0x1C70, s28;
	[tilespmem:s30+$0x8280] =	vst v0  }
0x128: {  	s23 =	sadd.s32 $0x400, s23;
	s25 =	sadd.s32 $0x80, s25;
	s24 =	sadd.s32 $0x400, s24;
	[tilespmem:s31+$0x8280] =	vst v0  }
0x129: {  	v35 =	vld [tilespmem:$0x20];
	_ =	sdelay $0x4  }
0x12a: {  	v36 =	vmul.f32 v35, v15;
	_ =	sdelay $0x1  }
0x12b: {  	v36 =	vtrunc.f32 v36  }
0x12c: {  	v36 =	vcvt.f32.s32 v36;
	_ =	sdelay $0x1  }
0x12d: {  	v37 =	vcvt.s32.f32 v36;
	_ =	sdelay $0x1  }
0x12e: {  	v37 =	vmul.f32 $1.000000050e-03, v37  }
0x12f: {  	v41 =	vshll.u32 v36, $0x3  }
0x130: {  	v42 =	vand.u32 $0x7F, v36;
	v57 =	vadd.s32 $0x1, v36;
	v35 =	vsub.f32 v35, v37  }
0x131: {  	v61 =	vadd.s32 $0x2, v36;
	v36 =	vadd.s32 $0x3, v36;
	v41 =	vand.u32 $0xFFFFFC00, v41  }
0x132: {  	v43 =	vshll.u32 v57, $0x3;
	v45 =	vshll.u32 v61, $0x3;
	v37 =	vadd.f32 $3.000000030e-03, v35  }
0x133: {  	v62 =	vshll.u32 v36, $0x3;
	v36 =	vand.u32 $0x7F, v36;
	v55 =	vor.u32 v42, v41  }
0x134: {  	v42 =	vand.u32 $0x7F, v57;
	v39 =	vadd.f32 $2.000000090e-03, v35;
	v38 =	vmul.f32 v37, v19  }
0x135: {  	v43 =	vand.u32 $0xFFFFFC00, v43;
	v56 =	vadd.f32 $1.000000050e-03, v35;
	v35 =	vadd.f32 $0.0e+00, v35  }
0x136: {  	v45 =	vand.u32 $0xFFFFFC00, v45;
	v40 =	vmul.f32 v39, v21;
	v38 =	vadd.f32 v38, v20  }
0x137: {  	v42 =	vor.u32 v42, v43;
	v44 =	vmul.f32 v56, v25;
	v59 =	vmul.f32 v35, v27  }
0x138: {  	v60 =	vadd.s32 v18, v42;
	v40 =	vadd.f32 v40, v23;
	v38 =	vmul.f32 v38, v37  }
0x139: {  	v42 =	vand.u32 $0x7F, v61;
	v58 =	vadd.f32 v44, v26;
	v44 =	vadd.f32 v59, v28  }
0x13a: {  	v42 =	vor.u32 v42, v45;
	v40 =	vmul.f32 v40, v39;
	v38 =	vadd.f32 v38, v22  }
0x13b: {  	v45 =	vand.u32 $0xFFFFFC00, v62;
	v43 =	vmul.f32 v58, v56;
	v44 =	vmul.f32 v44, v35  }
0x13c: {  	v40 =	vadd.f32 v40, v24;
	v37 =	vmul.f32 v38, v37;
	v38 =	vadd.s32 v18, v55  }
0x13d: {  	v36 =	vor.u32 v36, v45;
	v43 =	vadd.f32 v43, v29  }
0x13e: {  	v42 =	vadd.s32 v18, v42;
	v44 =	vadd.f32 v44, v30;
	v39 =	vmul.f32 v40, v39  }
0x13f: {  	v36 =	vadd.s32 v18, v36;
	v41 =	vmul.f32 v43, v56;
	v37 =	vadd.f32 v37, v31  }
0x140: {  	v35 =	vmul.f32 v44, v35;
	v39 =	vadd.f32 v39, v32  }
0x141: {  	v63 =	vadd.f32 v41, v33;
	[tilespmem:v38+s17+$0x0] =	vst.idx.msk $0xffff, v37  }
0x142: {  	v35 =	vadd.f32 v35, v34;
	[tilespmem:v60+s17+$0x0] =	vst.idx.msk $0xffff, v39  }
0x143: {  	s22 =	simm.s32 $0x0;
	[tilespmem:v42+s17+$0x0] =	vst.idx.msk $0xffff, v63  }
0x144: {  	s23 =	simm.s32 $0xFFFFC000;
	s24 =	simm.s32 $0x0;
	s25 =	simm.s32 $0x0;
	[tilespmem:v36+s17+$0x0] =	vst.idx.msk $0xffff, v35  }
0x145: {  	[hbm4b:s7+s22] =	stream.linear.scatter [tilespmem:s17], [sflag:$0x3], $0x4000, $0x38;
	[tilespmem:$0x10280] =	vst v63  }
.LBB2_8:
0x146: {  	s26 =	sadd.s32 $0x4000, s23  }
0x147: {  	s28 =	sand.u32 $0x380, s25;
	s26 =	sand.u32 $0x2000, s26  }
0x148: {  	s26 =	sor.u32 s28, s26  }
0x149: {  	[tilespmem:s26+$0xC280] =	vst v0  }
0x14a: {  	[tilespmem:s26+$0xC290] =	vst v0  }
0x14b: {  	[tilespmem:s26+$0xC2A0] =	vst v0  }
0x14c: {  	[tilespmem:s26+$0xC2B0] =	vst v0  }
0x14d: {  	[tilespmem:s26+$0xC2C0] =	vst v0  }
0x14e: {  	[tilespmem:s26+$0xC2D0] =	vst v0  }
0x14f: {  	[tilespmem:s26+$0xC2E0] =	vst v0  }
0x150: {  	[tilespmem:s26+$0xC2F0] =	vst v0  }
0x151: {  	[tilespmem:s26+$0xC680] =	vst v0  }
0x152: {  	[tilespmem:s26+$0xC690] =	vst v0  }
0x153: {  	[tilespmem:s26+$0xC6A0] =	vst v0  }
0x154: {  	[tilespmem:s26+$0xC6B0] =	vst v0  }
0x155: {  	[tilespmem:s26+$0xC6C0] =	vst v0  }
0x156: {  	[tilespmem:s26+$0xC6D0] =	vst v0  }
0x157: {  	[tilespmem:s26+$0xC6E0] =	vst v0  }
0x158: {  	[tilespmem:s26+$0xC6F0] =	vst v0  }
0x159: {  	[tilespmem:s26+$0xCA80] =	vst v0  }
0x15a: {  	[tilespmem:s26+$0xCA90] =	vst v0  }
0x15b: {  	[tilespmem:s26+$0xCAA0] =	vst v0  }
0x15c: {  	[tilespmem:s26+$0xCAB0] =	vst v0  }
0x15d: {  	[tilespmem:s26+$0xCAC0] =	vst v0  }
0x15e: {  	[tilespmem:s26+$0xCAD0] =	vst v0  }
0x15f: {  	[tilespmem:s26+$0xCAE0] =	vst v0  }
0x160: {  	[tilespmem:s26+$0xCAF0] =	vst v0  }
0x161: {  	[tilespmem:s26+$0xCE80] =	vst v0  }
0x162: {  	[tilespmem:s26+$0xCE90] =	vst v0  }
0x163: {  	[tilespmem:s26+$0xCEA0] =	vst v0  }
0x164: {  	[tilespmem:s26+$0xCEB0] =	vst v0  }
0x165: {  	[tilespmem:s26+$0xCEC0] =	vst v0  }
0x166: {  	[tilespmem:s26+$0xCED0] =	vst v0  }
0x167: {  	[tilespmem:s26+$0xCEE0] =	vst v0  }
0x168: {  	[tilespmem:s26+$0xCEF0] =	vst v0  }
0x169: {  	[tilespmem:s26+$0xD280] =	vst v0  }
0x16a: {  	[tilespmem:s26+$0xD290] =	vst v0  }
0x16b: {  	[tilespmem:s26+$0xD2A0] =	vst v0  }
0x16c: {  	[tilespmem:s26+$0xD2B0] =	vst v0  }
0x16d: {  	[tilespmem:s26+$0xD2C0] =	vst v0  }
0x16e: {  	[tilespmem:s26+$0xD2D0] =	vst v0  }
0x16f: {  	[tilespmem:s26+$0xD2E0] =	vst v0  }
0x170: {  	[tilespmem:s26+$0xD2F0] =	vst v0  }
0x171: {  	[tilespmem:s26+$0xD680] =	vst v0  }
0x172: {  	[tilespmem:s26+$0xD690] =	vst v0  }
0x173: {  	[tilespmem:s26+$0xD6A0] =	vst v0  }
0x174: {  	[tilespmem:s26+$0xD6B0] =	vst v0  }
0x175: {  	[tilespmem:s26+$0xD6C0] =	vst v0  }
0x176: {  	[tilespmem:s26+$0xD6D0] =	vst v0  }
0x177: {  	[tilespmem:s26+$0xD6E0] =	vst v0  }
0x178: {  	[tilespmem:s26+$0xD6F0] =	vst v0  }
0x179: {  	[tilespmem:s26+$0xDA80] =	vst v0  }
0x17a: {  	[tilespmem:s26+$0xDA90] =	vst v0  }
0x17b: {  	[tilespmem:s26+$0xDAA0] =	vst v0  }
0x17c: {  	[tilespmem:s26+$0xDAB0] =	vst v0  }
0x17d: {  	s29 =	sand.u32 $0x7, s22;
	[tilespmem:s26+$0xDAC0] =	vst v0  }
0x17e: {  	s28 =	sshll.u32 s29, $0x7;
	[tilespmem:s26+$0xDAD0] =	vst v0  }
0x17f: {  	s28 =	sadd.s32 s28, s24;
	[tilespmem:s26+$0xDAE0] =	vst v0  }
0x180: {  	[tilespmem:s26+$0xDAF0] =	vst v0;
	s30 =	sor.u32 $0x1C00, s28  }
0x181: {  	s31 =	sor.u32 $0x1C10, s28;
	[tilespmem:s30+$0xC280] =	vst v0  }
0x182: {  	s29 =	sor.u32 $0x1C20, s28;
	[tilespmem:s31+$0xC280] =	vst v0  }
0x183: {  	p0 =	sne.s32 s25, $0x780;
	s30 =	sor.u32 $0x1C30, s28;
	[tilespmem:s29+$0xC280] =	vst v0  }
.Ltmp3:
0x184: {  	s31 =	sor.u32 $0x1C40, s28;
	[tilespmem:s30+$0xC280] =	vst v0;
	(pc) =	sbr.rel @p0 .LBB2_8-.Ltmp3, $4  }
0x185: {  	s29 =	sor.u32 $0x1C50, s28;
	[tilespmem:s31+$0xC280] =	vst v0  }
0x186: {  	s30 =	sor.u32 $0x1C60, s28;
	[tilespmem:s29+$0xC280] =	vst v0  }
0x187: {  	s22 =	sadd.s32 $0x1, s22;
	s31 =	sor.u32 $0x1C70, s28;
	[tilespmem:s30+$0xC280] =	vst v0  }
0x188: {  	s23 =	sadd.s32 $0x400, s23;
	s25 =	sadd.s32 $0x80, s25;
	s24 =	sadd.s32 $0x400, s24;
	[tilespmem:s31+$0xC280] =	vst v0  }
0x189: {  	v35 =	vld [tilespmem:$0x30];
	_ =	sdelay $0x4  }
0x18a: {  	v36 =	vmul.f32 v35, v15;
	_ =	sdelay $0x1  }
0x18b: {  	v36 =	vtrunc.f32 v36  }
0x18c: {  	v36 =	vcvt.f32.s32 v36;
	_ =	sdelay $0x1  }
0x18d: {  	v37 =	vcvt.s32.f32 v36;
	_ =	sdelay $0x1  }
0x18e: {  	v37 =	vmul.f32 $1.000000050e-03, v37  }
0x18f: {  	v41 =	vshll.u32 v36, $0x3  }
0x190: {  	v42 =	vand.u32 $0x7F, v36;
	v57 =	vadd.s32 $0x1, v36;
	v35 =	vsub.f32 v35, v37  }
0x191: {  	v61 =	vadd.s32 $0x2, v36;
	v36 =	vadd.s32 $0x3, v36;
	v41 =	vand.u32 $0xFFFFFC00, v41  }
0x192: {  	v43 =	vshll.u32 v57, $0x3;
	v45 =	vshll.u32 v61, $0x3;
	v37 =	vadd.f32 $3.000000030e-03, v35  }
0x193: {  	v62 =	vshll.u32 v36, $0x3;
	v36 =	vand.u32 $0x7F, v36;
	v55 =	vor.u32 v42, v41  }
0x194: {  	v42 =	vand.u32 $0x7F, v57;
	v39 =	vadd.f32 $2.000000090e-03, v35;
	v38 =	vmul.f32 v37, v19  }
0x195: {  	v43 =	vand.u32 $0xFFFFFC00, v43;
	v56 =	vadd.f32 $1.000000050e-03, v35;
	v35 =	vadd.f32 $0.0e+00, v35  }
0x196: {  	v45 =	vand.u32 $0xFFFFFC00, v45;
	v40 =	vmul.f32 v39, v21;
	v38 =	vadd.f32 v38, v20  }
0x197: {  	v42 =	vor.u32 v42, v43;
	v44 =	vmul.f32 v56, v25;
	v59 =	vmul.f32 v35, v27  }
0x198: {  	v60 =	vadd.s32 v18, v42;
	v40 =	vadd.f32 v40, v23;
	v38 =	vmul.f32 v38, v37  }
0x199: {  	v42 =	vand.u32 $0x7F, v61;
	v58 =	vadd.f32 v44, v26;
	v44 =	vadd.f32 v59, v28  }
0x19a: {  	v42 =	vor.u32 v42, v45;
	v40 =	vmul.f32 v40, v39;
	v38 =	vadd.f32 v38, v22  }
0x19b: {  	v45 =	vand.u32 $0xFFFFFC00, v62;
	v43 =	vmul.f32 v58, v56;
	v44 =	vmul.f32 v44, v35  }
0x19c: {  	v40 =	vadd.f32 v40, v24;
	v37 =	vmul.f32 v38, v37;
	v38 =	vadd.s32 v18, v55  }
0x19d: {  	v36 =	vor.u32 v36, v45;
	v43 =	vadd.f32 v43, v29  }
0x19e: {  	v42 =	vadd.s32 v18, v42;
	v44 =	vadd.f32 v44, v30;
	v39 =	vmul.f32 v40, v39  }
0x19f: {  	v36 =	vadd.s32 v18, v36;
	v41 =	vmul.f32 v43, v56;
	v37 =	vadd.f32 v37, v31  }
0x1a0: {  	v35 =	vmul.f32 v44, v35;
	v39 =	vadd.f32 v39, v32  }
0x1a1: {  	v63 =	vadd.f32 v41, v33;
	[tilespmem:v38+s18+$0x0] =	vst.idx.msk $0xffff, v37  }
0x1a2: {  	v35 =	vadd.f32 v35, v34;
	[tilespmem:v60+s18+$0x0] =	vst.idx.msk $0xffff, v39  }
0x1a3: {  	[tilespmem:v42+s18+$0x0] =	vst.idx.msk $0xffff, v63  }
0x1a4: {  	s22 =	simm.s32 $0x0;
	s23 =	simm.s32 $0x40;
	[tilespmem:v36+s18+$0x0] =	vst.idx.msk $0xffff, v35  }
0x1a5: {  	[hbm4b:s8+s22] =	stream.linear.scatter [tilespmem:s18], [sflag:$0x4], $0x4000, $0x38;
	[tilespmem:$0x10280] =	vst v63  }
.LBB2_10:
0x1a6: {  	_ =	swait.ge [sflag:s13], $0x4000  }
0x1a7: {  	[sflag:s13] =	ssyncset.done $0x0  }
0x1a8: {  	[sflag:s13] =	ssyncadd.s32 $0xFFFFC000  }
0x1a9: {  	v35 =	vld [tilespmem:s23+$0xFFFFFFC0];
	_ =	sdelay $0x4  }
0x1aa: {  	v35 =	vmul.f32 v35, v15;
	_ =	sdelay $0x1  }
0x1ab: {  	v35 =	vtrunc.f32 v35  }
0x1ac: {  	v35 =	vcvt.f32.s32 v35;
	_ =	sdelay $0x1  }
0x1ad: {  	v36 =	vshll.u32 v35, $0x3;
	v37 =	vadd.s32 $0x1, v35  }
0x1ae: {  	v38 =	vand.u32 $0x7F, v35;
	v42 =	vadd.s32 $0x2, v35;
	v35 =	vadd.s32 $0x3, v35  }
0x1af: {  	v36 =	vand.u32 $0xFFFFFC00, v36;
	v39 =	vshll.u32 v37, $0x3;
	v37 =	vand.u32 $0x7F, v37  }
0x1b0: {  	v43 =	vshll.u32 v42, $0x3;
	v40 =	vshll.u32 v35, $0x3;
	v35 =	vand.u32 $0x7F, v35  }
0x1b1: {  	v36 =	vor.u32 v38, v36;
	v41 =	vand.u32 $0xFFFFFC00, v39;
	v38 =	vand.u32 $0x7F, v42  }
0x1b2: {  	v39 =	vand.u32 $0xFFFFFC00, v43;
	v36 =	vadd.s32 v18, v36;
	v37 =	vor.u32 v37, v41  }
0x1b3: {  	v44 =	vand.u32 $0xFFFFFC00, v40;
	v38 =	vor.u32 v38, v39;
	v37 =	vadd.s32 v18, v37  }
0x1b4: {  	v35 =	vor.u32 v35, v44;
	v38 =	vadd.s32 v18, v38  }
0x1b5: {  	v35 =	vadd.s32 v18, v35;
	_ =	sdelay $0x1  }
0x1b6: {  	[tilespmem:v36+s15+$0x0] =	vst.idx.msk $0xffff, v0  }
0x1b7: {  	[tilespmem:v37+s15+$0x0] =	vst.idx.msk $0xffff, v0  }
0x1b8: {  	[tilespmem:v38+s15+$0x0] =	vst.idx.msk $0xffff, v0  }
0x1b9: {  	[tilespmem:v35+s15+$0x0] =	vst.idx.msk $0xffff, v0  }
0x1ba: {  	v35 =	vld [tilespmem:s23+$0x0];
	_ =	sdelay $0x4  }
0x1bb: {  	v45 =	vmul.f32 v35, v15;
	_ =	sdelay $0x1  }
0x1bc: {  	v36 =	vtrunc.f32 v45  }
0x1bd: {  	v36 =	vcvt.f32.s32 v36;
	_ =	sdelay $0x1  }
0x1be: {  	v46 =	vcvt.s32.f32 v36;
	_ =	sdelay $0x1  }
0x1bf: {  	v37 =	vmul.f32 $1.000000050e-03, v46;
	_ =	sdelay $0x1  }
0x1c0: {  	v41 =	vshll.u32 v36, $0x3;
	v42 =	vand.u32 $0x7F, v36;
	v35 =	vsub.f32 v35, v37  }
0x1c1: {  	v52 =	vadd.s32 $0x1, v36;
	v56 =	vadd.s32 $0x2, v36;
	v36 =	vadd.s32 $0x3, v36  }
0x1c2: {  	v41 =	vand.u32 $0xFFFFFC00, v41;
	v43 =	vshll.u32 v52, $0x3;
	v37 =	vadd.f32 $3.000000030e-03, v35  }
0x1c3: {  	v45 =	vshll.u32 v56, $0x3;
	v57 =	vshll.u32 v36, $0x3;
	v36 =	vand.u32 $0x7F, v36  }
0x1c4: {  	v50 =	vor.u32 v42, v41;
	v48 =	vadd.f32 $2.000000090e-03, v35;
	v47 =	vmul.f32 v37, v19  }
0x1c5: {  	v42 =	vand.u32 $0x7F, v52;
	v51 =	vadd.f32 $1.000000050e-03, v35;
	v35 =	vadd.f32 $0.0e+00, v35  }
0x1c6: {  	v43 =	vand.u32 $0xFFFFFC00, v43;
	v49 =	vmul.f32 v48, v21;
	v38 =	vadd.f32 v47, v20  }
0x1c7: {  	v45 =	vand.u32 $0xFFFFFC00, v45;
	v44 =	vmul.f32 v51, v25;
	v54 =	vmul.f32 v35, v27  }
0x1c8: {  	v42 =	vor.u32 v42, v43;
	v40 =	vadd.f32 v49, v23;
	v38 =	vmul.f32 v38, v37  }
0x1c9: {  	v55 =	vadd.s32 v18, v42;
	v53 =	vadd.f32 v44, v26;
	v44 =	vadd.f32 v54, v28  }
0x1ca: {  	v42 =	vand.u32 $0x7F, v56;
	v40 =	vmul.f32 v40, v48;
	v38 =	vadd.f32 v38, v22  }
0x1cb: {  	v42 =	vor.u32 v42, v45;
	v43 =	vmul.f32 v53, v51;
	v44 =	vmul.f32 v44, v35  }
0x1cc: {  	v40 =	vadd.f32 v40, v24;
	v37 =	vmul.f32 v38, v37;
	v38 =	vadd.s32 v18, v50  }
0x1cd: {  	v45 =	vand.u32 $0xFFFFFC00, v57;
	v42 =	vadd.s32 v18, v42;
	v43 =	vadd.f32 v43, v29  }
0x1ce: {  	v36 =	vor.u32 v36, v45;
	v44 =	vadd.f32 v44, v30;
	v39 =	vmul.f32 v40, v48  }
0x1cf: {  	v36 =	vadd.s32 v18, v36;
	v41 =	vmul.f32 v43, v51;
	v37 =	vadd.f32 v37, v31  }
0x1d0: {  	v35 =	vmul.f32 v44, v35;
	v39 =	vadd.f32 v39, v32  }
0x1d1: {  	v58 =	vadd.f32 v41, v33;
	[tilespmem:v38+s15+$0x0] =	vst.idx.msk $0xffff, v37  }
0x1d2: {  	v35 =	vadd.f32 v35, v34;
	[tilespmem:v55+s15+$0x0] =	vst.idx.msk $0xffff, v39  }
0x1d3: {  	s24 =	sadd.s32 s22, s10;
	[tilespmem:v42+s15+$0x0] =	vst.idx.msk $0xffff, v58  }
0x1d4: {  	s25 =	sadd.s32 $0x2000, s24;
	[tilespmem:v36+s15+$0x0] =	vst.idx.msk $0xffff, v35  }
0x1d5: {  	[hbm4b:s25+s1] =	stream.linear.scatter [tilespmem:s15], [sflag:$0x1], $0x4000, $0x38;
	[tilespmem:$0x10280] =	vst v63  }
0x1d6: {  	_ =	swait.ge [sflag:s14], $0x4000  }
0x1d7: {  	[sflag:s14] =	ssyncset.done $0x0  }
0x1d8: {  	[sflag:s14] =	ssyncadd.s32 $0xFFFFC000  }
0x1d9: {  	v59 =	vld [tilespmem:s23+$0xFFFFFFD0];
	_ =	sdelay $0x4  }
0x1da: {  	v35 =	vmul.f32 v59, v15;
	_ =	sdelay $0x1  }
0x1db: {  	v35 =	vtrunc.f32 v35  }
0x1dc: {  	v35 =	vcvt.f32.s32 v35;
	_ =	sdelay $0x1  }
0x1dd: {  	v60 =	vshll.u32 v35, $0x3;
	v61 =	vadd.s32 $0x1, v35  }
0x1de: {  	v62 =	vand.u32 $0x7F, v35;
	v42 =	vadd.s32 $0x2, v35;
	v35 =	vadd.s32 $0x3, v35  }
0x1df: {  	v36 =	vand.u32 $0xFFFFFC00, v60;
	v63 =	vshll.u32 v61, $0x3;
	v37 =	vand.u32 $0x7F, v61  }
0x1e0: {  	v43 =	vshll.u32 v42, $0x3;
	v38 =	vand.u32 $0x7F, v42;
	v44 =	vshll.u32 v35, $0x3  }
0x1e1: {  	v35 =	vand.u32 $0x7F, v35;
	v36 =	vor.u32 v62, v36;
	v41 =	vand.u32 $0xFFFFFC00, v63  }
0x1e2: {  	v39 =	vand.u32 $0xFFFFFC00, v43;
	v36 =	vadd.s32 v18, v36;
	v37 =	vor.u32 v37, v41  }
0x1e3: {  	v45 =	vand.u32 $0xFFFFFC00, v44;
	v38 =	vor.u32 v38, v39;
	v37 =	vadd.s32 v18, v37  }
0x1e4: {  	v35 =	vor.u32 v35, v45;
	v38 =	vadd.s32 v18, v38  }
0x1e5: {  	v35 =	vadd.s32 v18, v35;
	_ =	sdelay $0x1  }
0x1e6: {  	[tilespmem:v36+s16+$0x0] =	vst.idx.msk $0xffff, v0  }
0x1e7: {  	[tilespmem:v37+s16+$0x0] =	vst.idx.msk $0xffff, v0  }
0x1e8: {  	[tilespmem:v38+s16+$0x0] =	vst.idx.msk $0xffff, v0  }
0x1e9: {  	[tilespmem:v35+s16+$0x0] =	vst.idx.msk $0xffff, v0  }
0x1ea: {  	v35 =	vld [tilespmem:s23+$0x10];
	_ =	sdelay $0x4  }
0x1eb: {  	v46 =	vmul.f32 v35, v15;
	_ =	sdelay $0x1  }
0x1ec: {  	v36 =	vtrunc.f32 v46  }
0x1ed: {  	v36 =	vcvt.f32.s32 v36;
	_ =	sdelay $0x1  }
0x1ee: {  	v47 =	vcvt.s32.f32 v36;
	_ =	sdelay $0x1  }
0x1ef: {  	v37 =	vmul.f32 $1.000000050e-03, v47;
	_ =	sdelay $0x1  }
0x1f0: {  	v51 =	vshll.u32 v36, $0x3;
	v52 =	vand.u32 $0x7F, v36;
	v35 =	vsub.f32 v35, v37  }
0x1f1: {  	v55 =	vadd.s32 $0x1, v36;
	v61 =	vadd.s32 $0x2, v36;
	v36 =	vadd.s32 $0x3, v36  }
0x1f2: {  	v41 =	vand.u32 $0xFFFFFC00, v51;
	v56 =	vshll.u32 v55, $0x3;
	v37 =	vadd.f32 $3.000000030e-03, v35  }
0x1f3: {  	v42 =	vand.u32 $0x7F, v55;
	v62 =	vshll.u32 v61, $0x3;
	v63 =	vshll.u32 v36, $0x3  }
0x1f4: {  	v36 =	vand.u32 $0x7F, v36;
	v49 =	vadd.f32 $2.000000090e-03, v35;
	v48 =	vmul.f32 v37, v19  }
0x1f5: {  	v53 =	vor.u32 v52, v41;
	v54 =	vadd.f32 $1.000000050e-03, v35;
	v35 =	vadd.f32 $0.0e+00, v35  }
0x1f6: {  	v43 =	vand.u32 $0xFFFFFC00, v56;
	v50 =	vmul.f32 v49, v21;
	v38 =	vadd.f32 v48, v20  }
0x1f7: {  	v45 =	vand.u32 $0xFFFFFC00, v62;
	v57 =	vmul.f32 v54, v25;
	v59 =	vmul.f32 v35, v27  }
0x1f8: {  	v42 =	vor.u32 v42, v43;
	v40 =	vadd.f32 v50, v23;
	v38 =	vmul.f32 v38, v37  }
0x1f9: {  	v60 =	vadd.s32 v18, v42;
	v58 =	vadd.f32 v57, v26;
	v44 =	vadd.f32 v59, v28  }
0x1fa: {  	v42 =	vand.u32 $0x7F, v61;
	v40 =	vmul.f32 v40, v49;
	v38 =	vadd.f32 v38, v22  }
0x1fb: {  	v42 =	vor.u32 v42, v45;
	v43 =	vmul.f32 v58, v54;
	v44 =	vmul.f32 v44, v35  }
0x1fc: {  	v40 =	vadd.f32 v40, v24;
	v37 =	vmul.f32 v38, v37;
	v38 =	vadd.s32 v18, v53  }
0x1fd: {  	v45 =	vand.u32 $0xFFFFFC00, v63;
	v42 =	vadd.s32 v18, v42;
	v43 =	vadd.f32 v43, v29  }
0x1fe: {  	v36 =	vor.u32 v36, v45;
	v44 =	vadd.f32 v44, v30;
	v39 =	vmul.f32 v40, v49  }
0x1ff: {  	v36 =	vadd.s32 v18, v36;
	v41 =	vmul.f32 v43, v54;
	v37 =	vadd.f32 v37, v31  }
0x200: {  	v35 =	vmul.f32 v44, v35;
	v39 =	vadd.f32 v39, v32  }
0x201: {  	v41 =	vadd.f32 v41, v33;
	[tilespmem:v38+s16+$0x0] =	vst.idx.msk $0xffff, v37  }
0x202: {  	v35 =	vadd.f32 v35, v34;
	[tilespmem:v60+s16+$0x0] =	vst.idx.msk $0xffff, v39  }
0x203: {  	[tilespmem:v42+s16+$0x0] =	vst.idx.msk $0xffff, v41  }
0x204: {  	s30 =	sadd.s32 $0x2800, s24;
	[tilespmem:v36+s16+$0x0] =	vst.idx.msk $0xffff, v35  }
0x205: {  	[hbm4b:s30+s1] =	stream.linear.scatter [tilespmem:s16], [sflag:$0x2], $0x4000, $0x38;
	[tilespmem:$0x10280] =	vst v63  }
0x206: {  	_ =	swait.ge [sflag:s19], $0x4000  }
0x207: {  	[sflag:s19] =	ssyncset.done $0x0  }
0x208: {  	[sflag:s19] =	ssyncadd.s32 $0xFFFFC000  }
0x209: {  	v42 =	vld [tilespmem:s23+$0xFFFFFFE0];
	_ =	sdelay $0x4  }
0x20a: {  	v35 =	vmul.f32 v42, v15;
	_ =	sdelay $0x1  }
0x20b: {  	v35 =	vtrunc.f32 v35  }
0x20c: {  	v35 =	vcvt.f32.s32 v35;
	_ =	sdelay $0x1  }
0x20d: {  	v43 =	vshll.u32 v35, $0x3;
	v44 =	vadd.s32 $0x1, v35  }
0x20e: {  	v45 =	vand.u32 $0x7F, v35;
	v48 =	vadd.s32 $0x2, v35;
	v35 =	vadd.s32 $0x3, v35  }
0x20f: {  	v36 =	vand.u32 $0xFFFFFC00, v43;
	v46 =	vshll.u32 v44, $0x3;
	v37 =	vand.u32 $0x7F, v44  }
0x210: {  	v49 =	vshll.u32 v48, $0x3;
	v38 =	vand.u32 $0x7F, v48;
	v50 =	vshll.u32 v35, $0x3  }
0x211: {  	v35 =	vand.u32 $0x7F, v35;
	v36 =	vor.u32 v45, v36;
	v47 =	vand.u32 $0xFFFFFC00, v46  }
0x212: {  	v39 =	vand.u32 $0xFFFFFC00, v49;
	v36 =	vadd.s32 v18, v36;
	v37 =	vor.u32 v37, v47  }
0x213: {  	v51 =	vand.u32 $0xFFFFFC00, v50;
	v38 =	vor.u32 v38, v39;
	v37 =	vadd.s32 v18, v37  }
0x214: {  	v35 =	vor.u32 v35, v51;
	v38 =	vadd.s32 v18, v38  }
0x215: {  	v35 =	vadd.s32 v18, v35;
	_ =	sdelay $0x1  }
0x216: {  	[tilespmem:v36+s17+$0x0] =	vst.idx.msk $0xffff, v0  }
0x217: {  	[tilespmem:v37+s17+$0x0] =	vst.idx.msk $0xffff, v0  }
0x218: {  	[tilespmem:v38+s17+$0x0] =	vst.idx.msk $0xffff, v0  }
0x219: {  	[tilespmem:v35+s17+$0x0] =	vst.idx.msk $0xffff, v0  }
0x21a: {  	v35 =	vld [tilespmem:s23+$0x20];
	_ =	sdelay $0x4  }
0x21b: {  	v52 =	vmul.f32 v35, v15;
	_ =	sdelay $0x1  }
0x21c: {  	v36 =	vtrunc.f32 v52  }
0x21d: {  	v36 =	vcvt.f32.s32 v36;
	_ =	sdelay $0x1  }
0x21e: {  	v53 =	vcvt.s32.f32 v36;
	_ =	sdelay $0x1  }
0x21f: {  	v37 =	vmul.f32 $1.000000050e-03, v53;
	_ =	sdelay $0x1  }
0x220: {  	v57 =	vshll.u32 v36, $0x3;
	v58 =	vand.u32 $0x7F, v36;
	v35 =	vsub.f32 v35, v37  }
0x221: {  	v61 =	vadd.s32 $0x1, v36;
	v51 =	vadd.s32 $0x2, v36;
	v36 =	vadd.s32 $0x3, v36  }
0x222: {  	v41 =	vand.u32 $0xFFFFFC00, v57;
	v62 =	vshll.u32 v61, $0x3;
	v37 =	vadd.f32 $3.000000030e-03, v35  }
0x223: {  	v42 =	vand.u32 $0x7F, v61;
	v52 =	vshll.u32 v51, $0x3;
	v59 =	vor.u32 v58, v41  }
0x224: {  	v43 =	vand.u32 $0xFFFFFC00, v62;
	v55 =	vadd.f32 $2.000000090e-03, v35;
	v54 =	vmul.f32 v37, v19  }
0x225: {  	v45 =	vand.u32 $0xFFFFFC00, v52;
	v60 =	vadd.f32 $1.000000050e-03, v35;
	v35 =	vadd.f32 $0.0e+00, v35  }
0x226: {  	v53 =	vshll.u32 v36, $0x3;
	v56 =	vmul.f32 v55, v21;
	v38 =	vadd.f32 v54, v20  }
0x227: {  	v36 =	vand.u32 $0x7F, v36;
	v63 =	vmul.f32 v60, v25;
	v49 =	vmul.f32 v35, v27  }
0x228: {  	v42 =	vor.u32 v42, v43;
	v40 =	vadd.f32 v56, v23;
	v38 =	vmul.f32 v38, v37  }
0x229: {  	v50 =	vadd.s32 v18, v42;
	v48 =	vadd.f32 v63, v26;
	v44 =	vadd.f32 v49, v28  }
0x22a: {  	v42 =	vand.u32 $0x7F, v51;
	v40 =	vmul.f32 v40, v55;
	v38 =	vadd.f32 v38, v22  }
0x22b: {  	v42 =	vor.u32 v42, v45;
	v43 =	vmul.f32 v48, v60;
	v44 =	vmul.f32 v44, v35  }
0x22c: {  	v40 =	vadd.f32 v40, v24;
	v37 =	vmul.f32 v38, v37;
	v38 =	vadd.s32 v18, v59  }
0x22d: {  	v45 =	vand.u32 $0xFFFFFC00, v53;
	v42 =	vadd.s32 v18, v42;
	v43 =	vadd.f32 v43, v29  }
0x22e: {  	v36 =	vor.u32 v36, v45;
	v44 =	vadd.f32 v44, v30;
	v39 =	vmul.f32 v40, v55  }
0x22f: {  	v36 =	vadd.s32 v18, v36;
	v41 =	vmul.f32 v43, v60;
	v37 =	vadd.f32 v37, v31  }
0x230: {  	v35 =	vmul.f32 v44, v35;
	v39 =	vadd.f32 v39, v32  }
0x231: {  	v54 =	vadd.f32 v41, v33;
	[tilespmem:v38+s17+$0x0] =	vst.idx.msk $0xffff, v37  }
0x232: {  	v35 =	vadd.f32 v35, v34;
	[tilespmem:v50+s17+$0x0] =	vst.idx.msk $0xffff, v39  }
0x233: {  	[tilespmem:v42+s17+$0x0] =	vst.idx.msk $0xffff, v54  }
0x234: {  	s31 =	sadd.s32 $0x3000, s24;
	[tilespmem:v36+s17+$0x0] =	vst.idx.msk $0xffff, v35  }
0x235: {  	[hbm4b:s31+s1] =	stream.linear.scatter [tilespmem:s17], [sflag:$0x3], $0x4000, $0x38;
	[tilespmem:$0x10280] =	vst v63  }
0x236: {  	_ =	swait.ge [sflag:s20], $0x4000  }
0x237: {  	[sflag:s20] =	ssyncset.done $0x0  }
0x238: {  	[sflag:s20] =	ssyncadd.s32 $0xFFFFC000  }
0x239: {  	v55 =	vld [tilespmem:s23+$0xFFFFFFF0];
	_ =	sdelay $0x4  }
0x23a: {  	v35 =	vmul.f32 v55, v15;
	_ =	sdelay $0x1  }
0x23b: {  	v35 =	vtrunc.f32 v35  }
0x23c: {  	v35 =	vcvt.f32.s32 v35;
	_ =	sdelay $0x1  }
0x23d: {  	v56 =	vshll.u32 v35, $0x3;
	v57 =	vadd.s32 $0x1, v35  }
0x23e: {  	v58 =	vand.u32 $0x7F, v35;
	v61 =	vadd.s32 $0x2, v35;
	v35 =	vadd.s32 $0x3, v35  }
0x23f: {  	v36 =	vand.u32 $0xFFFFFC00, v56;
	v59 =	vshll.u32 v57, $0x3;
	v37 =	vand.u32 $0x7F, v57  }
0x240: {  	v62 =	vshll.u32 v61, $0x3;
	v38 =	vand.u32 $0x7F, v61;
	v63 =	vshll.u32 v35, $0x3  }
0x241: {  	v35 =	vand.u32 $0x7F, v35;
	v36 =	vor.u32 v58, v36;
	v60 =	vand.u32 $0xFFFFFC00, v59  }
0x242: {  	v39 =	vand.u32 $0xFFFFFC00, v62;
	v36 =	vadd.s32 v18, v36;
	v37 =	vor.u32 v37, v60  }
0x243: {  	v44 =	vand.u32 $0xFFFFFC00, v63;
	v38 =	vor.u32 v38, v39;
	v37 =	vadd.s32 v18, v37  }
0x244: {  	v35 =	vor.u32 v35, v44;
	v38 =	vadd.s32 v18, v38  }
0x245: {  	v35 =	vadd.s32 v18, v35;
	_ =	sdelay $0x1  }
0x246: {  	[tilespmem:v36+s18+$0x0] =	vst.idx.msk $0xffff, v0  }
0x247: {  	[tilespmem:v37+s18+$0x0] =	vst.idx.msk $0xffff, v0  }
0x248: {  	[tilespmem:v38+s18+$0x0] =	vst.idx.msk $0xffff, v0  }
0x249: {  	[tilespmem:v35+s18+$0x0] =	vst.idx.msk $0xffff, v0  }
0x24a: {  	v35 =	vld [tilespmem:s23+$0x30];
	_ =	sdelay $0x4  }
0x24b: {  	v45 =	vmul.f32 v35, v15;
	_ =	sdelay $0x1  }
0x24c: {  	v36 =	vtrunc.f32 v45  }
0x24d: {  	v36 =	vcvt.f32.s32 v36;
	_ =	sdelay $0x1  }
0x24e: {  	v46 =	vcvt.s32.f32 v36;
	_ =	sdelay $0x1  }
0x24f: {  	v37 =	vmul.f32 $1.000000050e-03, v46  }
0x250: {  	v50 =	vshll.u32 v36, $0x3  }
0x251: {  	v51 =	vand.u32 $0x7F, v36;
	v54 =	vadd.s32 $0x1, v36;
	v35 =	vsub.f32 v35, v37  }
0x252: {  	v60 =	vadd.s32 $0x2, v36;
	v36 =	vadd.s32 $0x3, v36;
	v41 =	vand.u32 $0xFFFFFC00, v50  }
0x253: {  	v55 =	vshll.u32 v54, $0x3;
	v42 =	vand.u32 $0x7F, v54;
	v37 =	vadd.f32 $3.000000030e-03, v35  }
0x254: {  	v61 =	vshll.u32 v60, $0x3;
	v62 =	vshll.u32 v36, $0x3;
	v36 =	vand.u32 $0x7F, v36  }
0x255: {  	v52 =	vor.u32 v51, v41;
	v48 =	vadd.f32 $2.000000090e-03, v35;
	v47 =	vmul.f32 v37, v19  }
0x256: {  	v43 =	vand.u32 $0xFFFFFC00, v55;
	v53 =	vadd.f32 $1.000000050e-03, v35;
	v35 =	vadd.f32 $0.0e+00, v35  }
0x257: {  	v45 =	vand.u32 $0xFFFFFC00, v61;
	v49 =	vmul.f32 v48, v21;
	v38 =	vadd.f32 v47, v20  }
0x258: {  	v42 =	vor.u32 v42, v43;
	v56 =	vmul.f32 v53, v25;
	v58 =	vmul.f32 v35, v27  }
0x259: {  	v59 =	vadd.s32 v18, v42;
	v40 =	vadd.f32 v49, v23;
	v38 =	vmul.f32 v38, v37  }
0x25a: {  	v42 =	vand.u32 $0x7F, v60;
	v57 =	vadd.f32 v56, v26;
	v44 =	vadd.f32 v58, v28  }
0x25b: {  	v42 =	vor.u32 v42, v45;
	v40 =	vmul.f32 v40, v48;
	v38 =	vadd.f32 v38, v22  }
0x25c: {  	v45 =	vand.u32 $0xFFFFFC00, v62;
	v43 =	vmul.f32 v57, v53;
	v44 =	vmul.f32 v44, v35  }
0x25d: {  	v40 =	vadd.f32 v40, v24;
	v37 =	vmul.f32 v38, v37;
	v38 =	vadd.s32 v18, v52  }
0x25e: {  	v36 =	vor.u32 v36, v45;
	v43 =	vadd.f32 v43, v29  }
0x25f: {  	v42 =	vadd.s32 v18, v42;
	v44 =	vadd.f32 v44, v30;
	v39 =	vmul.f32 v40, v48  }
0x260: {  	v36 =	vadd.s32 v18, v36;
	v41 =	vmul.f32 v43, v53;
	v37 =	vadd.f32 v37, v31  }
0x261: {  	p0 =	sne.s32 s22, $0xC000;
	v35 =	vmul.f32 v44, v35;
	v39 =	vadd.f32 v39, v32  }
.Ltmp4:
0x262: {  	v63 =	vadd.f32 v41, v33;
	[tilespmem:v38+s18+$0x0] =	vst.idx.msk $0xffff, v37;
	(pc) =	sbr.rel @p0 .LBB2_10-.Ltmp4, $4  }
0x263: {  	v35 =	vadd.f32 v35, v34;
	[tilespmem:v59+s18+$0x0] =	vst.idx.msk $0xffff, v39  }
0x264: {  	[tilespmem:v42+s18+$0x0] =	vst.idx.msk $0xffff, v63  }
0x265: {  	s22 =	sadd.s32 $0x2000, s22;
	s24 =	sadd.s32 $0x3800, s24;
	s23 =	sadd.s32 $0x40, s23;
	[tilespmem:v36+s18+$0x0] =	vst.idx.msk $0xffff, v35  }
0x266: {  	[hbm4b:s24+s1] =	stream.linear.scatter [tilespmem:s18], [sflag:$0x4], $0x4000, $0x38;
	[tilespmem:$0x10280] =	vst v63  }
0x267: {  	_ =	swait.ge [sflag:s13], $0x4000  }
0x268: {  	[sflag:s13] =	ssyncset.done $0x0  }
0x269: {  	[sflag:s13] =	ssyncadd.s32 $0xFFFFC000  }
0x26a: {  	_ =	swait.ge [sflag:s14], $0x4000  }
0x26b: {  	[sflag:s14] =	ssyncset.done $0x0  }
0x26c: {  	s21 =	sadd.s32 $0x1, s21;
	[sflag:s14] =	ssyncadd.s32 $0xFFFFC000  }
0x26d: {  	p0 =	sne.s32 s21, s9;
	_ =	swait.ge [sflag:s19], $0x4000  }
.Ltmp5:
0x26e: {  	[sflag:s19] =	ssyncset.done $0x0;
	(pc) =	sbr.rel @p0 .LBB2_1-.Ltmp5, $4  }
0x26f: {  	[sflag:s19] =	ssyncadd.s32 $0xFFFFC000  }
0x270: {  	_ =	swait.ge [sflag:s20], $0x4000  }
0x271: {  	[sflag:s20] =	ssyncset.done $0x0  }
0x272: {  	[sflag:s20] =	ssyncadd.s32 $0xFFFFC000  }
0x273: {  	_ =	sfence.sel $0x180000  }
0x274: {  	[bflag:$0x0] =	sbarrier.arrive $0xFFFF  }
0x275: {  	p0 =	sne.s32 s2, $0x0;
	_ =	strace $0x90000047  }
0x276: {  	s0 =	sadd.s32 @!p0 $0x100000, s0;
	[bflag:$0x2] =	sbarrier.arrive $0xFFFF  }
0x277: {  	[sflag:s0] =	ssyncadd.tile.s32 @!p0 $0x1;
	_ =	shalt  }
.Lfunc_end2:
_tile_overlayer_lowered:
.L_overlay_start_2:
0x278: {  	(tag) =	ssettag $0x2  }
0x279: {  	s0 =	rddreg [dreg:$0x0];
	s2 =	stileid.u32  }
0x27a: {  	s1 =	rddreg [dreg:$0x1];
	p0 =	sne.s32 s2, $0x0  }
0x27b: {  	s3 =	rddreg [dreg:$0x2];
	[bflag:$0x3] =	sbarrier.arrive $0xFFFF;
	s2 =	simm.s32 @!p0 $0x1C05  }
0x27c: {  	[timem:s3], [sflag:s2] =	dma.local @!p0 [hbm:s0], s1  }
0x27d: {  	s0 =	simm.s32 @!p0 $0x5  }
0x27e: {  	_ =	swait.ge @!p0 [sflag:s0], s1  }
0x27f: {  	s1 =	ssub.s32 @!p0 $0x0, s1;
	[sflag:s0] =	ssyncset.done @!p0 $0x0  }
0x280: {  	[sflag:s0] =	ssyncadd.s32 @!p0 s1  }
0x281: {  	[bflag:$0x3] =	sbarrier.arrive $0xFFFF  }
0x282: {  	_ =	shalt  }

</sc_bundles>
